<compile_context>
chip_gen: v7x
topology: tpu7x:2x2x1
jax: 0.10.2.dev20260603
libtpu: 0.0.44.dev20260713+nightly
codegen_flags: <defaults>
</compile_context>

<pallas_src>
import jax
import jax.numpy as jnp
from jax import lax
from jax.experimental import pallas as pl
from jax.experimental.pallas import tpu as pltpu
from jax.experimental.pallas import tpu_sc as plsc

_MAX_Z = 100
_DISTANCE_SCALE = 1e-10 * 18897300000.0
_ENERGY_SCALE = 1.602176634e-19
_CUTOFF2_RAW = (10.0 / _DISTANCE_SCALE) ** 2
_OUT_SCALE = 2.30707755e-19 / _ENERGY_SCALE / _DISTANCE_SCALE

_N = 10000
_NP = _N + 64
_NC = 2
_NS = 16
_NW = _NC * _NS
_L = 16


def _zbl_body(px_hbm, py_hbm, pz_hbm, re_hbm, av_hbm, out_hbm,
              px_v, py_v, pz_v, re_v, av_v, acc_v):
    cid = lax.axis_index("c")
    sid = lax.axis_index("s")
    wid = sid * _NC + cid

    pltpu.sync_copy(px_hbm, px_v.at[pl.ds(0, _N)])
    pltpu.sync_copy(py_hbm, py_v.at[pl.ds(0, _N)])
    pltpu.sync_copy(pz_hbm, pz_v.at[pl.ds(0, _N)])
    pltpu.sync_copy(re_hbm, re_v.at[pl.ds(0, _N)])
    pltpu.sync_copy(av_hbm, av_v.at[pl.ds(0, _N)])

    iota = lax.iota(jnp.int32, _L)
    zero = jnp.zeros((_L,), jnp.float32)

    def pair_terms(jv, colx, coly, colz, colav, i, e, xiv, yiv, ziv, avv):
        dx = xiv - colx
        dy = yiv - coly
        dz = ziv - colz
        d2 = dx * dx + dy * dy + dz * dz
        msk = (jv > i) & (jv < e) & (d2 <= jnp.float32(_CUTOFF2_RAW))
        seed = (jnp.int32(0x5F3759DF)
                - (lax.bitcast_convert_type(d2, jnp.int32) >> 1))
        y = lax.bitcast_convert_type(seed, jnp.float32)
        h = jnp.float32(-0.5) * d2
        for _ in range(2):
            y = y * (jnp.float32(1.5) + h * y * y)
        dist = d2 * y
        ti = dist * avv
        tj = dist * colav
        ea = jnp.exp(jnp.float32(-3.2) * ti) + jnp.exp(jnp.float32(-3.2) * tj)
        eb = (jnp.exp(jnp.float32(-0.9423) * ti)
              + jnp.exp(jnp.float32(-0.9423) * tj))
        ec = (jnp.exp(jnp.float32(-0.4029) * ti)
              + jnp.exp(jnp.float32(-0.4029) * tj))
        ed = (jnp.exp(jnp.float32(-0.2016) * ti)
              + jnp.exp(jnp.float32(-0.2016) * tj))
        fsum = (jnp.float32(0.1818) * ea + jnp.float32(0.5099) * eb
                + jnp.float32(0.2802) * ec + jnp.float32(0.02817) * ed)
        return jnp.where(msk, fsum * y, jnp.float32(0.0))

    _R = 4
    nquads = ((_N // _R - 1 - wid) >> 5) + 1

    def row_body(k, accs):
        i0 = (wid + (k << 5)) << 2
        ev = re_v[pl.ds(i0, _L)]
        avv4 = av_v[pl.ds(i0, _L)]
        xv = px_v[pl.ds(i0, _L)]
        yv = py_v[pl.ds(i0, _L)]
        zv = pz_v[pl.ds(i0, _L)]
        es = [ev[r] for r in range(_R)]
        emax = jnp.maximum(jnp.maximum(es[0], es[1]),
                           jnp.maximum(es[2], es[3]))
        c0 = ((i0 + 1) >> 4) << 4
        nch = (emax - c0 + _L - 1) >> 4
        xs = [xv[r] + zero for r in range(_R)]
        ys = [yv[r] + zero for r in range(_R)]
        zs = [zv[r] + zero for r in range(_R)]
        avs = [avv4[r] + zero for r in range(_R)]

        def chunk_body(q, accs_in):
            c = c0 + q * _L
            jv = c + iota
            colx = px_v[pl.ds(c, _L)]
            coly = py_v[pl.ds(c, _L)]
            colz = pz_v[pl.ds(c, _L)]
            colav = av_v[pl.ds(c, _L)]
            return tuple(
                a + pair_terms(jv, colx, coly, colz, colav,
                               i0 + r, es[r], xs[r], ys[r], zs[r], avs[r])
                for r, a in enumerate(accs_in))

        return lax.fori_loop(0, nch, chunk_body, accs)

    acc4 = lax.fori_loop(0, nquads, row_body, (zero,) * _R)
    acc = (acc4[0] + acc4[1]) + (acc4[2] + acc4[3])
    acc_v[...] = acc
    pltpu.sync_copy(acc_v, out_hbm.at[wid])


def kernel(x, z, pos, batch, atomic_number):
    del x
    ps = pos.astype(jnp.float32)
    px = ps[:, 0]
    py = ps[:, 1]
    pz = ps[:, 2]
    bt = batch.astype(jnp.int32)
    idx = jnp.arange(_N, dtype=jnp.int32)
    nxt = jnp.concatenate([bt[1:], jnp.full((1,), -1, jnp.int32)])
    endhere = bt != nxt
    re = -lax.cummax(jnp.where(endhere, -(idx + 1), -_N), axis=0, reverse=True)
    ainv = ((2.0 * _DISTANCE_SCALE) / 0.8854) * (
        atomic_number.astype(jnp.float32) ** 0.23)
    oh = (z.astype(jnp.int32)[:, None]
          == jnp.arange(_MAX_Z, dtype=jnp.int32)[None, :])
    av = jnp.dot(oh.astype(jnp.float32), ainv,
                 precision=lax.Precision.HIGH)

    mesh = plsc.VectorSubcoreMesh(core_axis_name="c", subcore_axis_name="s",
                                  num_cores=_NC, num_subcores=_NS)
    partials = pl.kernel(
        _zbl_body,
        out_type=jax.ShapeDtypeStruct((_NW, _L), jnp.float32),
        mesh=mesh,
        scratch_types=[
            pltpu.VMEM((_NP,), jnp.float32),
            pltpu.VMEM((_NP,), jnp.float32),
            pltpu.VMEM((_NP,), jnp.float32),
            pltpu.VMEM((_NP,), jnp.int32),
            pltpu.VMEM((_NP,), jnp.float32),
            pltpu.VMEM((_L,), jnp.float32),
        ],
    )(px, py, pz, re, av)
    return jnp.sum(partials) * jnp.float32(_OUT_SCALE)

# --- scband reference (transcript-rebuilt; emitter-appended) ---
"""Pipeline reference for scband-zbl-68994354643306 (READ-ONLY COPY).

The authoritative reference and input builder live on the scoring server;
editing this copy changes nothing except your own understanding.
"""

import jax, jax.numpy as jnp
import numpy as np

MAX_Z = 100
CUTOFF_UPPER = 10.0
DATASET_DISTANCE_SCALE = 1e-10
DATASET_ENERGY_SCALE = 1.602176634e-19
DISTANCE_SCALE = DATASET_DISTANCE_SCALE * 18897300000.0
ENERGY_SCALE = DATASET_ENERGY_SCALE


def _radius_graph(pos_scaled, batch, cutoff):
    # Eager (numpy) equivalent of torchmdnet Distance / radius_graph:
    # directed edges (both i->j and j->i), no self loops, restricted to same batch id.
    p = np.asarray(pos_scaled, dtype=np.float32)
    b = np.asarray(batch)
    n = p.shape[0]
    sq = (p * p).sum(-1)
    srcs = []
    dsts = []
    chunk = 2048
    for s in range(0, n, chunk):
        e = min(s + chunk, n)
        d2 = sq[s:e, None] + sq[None, :] - 2.0 * (p[s:e] @ p.T)
        mask = (b[s:e, None] == b[None, :]) & (d2 <= cutoff * cutoff)
        mask[np.arange(e - s), np.arange(s, e)] = False
        r, c = np.nonzero(mask)
        srcs.append(r + s)
        dsts.append(c)
    return np.stack([np.concatenate(srcs), np.concatenate(dsts)]).astype(np.int64)


def setup_inputs(seed: int = 0):
    key = jax.random.key(seed)
    k1, k2, k3, k4 = jax.random.split(key, 4)
    N = 10000
    x = jax.random.normal(k1, (N,), dtype=jnp.float32)
    z = jax.random.randint(k2, (N,), 0, MAX_Z)
    pos = jax.random.normal(k3, (N, 3), dtype=jnp.float32)
    batch = jnp.sort(jax.random.randint(k4, (N,), 0, 100))
    # buffer from dataset: atomic_number[z] maps atom type -> atomic number
    atomic_number = jnp.arange(1, MAX_Z + 1, dtype=jnp.float32)
    return {"x": x, "z": z, "pos": pos, "batch": batch, "atomic_number": atomic_number}


def reference(x, z, pos, batch, atomic_number):
    pos_scaled = pos * DISTANCE_SCALE
    p = pos_scaled
    n = p.shape[0]
    sq = jnp.sum(p * p, axis=-1)
    an_all = atomic_number[z]
    a_all = 0.8854 / (an_all ** 0.23 + an_all ** 0.23)
    cutoff2 = CUTOFF_UPPER * CUTOFF_UPPER
    total = jnp.float32(0.0)
    chunk = 500
    for s in range(0, n, chunk):
        e = min(s + chunk, n)
        pc = p[s:e]
        d2 = sq[s:e, None] + sq[None, :] - 2.0 * jnp.matmul(
            pc, p.T, precision=jax.lax.Precision.HIGHEST
        )
        mask = (batch[s:e, None] == batch[None, :]) & (d2 <= cutoff2)
        idx = jnp.arange(e - s)
        mask = mask.at[idx, idx + s].set(False)
        diff = pc[:, None, :] - p[None, :, :]
        distance = jnp.sqrt(jnp.sum(diff * diff, axis=-1))
        a = a_all[s:e][:, None]
        d = distance / a
        f = 0.1818 * jnp.exp(-3.2 * d) + 0.5099 * jnp.exp(-0.9423 * d) + 0.2802 * jnp.exp(-0.4029 * d) + 0.02817 * jnp.exp(-0.2016 * d)
        dist_safe = jnp.where(mask, distance, jnp.float32(1.0))
        total = total + jnp.sum(jnp.where(mask, f / dist_safe, jnp.float32(0.0)))
    return 2.30707755e-19 / ENERGY_SCALE * total

if __name__ == "__main__":
    import jax
    _d = setup_inputs()
    print(jax.jit(kernel)(*tuple(_d.values())))

</pallas_src>

<mosaic_0001>
#map = affine_map<(d0, d1) -> (0)>
#map1 = affine_map<(d0, d1) -> (0, 0)>
module attributes {stable_mosaic.version = 14 : i64} {
  func.func @_zbl_body(%arg0: i32, %arg1: i32, %arg2: memref<10000xf32, #tpu.memory_space<hbm>>, %arg3: memref<10000xf32, #tpu.memory_space<hbm>>, %arg4: memref<10000xf32, #tpu.memory_space<hbm>>, %arg5: memref<10000xi32, #tpu.memory_space<hbm>>, %arg6: memref<10000xf32, #tpu.memory_space<hbm>>, %arg7: memref<32x16xf32, #tpu.memory_space<hbm>>, %arg8: memref<10064xf32, #tpu.memory_space<vmem>>, %arg9: memref<10064xf32, #tpu.memory_space<vmem>>, %arg10: memref<10064xf32, #tpu.memory_space<vmem>>, %arg11: memref<10064xi32, #tpu.memory_space<vmem>>, %arg12: memref<10064xf32, #tpu.memory_space<vmem>>, %arg13: memref<16xf32, #tpu.memory_space<vmem>>) attributes {dimension_semantics = [#tpu.dimension_semantics<core_parallel>, #tpu.dimension_semantics<subcore_parallel>], iteration_bounds = array<i64: 2, 16>, scalar_prefetch = 0 : i64, scratch_operands = 6 : i64, tpu.core_type = #tpu.core_type<sc_vector_subcore>, window_params = [{transform_indices = #map}, {transform_indices = #map}, {transform_indices = #map}, {transform_indices = #map}, {transform_indices = #map}, {transform_indices = #map1}]} {
    %mul3A = arith.constant 2 : i32
    %mul3A_0 = arith.muli %arg1, %mul3A : i32
    %add3A = arith.addi %mul3A_0, %arg0 : i32
    "tpu.region"() ({
      %run_scoped3A = tpu.sem_alloc : memref<!tpu.dma_semaphore, #tpu.memory_space<semaphore_mem>>
      %dma_start3A = arith.constant 0 : i32
      %dma_start3A_22 = tpu.memref_slice %arg8[%dma_start3A] : memref<10064xf32, #tpu.memory_space<vmem>> -> memref<10000xf32, #tpu.memory_space<vmem>>
      %dma_start3A_23 = arith.constant 0 : i32
      %dma_start3A_24 = tpu.memref_slice %arg8[%dma_start3A_23] : memref<10064xf32, #tpu.memory_space<vmem>> -> memref<10000xf32, #tpu.memory_space<vmem>>
      tpu.enqueue_dma source(%arg2 : memref<10000xf32, #tpu.memory_space<hbm>>) target(%dma_start3A_24 : memref<10000xf32, #tpu.memory_space<vmem>>) target_semaphore(%run_scoped3A : memref<!tpu.dma_semaphore, #tpu.memory_space<semaphore_mem>>)
      %dma_wait3A = arith.constant 0 : i32
      %dma_wait3A_25 = tpu.memref_slice %arg8[%dma_wait3A] : memref<10064xf32, #tpu.memory_space<vmem>> -> memref<10000xf32, #tpu.memory_space<vmem>>
      %dma_wait3A_26 = arith.constant 0 : i32
      %dma_wait3A_27 = tpu.memref_slice %arg8[%dma_wait3A_26] : memref<10064xf32, #tpu.memory_space<vmem>> -> memref<10000xf32, #tpu.memory_space<vmem>>
      tpu.wait_dma2 semaphore(%run_scoped3A : memref<!tpu.dma_semaphore, #tpu.memory_space<semaphore_mem>>) src(%arg2 : memref<10000xf32, #tpu.memory_space<hbm>>) dst(%dma_wait3A_27 : memref<10000xf32, #tpu.memory_space<vmem>>)
      tpu.yield
    }) : () -> ()
    "tpu.region"() ({
      %run_scoped3A = tpu.sem_alloc : memref<!tpu.dma_semaphore, #tpu.memory_space<semaphore_mem>>
      %dma_start3A = arith.constant 0 : i32
      %dma_start3A_22 = tpu.memref_slice %arg9[%dma_start3A] : memref<10064xf32, #tpu.memory_space<vmem>> -> memref<10000xf32, #tpu.memory_space<vmem>>
      %dma_start3A_23 = arith.constant 0 : i32
      %dma_start3A_24 = tpu.memref_slice %arg9[%dma_start3A_23] : memref<10064xf32, #tpu.memory_space<vmem>> -> memref<10000xf32, #tpu.memory_space<vmem>>
      tpu.enqueue_dma source(%arg3 : memref<10000xf32, #tpu.memory_space<hbm>>) target(%dma_start3A_24 : memref<10000xf32, #tpu.memory_space<vmem>>) target_semaphore(%run_scoped3A : memref<!tpu.dma_semaphore, #tpu.memory_space<semaphore_mem>>)
      %dma_wait3A = arith.constant 0 : i32
      %dma_wait3A_25 = tpu.memref_slice %arg9[%dma_wait3A] : memref<10064xf32, #tpu.memory_space<vmem>> -> memref<10000xf32, #tpu.memory_space<vmem>>
      %dma_wait3A_26 = arith.constant 0 : i32
      %dma_wait3A_27 = tpu.memref_slice %arg9[%dma_wait3A_26] : memref<10064xf32, #tpu.memory_space<vmem>> -> memref<10000xf32, #tpu.memory_space<vmem>>
      tpu.wait_dma2 semaphore(%run_scoped3A : memref<!tpu.dma_semaphore, #tpu.memory_space<semaphore_mem>>) src(%arg3 : memref<10000xf32, #tpu.memory_space<hbm>>) dst(%dma_wait3A_27 : memref<10000xf32, #tpu.memory_space<vmem>>)
      tpu.yield
    }) : () -> ()
    "tpu.region"() ({
      %run_scoped3A = tpu.sem_alloc : memref<!tpu.dma_semaphore, #tpu.memory_space<semaphore_mem>>
      %dma_start3A = arith.constant 0 : i32
      %dma_start3A_22 = tpu.memref_slice %arg10[%dma_start3A] : memref<10064xf32, #tpu.memory_space<vmem>> -> memref<10000xf32, #tpu.memory_space<vmem>>
      %dma_start3A_23 = arith.constant 0 : i32
      %dma_start3A_24 = tpu.memref_slice %arg10[%dma_start3A_23] : memref<10064xf32, #tpu.memory_space<vmem>> -> memref<10000xf32, #tpu.memory_space<vmem>>
      tpu.enqueue_dma source(%arg4 : memref<10000xf32, #tpu.memory_space<hbm>>) target(%dma_start3A_24 : memref<10000xf32, #tpu.memory_space<vmem>>) target_semaphore(%run_scoped3A : memref<!tpu.dma_semaphore, #tpu.memory_space<semaphore_mem>>)
      %dma_wait3A = arith.constant 0 : i32
      %dma_wait3A_25 = tpu.memref_slice %arg10[%dma_wait3A] : memref<10064xf32, #tpu.memory_space<vmem>> -> memref<10000xf32, #tpu.memory_space<vmem>>
      %dma_wait3A_26 = arith.constant 0 : i32
      %dma_wait3A_27 = tpu.memref_slice %arg10[%dma_wait3A_26] : memref<10064xf32, #tpu.memory_space<vmem>> -> memref<10000xf32, #tpu.memory_space<vmem>>
      tpu.wait_dma2 semaphore(%run_scoped3A : memref<!tpu.dma_semaphore, #tpu.memory_space<semaphore_mem>>) src(%arg4 : memref<10000xf32, #tpu.memory_space<hbm>>) dst(%dma_wait3A_27 : memref<10000xf32, #tpu.memory_space<vmem>>)
      tpu.yield
    }) : () -> ()
    "tpu.region"() ({
      %run_scoped3A = tpu.sem_alloc : memref<!tpu.dma_semaphore, #tpu.memory_space<semaphore_mem>>
      %dma_start3A = arith.constant 0 : i32
      %dma_start3A_22 = tpu.memref_slice %arg11[%dma_start3A] : memref<10064xi32, #tpu.memory_space<vmem>> -> memref<10000xi32, #tpu.memory_space<vmem>>
      %dma_start3A_23 = arith.constant 0 : i32
      %dma_start3A_24 = tpu.memref_slice %arg11[%dma_start3A_23] : memref<10064xi32, #tpu.memory_space<vmem>> -> memref<10000xi32, #tpu.memory_space<vmem>>
      tpu.enqueue_dma source(%arg5 : memref<10000xi32, #tpu.memory_space<hbm>>) target(%dma_start3A_24 : memref<10000xi32, #tpu.memory_space<vmem>>) target_semaphore(%run_scoped3A : memref<!tpu.dma_semaphore, #tpu.memory_space<semaphore_mem>>)
      %dma_wait3A = arith.constant 0 : i32
      %dma_wait3A_25 = tpu.memref_slice %arg11[%dma_wait3A] : memref<10064xi32, #tpu.memory_space<vmem>> -> memref<10000xi32, #tpu.memory_space<vmem>>
      %dma_wait3A_26 = arith.constant 0 : i32
      %dma_wait3A_27 = tpu.memref_slice %arg11[%dma_wait3A_26] : memref<10064xi32, #tpu.memory_space<vmem>> -> memref<10000xi32, #tpu.memory_space<vmem>>
      tpu.wait_dma2 semaphore(%run_scoped3A : memref<!tpu.dma_semaphore, #tpu.memory_space<semaphore_mem>>) src(%arg5 : memref<10000xi32, #tpu.memory_space<hbm>>) dst(%dma_wait3A_27 : memref<10000xi32, #tpu.memory_space<vmem>>)
      tpu.yield
    }) : () -> ()
    "tpu.region"() ({
      %run_scoped3A = tpu.sem_alloc : memref<!tpu.dma_semaphore, #tpu.memory_space<semaphore_mem>>
      %dma_start3A = arith.constant 0 : i32
      %dma_start3A_22 = tpu.memref_slice %arg12[%dma_start3A] : memref<10064xf32, #tpu.memory_space<vmem>> -> memref<10000xf32, #tpu.memory_space<vmem>>
      %dma_start3A_23 = arith.constant 0 : i32
      %dma_start3A_24 = tpu.memref_slice %arg12[%dma_start3A_23] : memref<10064xf32, #tpu.memory_space<vmem>> -> memref<10000xf32, #tpu.memory_space<vmem>>
      tpu.enqueue_dma source(%arg6 : memref<10000xf32, #tpu.memory_space<hbm>>) target(%dma_start3A_24 : memref<10000xf32, #tpu.memory_space<vmem>>) target_semaphore(%run_scoped3A : memref<!tpu.dma_semaphore, #tpu.memory_space<semaphore_mem>>)
      %dma_wait3A = arith.constant 0 : i32
      %dma_wait3A_25 = tpu.memref_slice %arg12[%dma_wait3A] : memref<10064xf32, #tpu.memory_space<vmem>> -> memref<10000xf32, #tpu.memory_space<vmem>>
      %dma_wait3A_26 = arith.constant 0 : i32
      %dma_wait3A_27 = tpu.memref_slice %arg12[%dma_wait3A_26] : memref<10064xf32, #tpu.memory_space<vmem>> -> memref<10000xf32, #tpu.memory_space<vmem>>
      tpu.wait_dma2 semaphore(%run_scoped3A : memref<!tpu.dma_semaphore, #tpu.memory_space<semaphore_mem>>) src(%arg6 : memref<10000xf32, #tpu.memory_space<hbm>>) dst(%dma_wait3A_27 : memref<10000xf32, #tpu.memory_space<vmem>>)
      tpu.yield
    }) : () -> ()
    %iota3A = tpu.iota {dimensions = array<i32: 0>} : vector<16xi32>
    %broadcast_in_dim3A = arith.constant 0.000000e+00 : f32
    %broadcast_in_dim3A_1 = vector.broadcast %broadcast_in_dim3A : f32 to vector<16xf32>
    %sub3A = arith.constant 2499 : i32
    %sub3A_2 = arith.subi %sub3A, %add3A : i32
    %shift_right_arithmetic3A = arith.constant 5 : i32
    %shift_right_arithmetic3A_3 = arith.shrsi %sub3A_2, %shift_right_arithmetic3A : i32
    %add3A_4 = arith.constant 1 : i32
    %add3A_5 = arith.addi %shift_right_arithmetic3A_3, %add3A_4 : i32
    %while3A = arith.constant 0 : i32
    %while3A_6 = arith.subi %add3A_5, %while3A : i32
    %while3A_7 = arith.addi %while3A, %while3A_6 : i32
    %while3A_8 = arith.constant 1 : i32
    %while3A_9 = arith.divsi %while3A_6, %while3A_8 : i32
    %while3A_10 = arith.muli %while3A_9, %while3A_8 : i32
    %while3A_11 = arith.addi %while3A, %while3A_10 : i32
    %while3A_12 = arith.constant 1 : i32
    %while3A_13:4 = scf.for %while3A_22 = %while3A to %while3A_11 step %while3A_12 iter_args(%while3A_23 = %broadcast_in_dim3A_1, %while3A_24 = %broadcast_in_dim3A_1, %while3A_25 = %broadcast_in_dim3A_1, %while3A_26 = %broadcast_in_dim3A_1) -> (vector<16xf32>, vector<16xf32>, vector<16xf32>, vector<16xf32>)  : i32 {
      %shift_left3A = arith.constant 5 : i32
      %shift_left3A_27 = arith.shli %while3A_22, %shift_left3A : i32
      %add3A_28 = arith.addi %add3A, %shift_left3A_27 : i32
      %shift_left3A_29 = arith.constant 2 : i32
      %shift_left3A_30 = arith.shli %add3A_28, %shift_left3A_29 : i32
      %get3A = arith.index_cast %shift_left3A_30 : i32 to index
      %get3A_31 = tpu.vector_load %arg11[%get3A] {strides = array<i32>} : memref<10064xi32, #tpu.memory_space<vmem>>, vector<16xi32>,
      %get3A_32 = vector.shape_cast %get3A_31 : vector<16xi32> to vector<16xi32>
      %get3A_33 = arith.index_cast %shift_left3A_30 : i32 to index
      %get3A_34 = tpu.vector_load %arg12[%get3A_33] {strides = array<i32>} : memref<10064xf32, #tpu.memory_space<vmem>>, vector<16xf32>,
      %get3A_35 = vector.shape_cast %get3A_34 : vector<16xf32> to vector<16xf32>
      %get3A_36 = arith.index_cast %shift_left3A_30 : i32 to index
      %get3A_37 = tpu.vector_load %arg8[%get3A_36] {strides = array<i32>} : memref<10064xf32, #tpu.memory_space<vmem>>, vector<16xf32>,
      %get3A_38 = vector.shape_cast %get3A_37 : vector<16xf32> to vector<16xf32>
      %get3A_39 = arith.index_cast %shift_left3A_30 : i32 to index
      %get3A_40 = tpu.vector_load %arg9[%get3A_39] {strides = array<i32>} : memref<10064xf32, #tpu.memory_space<vmem>>, vector<16xf32>,
      %get3A_41 = vector.shape_cast %get3A_40 : vector<16xf32> to vector<16xf32>
      %get3A_42 = arith.index_cast %shift_left3A_30 : i32 to index
      %get3A_43 = tpu.vector_load %arg10[%get3A_42] {strides = array<i32>} : memref<10064xf32, #tpu.memory_space<vmem>>, vector<16xf32>,
      %get3A_44 = vector.shape_cast %get3A_43 : vector<16xf32> to vector<16xf32>
      %slice3A = vector.extract_strided_slice %get3A_32 {offsets = [0], sizes = [1], strides = [1]} : vector<16xi32> to vector<1xi32>
      %squeeze3A = vector.extract %slice3A[0] : i32 from vector<1xi32>
      %slice3A_45 = vector.extract_strided_slice %get3A_32 {offsets = [1], sizes = [1], strides = [1]} : vector<16xi32> to vector<1xi32>
      %squeeze3A_46 = vector.extract %slice3A_45[0] : i32 from vector<1xi32>
      %slice3A_47 = vector.extract_strided_slice %get3A_32 {offsets = [2], sizes = [1], strides = [1]} : vector<16xi32> to vector<1xi32>
      %squeeze3A_48 = vector.extract %slice3A_47[0] : i32 from vector<1xi32>
      %slice3A_49 = vector.extract_strided_slice %get3A_32 {offsets = [3], sizes = [1], strides = [1]} : vector<16xi32> to vector<1xi32>
      %squeeze3A_50 = vector.extract %slice3A_49[0] : i32 from vector<1xi32>
      %max3A = arith.maxsi %squeeze3A, %squeeze3A_46 : i32
      %max3A_51 = arith.maxsi %squeeze3A_48, %squeeze3A_50 : i32
      %max3A_52 = arith.maxsi %max3A, %max3A_51 : i32
      %add3A_53 = arith.constant 1 : i32
      %add3A_54 = arith.addi %shift_left3A_30, %add3A_53 : i32
      %shift_right_arithmetic3A_55 = arith.constant 4 : i32
      %shift_right_arithmetic3A_56 = arith.shrsi %add3A_54, %shift_right_arithmetic3A_55 : i32
      %shift_left3A_57 = arith.constant 4 : i32
      %shift_left3A_58 = arith.shli %shift_right_arithmetic3A_56, %shift_left3A_57 : i32
      %sub3A_59 = arith.subi %max3A_52, %shift_left3A_58 : i32
      %add3A_60 = arith.constant 16 : i32
      %add3A_61 = arith.addi %sub3A_59, %add3A_60 : i32
      %sub3A_62 = arith.constant 1 : i32
      %sub3A_63 = arith.subi %add3A_61, %sub3A_62 : i32
      %shift_right_arithmetic3A_64 = arith.constant 4 : i32
      %shift_right_arithmetic3A_65 = arith.shrsi %sub3A_63, %shift_right_arithmetic3A_64 : i32
      %slice3A_66 = vector.extract_strided_slice %get3A_38 {offsets = [0], sizes = [1], strides = [1]} : vector<16xf32> to vector<1xf32>
      %squeeze3A_67 = vector.extract %slice3A_66[0] : f32 from vector<1xf32>
      %add3A_68 = vector.broadcast %squeeze3A_67 : f32 to vector<16xf32>
      %add3A_69 = arith.addf %add3A_68, %broadcast_in_dim3A_1 : vector<16xf32>
      %slice3A_70 = vector.extract_strided_slice %get3A_38 {offsets = [1], sizes = [1], strides = [1]} : vector<16xf32> to vector<1xf32>
      %squeeze3A_71 = vector.extract %slice3A_70[0] : f32 from vector<1xf32>
      %add3A_72 = vector.broadcast %squeeze3A_71 : f32 to vector<16xf32>
      %add3A_73 = arith.addf %add3A_72, %broadcast_in_dim3A_1 : vector<16xf32>
      %slice3A_74 = vector.extract_strided_slice %get3A_38 {offsets = [2], sizes = [1], strides = [1]} : vector<16xf32> to vector<1xf32>
      %squeeze3A_75 = vector.extract %slice3A_74[0] : f32 from vector<1xf32>
      %add3A_76 = vector.broadcast %squeeze3A_75 : f32 to vector<16xf32>
      %add3A_77 = arith.addf %add3A_76, %broadcast_in_dim3A_1 : vector<16xf32>
      %slice3A_78 = vector.extract_strided_slice %get3A_38 {offsets = [3], sizes = [1], strides = [1]} : vector<16xf32> to vector<1xf32>
      %squeeze3A_79 = vector.extract %slice3A_78[0] : f32 from vector<1xf32>
      %add3A_80 = vector.broadcast %squeeze3A_79 : f32 to vector<16xf32>
      %add3A_81 = arith.addf %add3A_80, %broadcast_in_dim3A_1 : vector<16xf32>
      %slice3A_82 = vector.extract_strided_slice %get3A_41 {offsets = [0], sizes = [1], strides = [1]} : vector<16xf32> to vector<1xf32>
      %squeeze3A_83 = vector.extract %slice3A_82[0] : f32 from vector<1xf32>
      %add3A_84 = vector.broadcast %squeeze3A_83 : f32 to vector<16xf32>
      %add3A_85 = arith.addf %add3A_84, %broadcast_in_dim3A_1 : vector<16xf32>
      %slice3A_86 = vector.extract_strided_slice %get3A_41 {offsets = [1], sizes = [1], strides = [1]} : vector<16xf32> to vector<1xf32>
      %squeeze3A_87 = vector.extract %slice3A_86[0] : f32 from vector<1xf32>
      %add3A_88 = vector.broadcast %squeeze3A_87 : f32 to vector<16xf32>
      %add3A_89 = arith.addf %add3A_88, %broadcast_in_dim3A_1 : vector<16xf32>
      %slice3A_90 = vector.extract_strided_slice %get3A_41 {offsets = [2], sizes = [1], strides = [1]} : vector<16xf32> to vector<1xf32>
      %squeeze3A_91 = vector.extract %slice3A_90[0] : f32 from vector<1xf32>
      %add3A_92 = vector.broadcast %squeeze3A_91 : f32 to vector<16xf32>
      %add3A_93 = arith.addf %add3A_92, %broadcast_in_dim3A_1 : vector<16xf32>
      %slice3A_94 = vector.extract_strided_slice %get3A_41 {offsets = [3], sizes = [1], strides = [1]} : vector<16xf32> to vector<1xf32>
      %squeeze3A_95 = vector.extract %slice3A_94[0] : f32 from vector<1xf32>
      %add3A_96 = vector.broadcast %squeeze3A_95 : f32 to vector<16xf32>
      %add3A_97 = arith.addf %add3A_96, %broadcast_in_dim3A_1 : vector<16xf32>
      %slice3A_98 = vector.extract_strided_slice %get3A_44 {offsets = [0], sizes = [1], strides = [1]} : vector<16xf32> to vector<1xf32>
      %squeeze3A_99 = vector.extract %slice3A_98[0] : f32 from vector<1xf32>
      %add3A_100 = vector.broadcast %squeeze3A_99 : f32 to vector<16xf32>
      %add3A_101 = arith.addf %add3A_100, %broadcast_in_dim3A_1 : vector<16xf32>
      %slice3A_102 = vector.extract_strided_slice %get3A_44 {offsets = [1], sizes = [1], strides = [1]} : vector<16xf32> to vector<1xf32>
      %squeeze3A_103 = vector.extract %slice3A_102[0] : f32 from vector<1xf32>
      %add3A_104 = vector.broadcast %squeeze3A_103 : f32 to vector<16xf32>
      %add3A_105 = arith.addf %add3A_104, %broadcast_in_dim3A_1 : vector<16xf32>
      %slice3A_106 = vector.extract_strided_slice %get3A_44 {offsets = [2], sizes = [1], strides = [1]} : vector<16xf32> to vector<1xf32>
      %squeeze3A_107 = vector.extract %slice3A_106[0] : f32 from vector<1xf32>
      %add3A_108 = vector.broadcast %squeeze3A_107 : f32 to vector<16xf32>
      %add3A_109 = arith.addf %add3A_108, %broadcast_in_dim3A_1 : vector<16xf32>
      %slice3A_110 = vector.extract_strided_slice %get3A_44 {offsets = [3], sizes = [1], strides = [1]} : vector<16xf32> to vector<1xf32>
      %squeeze3A_111 = vector.extract %slice3A_110[0] : f32 from vector<1xf32>
      %add3A_112 = vector.broadcast %squeeze3A_111 : f32 to vector<16xf32>
      %add3A_113 = arith.addf %add3A_112, %broadcast_in_dim3A_1 : vector<16xf32>
      %slice3A_114 = vector.extract_strided_slice %get3A_35 {offsets = [0], sizes = [1], strides = [1]} : vector<16xf32> to vector<1xf32>
      %squeeze3A_115 = vector.extract %slice3A_114[0] : f32 from vector<1xf32>
      %add3A_116 = vector.broadcast %squeeze3A_115 : f32 to vector<16xf32>
      %add3A_117 = arith.addf %add3A_116, %broadcast_in_dim3A_1 : vector<16xf32>
      %slice3A_118 = vector.extract_strided_slice %get3A_35 {offsets = [1], sizes = [1], strides = [1]} : vector<16xf32> to vector<1xf32>
      %squeeze3A_119 = vector.extract %slice3A_118[0] : f32 from vector<1xf32>
      %add3A_120 = vector.broadcast %squeeze3A_119 : f32 to vector<16xf32>
      %add3A_121 = arith.addf %add3A_120, %broadcast_in_dim3A_1 : vector<16xf32>
      %slice3A_122 = vector.extract_strided_slice %get3A_35 {offsets = [2], sizes = [1], strides = [1]} : vector<16xf32> to vector<1xf32>
      %squeeze3A_123 = vector.extract %slice3A_122[0] : f32 from vector<1xf32>
      %add3A_124 = vector.broadcast %squeeze3A_123 : f32 to vector<16xf32>
      %add3A_125 = arith.addf %add3A_124, %broadcast_in_dim3A_1 : vector<16xf32>
      %slice3A_126 = vector.extract_strided_slice %get3A_35 {offsets = [3], sizes = [1], strides = [1]} : vector<16xf32> to vector<1xf32>
      %squeeze3A_127 = vector.extract %slice3A_126[0] : f32 from vector<1xf32>
      %add3A_128 = vector.broadcast %squeeze3A_127 : f32 to vector<16xf32>
      %add3A_129 = arith.addf %add3A_128, %broadcast_in_dim3A_1 : vector<16xf32>
      %while3A_130 = arith.constant 0 : i32
      %while3A_131 = arith.subi %shift_right_arithmetic3A_65, %while3A_130 : i32
      %while3A_132 = arith.addi %while3A_130, %while3A_131 : i32
      %while3A_133 = arith.constant 1 : i32
      %while3A_134 = arith.divsi %while3A_131, %while3A_133 : i32
      %while3A_135 = arith.muli %while3A_134, %while3A_133 : i32
      %while3A_136 = arith.addi %while3A_130, %while3A_135 : i32
      %while3A_137 = arith.constant 1 : i32
      %while3A_138:4 = scf.for %while3A_141 = %while3A_130 to %while3A_136 step %while3A_137 iter_args(%while3A_142 = %while3A_23, %while3A_143 = %while3A_24, %while3A_144 = %while3A_25, %while3A_145 = %while3A_26) -> (vector<16xf32>, vector<16xf32>, vector<16xf32>, vector<16xf32>)  : i32 {
        %mul3A_146 = arith.constant 16 : i32
        %mul3A_147 = arith.muli %while3A_141, %mul3A_146 : i32
        %add3A_148 = arith.addi %shift_left3A_58, %mul3A_147 : i32
        %add3A_149 = vector.broadcast %add3A_148 : i32 to vector<16xi32>
        %add3A_150 = arith.addi %add3A_149, %iota3A : vector<16xi32>
        %get3A_151 = arith.index_cast %add3A_148 : i32 to index
        %get3A_152 = tpu.vector_load %arg8[%get3A_151] {strides = array<i32>} : memref<10064xf32, #tpu.memory_space<vmem>>, vector<16xf32>,
        %get3A_153 = vector.shape_cast %get3A_152 : vector<16xf32> to vector<16xf32>
        %get3A_154 = arith.index_cast %add3A_148 : i32 to index
        %get3A_155 = tpu.vector_load %arg9[%get3A_154] {strides = array<i32>} : memref<10064xf32, #tpu.memory_space<vmem>>, vector<16xf32>,
        %get3A_156 = vector.shape_cast %get3A_155 : vector<16xf32> to vector<16xf32>
        %get3A_157 = arith.index_cast %add3A_148 : i32 to index
        %get3A_158 = tpu.vector_load %arg10[%get3A_157] {strides = array<i32>} : memref<10064xf32, #tpu.memory_space<vmem>>, vector<16xf32>,
        %get3A_159 = vector.shape_cast %get3A_158 : vector<16xf32> to vector<16xf32>
        %get3A_160 = arith.index_cast %add3A_148 : i32 to index
        %get3A_161 = tpu.vector_load %arg12[%get3A_160] {strides = array<i32>} : memref<10064xf32, #tpu.memory_space<vmem>>, vector<16xf32>,
        %get3A_162 = vector.shape_cast %get3A_161 : vector<16xf32> to vector<16xf32>
        %add3A_163 = arith.constant 0 : i32
        %add3A_164 = arith.addi %shift_left3A_30, %add3A_163 : i32
        %sub3A_165 = arith.subf %add3A_69, %get3A_153 : vector<16xf32>
        %sub3A_166 = arith.subf %add3A_85, %get3A_156 : vector<16xf32>
        %sub3A_167 = arith.subf %add3A_101, %get3A_159 : vector<16xf32>
        %mul3A_168 = arith.mulf %sub3A_165, %sub3A_165 : vector<16xf32>
        %mul3A_169 = arith.mulf %sub3A_166, %sub3A_166 : vector<16xf32>
        %add3A_170 = arith.addf %mul3A_168, %mul3A_169 : vector<16xf32>
        %mul3A_171 = arith.mulf %sub3A_167, %sub3A_167 : vector<16xf32>
        %add3A_172 = arith.addf %add3A_170, %mul3A_171 : vector<16xf32>
        %gt3A = vector.broadcast %add3A_164 : i32 to vector<16xi32>
        %gt3A_173 = arith.cmpi sgt, %add3A_150, %gt3A : vector<16xi32>
        %lt3A = vector.broadcast %squeeze3A : i32 to vector<16xi32>
        %lt3A_174 = arith.cmpi slt, %add3A_150, %lt3A : vector<16xi32>
        %and3A = arith.andi %gt3A_173, %lt3A_174 : vector<16xi1>
        %le3A = arith.constant 28.002737 : f32
        %le3A_175 = vector.broadcast %le3A : f32 to vector<16xf32>
        %le3A_176 = arith.cmpf ole, %add3A_172, %le3A_175 : vector<16xf32>
        %and3A_177 = arith.andi %and3A, %le3A_176 : vector<16xi1>
        %bitcast_convert_type3A = tpu.bitcast %add3A_172 : vector<16xf32> -> vector<16xi32>
        %shift_right_arithmetic3A_178 = arith.constant 1 : i32
        %shift_right_arithmetic3A_179 = vector.broadcast %shift_right_arithmetic3A_178 : i32 to vector<16xi32>
        %shift_right_arithmetic3A_180 = arith.shrsi %bitcast_convert_type3A, %shift_right_arithmetic3A_179 : vector<16xi32>
        %sub3A_181 = arith.constant 1597463007 : i32
        %sub3A_182 = vector.broadcast %sub3A_181 : i32 to vector<16xi32>
        %sub3A_183 = arith.subi %sub3A_182, %shift_right_arithmetic3A_180 : vector<16xi32>
        %bitcast_convert_type3A_184 = tpu.bitcast %sub3A_183 : vector<16xi32> -> vector<16xf32>
        %mul3A_185 = arith.constant -5.000000e-01 : f32
        %mul3A_186 = vector.broadcast %mul3A_185 : f32 to vector<16xf32>
        %mul3A_187 = arith.mulf %mul3A_186, %add3A_172 : vector<16xf32>
        %mul3A_188 = arith.mulf %mul3A_187, %bitcast_convert_type3A_184 : vector<16xf32>
        %mul3A_189 = arith.mulf %mul3A_188, %bitcast_convert_type3A_184 : vector<16xf32>
        %add3A_190 = arith.constant 1.500000e+00 : f32
        %add3A_191 = vector.broadcast %add3A_190 : f32 to vector<16xf32>
        %add3A_192 = arith.addf %add3A_191, %mul3A_189 : vector<16xf32>
        %mul3A_193 = arith.mulf %bitcast_convert_type3A_184, %add3A_192 : vector<16xf32>
        %mul3A_194 = arith.mulf %mul3A_187, %mul3A_193 : vector<16xf32>
        %mul3A_195 = arith.mulf %mul3A_194, %mul3A_193 : vector<16xf32>
        %add3A_196 = arith.constant 1.500000e+00 : f32
        %add3A_197 = vector.broadcast %add3A_196 : f32 to vector<16xf32>
        %add3A_198 = arith.addf %add3A_197, %mul3A_195 : vector<16xf32>
        %mul3A_199 = arith.mulf %mul3A_193, %add3A_198 : vector<16xf32>
        %mul3A_200 = arith.mulf %add3A_172, %mul3A_199 : vector<16xf32>
        %mul3A_201 = arith.mulf %mul3A_200, %add3A_117 : vector<16xf32>
        %mul3A_202 = arith.mulf %mul3A_200, %get3A_162 : vector<16xf32>
        %mul3A_203 = arith.constant -3.200000e+00 : f32
        %mul3A_204 = vector.broadcast %mul3A_203 : f32 to vector<16xf32>
        %mul3A_205 = arith.mulf %mul3A_204, %mul3A_201 : vector<16xf32>
        %exp3A = math.exp %mul3A_205 : vector<16xf32>
        %mul3A_206 = arith.constant -3.200000e+00 : f32
        %mul3A_207 = vector.broadcast %mul3A_206 : f32 to vector<16xf32>
        %mul3A_208 = arith.mulf %mul3A_207, %mul3A_202 : vector<16xf32>
        %exp3A_209 = math.exp %mul3A_208 : vector<16xf32>
        %add3A_210 = arith.addf %exp3A, %exp3A_209 : vector<16xf32>
        %mul3A_211 = arith.constant -9.423000e-01 : f32
        %mul3A_212 = vector.broadcast %mul3A_211 : f32 to vector<16xf32>
        %mul3A_213 = arith.mulf %mul3A_212, %mul3A_201 : vector<16xf32>
        %exp3A_214 = math.exp %mul3A_213 : vector<16xf32>
        %mul3A_215 = arith.constant -9.423000e-01 : f32
        %mul3A_216 = vector.broadcast %mul3A_215 : f32 to vector<16xf32>
        %mul3A_217 = arith.mulf %mul3A_216, %mul3A_202 : vector<16xf32>
        %exp3A_218 = math.exp %mul3A_217 : vector<16xf32>
        %add3A_219 = arith.addf %exp3A_214, %exp3A_218 : vector<16xf32>
        %mul3A_220 = arith.constant -4.029000e-01 : f32
        %mul3A_221 = vector.broadcast %mul3A_220 : f32 to vector<16xf32>
        %mul3A_222 = arith.mulf %mul3A_221, %mul3A_201 : vector<16xf32>
        %exp3A_223 = math.exp %mul3A_222 : vector<16xf32>
        %mul3A_224 = arith.constant -4.029000e-01 : f32
        %mul3A_225 = vector.broadcast %mul3A_224 : f32 to vector<16xf32>
        %mul3A_226 = arith.mulf %mul3A_225, %mul3A_202 : vector<16xf32>
        %exp3A_227 = math.exp %mul3A_226 : vector<16xf32>
        %add3A_228 = arith.addf %exp3A_223, %exp3A_227 : vector<16xf32>
        %mul3A_229 = arith.constant -2.016000e-01 : f32
        %mul3A_230 = vector.broadcast %mul3A_229 : f32 to vector<16xf32>
        %mul3A_231 = arith.mulf %mul3A_230, %mul3A_201 : vector<16xf32>
        %exp3A_232 = math.exp %mul3A_231 : vector<16xf32>
        %mul3A_233 = arith.constant -2.016000e-01 : f32
        %mul3A_234 = vector.broadcast %mul3A_233 : f32 to vector<16xf32>
        %mul3A_235 = arith.mulf %mul3A_234, %mul3A_202 : vector<16xf32>
        %exp3A_236 = math.exp %mul3A_235 : vector<16xf32>
        %add3A_237 = arith.addf %exp3A_232, %exp3A_236 : vector<16xf32>
        %mul3A_238 = arith.constant 1.818000e-01 : f32
        %mul3A_239 = vector.broadcast %mul3A_238 : f32 to vector<16xf32>
        %mul3A_240 = arith.mulf %mul3A_239, %add3A_210 : vector<16xf32>
        %mul3A_241 = arith.constant 5.099000e-01 : f32
        %mul3A_242 = vector.broadcast %mul3A_241 : f32 to vector<16xf32>
        %mul3A_243 = arith.mulf %mul3A_242, %add3A_219 : vector<16xf32>
        %add3A_244 = arith.addf %mul3A_240, %mul3A_243 : vector<16xf32>
        %mul3A_245 = arith.constant 2.802000e-01 : f32
        %mul3A_246 = vector.broadcast %mul3A_245 : f32 to vector<16xf32>
        %mul3A_247 = arith.mulf %mul3A_246, %add3A_228 : vector<16xf32>
        %add3A_248 = arith.addf %add3A_244, %mul3A_247 : vector<16xf32>
        %mul3A_249 = arith.constant 2.817000e-02 : f32
        %mul3A_250 = vector.broadcast %mul3A_249 : f32 to vector<16xf32>
        %mul3A_251 = arith.mulf %mul3A_250, %add3A_237 : vector<16xf32>
        %add3A_252 = arith.addf %add3A_248, %mul3A_251 : vector<16xf32>
        %mul3A_253 = arith.mulf %add3A_252, %mul3A_199 : vector<16xf32>
        %jit3A = arith.constant 0.000000e+00 : f32
        %broadcast_in_dim3A_254 = vector.broadcast %jit3A : f32 to vector<16xf32>
        %select_n3A = arith.select %and3A_177, %mul3A_253, %broadcast_in_dim3A_254 : vector<16xi1>, vector<16xf32>
        %add3A_255 = arith.addf %while3A_142, %select_n3A : vector<16xf32>
        %add3A_256 = arith.constant 1 : i32
        %add3A_257 = arith.addi %shift_left3A_30, %add3A_256 : i32
        %sub3A_258 = arith.subf %add3A_73, %get3A_153 : vector<16xf32>
        %sub3A_259 = arith.subf %add3A_89, %get3A_156 : vector<16xf32>
        %sub3A_260 = arith.subf %add3A_105, %get3A_159 : vector<16xf32>
        %mul3A_261 = arith.mulf %sub3A_258, %sub3A_258 : vector<16xf32>
        %mul3A_262 = arith.mulf %sub3A_259, %sub3A_259 : vector<16xf32>
        %add3A_263 = arith.addf %mul3A_261, %mul3A_262 : vector<16xf32>
        %mul3A_264 = arith.mulf %sub3A_260, %sub3A_260 : vector<16xf32>
        %add3A_265 = arith.addf %add3A_263, %mul3A_264 : vector<16xf32>
        %gt3A_266 = vector.broadcast %add3A_257 : i32 to vector<16xi32>
        %gt3A_267 = arith.cmpi sgt, %add3A_150, %gt3A_266 : vector<16xi32>
        %lt3A_268 = vector.broadcast %squeeze3A_46 : i32 to vector<16xi32>
        %lt3A_269 = arith.cmpi slt, %add3A_150, %lt3A_268 : vector<16xi32>
        %and3A_270 = arith.andi %gt3A_267, %lt3A_269 : vector<16xi1>
        %le3A_271 = arith.constant 28.002737 : f32
        %le3A_272 = vector.broadcast %le3A_271 : f32 to vector<16xf32>
        %le3A_273 = arith.cmpf ole, %add3A_265, %le3A_272 : vector<16xf32>
        %and3A_274 = arith.andi %and3A_270, %le3A_273 : vector<16xi1>
        %bitcast_convert_type3A_275 = tpu.bitcast %add3A_265 : vector<16xf32> -> vector<16xi32>
        %shift_right_arithmetic3A_276 = arith.constant 1 : i32
        %shift_right_arithmetic3A_277 = vector.broadcast %shift_right_arithmetic3A_276 : i32 to vector<16xi32>
        %shift_right_arithmetic3A_278 = arith.shrsi %bitcast_convert_type3A_275, %shift_right_arithmetic3A_277 : vector<16xi32>
        %sub3A_279 = arith.constant 1597463007 : i32
        %sub3A_280 = vector.broadcast %sub3A_279 : i32 to vector<16xi32>
        %sub3A_281 = arith.subi %sub3A_280, %shift_right_arithmetic3A_278 : vector<16xi32>
        %bitcast_convert_type3A_282 = tpu.bitcast %sub3A_281 : vector<16xi32> -> vector<16xf32>
        %mul3A_283 = arith.constant -5.000000e-01 : f32
        %mul3A_284 = vector.broadcast %mul3A_283 : f32 to vector<16xf32>
        %mul3A_285 = arith.mulf %mul3A_284, %add3A_265 : vector<16xf32>
        %mul3A_286 = arith.mulf %mul3A_285, %bitcast_convert_type3A_282 : vector<16xf32>
        %mul3A_287 = arith.mulf %mul3A_286, %bitcast_convert_type3A_282 : vector<16xf32>
        %add3A_288 = arith.constant 1.500000e+00 : f32
        %add3A_289 = vector.broadcast %add3A_288 : f32 to vector<16xf32>
        %add3A_290 = arith.addf %add3A_289, %mul3A_287 : vector<16xf32>
        %mul3A_291 = arith.mulf %bitcast_convert_type3A_282, %add3A_290 : vector<16xf32>
        %mul3A_292 = arith.mulf %mul3A_285, %mul3A_291 : vector<16xf32>
        %mul3A_293 = arith.mulf %mul3A_292, %mul3A_291 : vector<16xf32>
        %add3A_294 = arith.constant 1.500000e+00 : f32
        %add3A_295 = vector.broadcast %add3A_294 : f32 to vector<16xf32>
        %add3A_296 = arith.addf %add3A_295, %mul3A_293 : vector<16xf32>
        %mul3A_297 = arith.mulf %mul3A_291, %add3A_296 : vector<16xf32>
        %mul3A_298 = arith.mulf %add3A_265, %mul3A_297 : vector<16xf32>
        %mul3A_299 = arith.mulf %mul3A_298, %add3A_121 : vector<16xf32>
        %mul3A_300 = arith.mulf %mul3A_298, %get3A_162 : vector<16xf32>
        %mul3A_301 = arith.constant -3.200000e+00 : f32
        %mul3A_302 = vector.broadcast %mul3A_301 : f32 to vector<16xf32>
        %mul3A_303 = arith.mulf %mul3A_302, %mul3A_299 : vector<16xf32>
        %exp3A_304 = math.exp %mul3A_303 : vector<16xf32>
        %mul3A_305 = arith.constant -3.200000e+00 : f32
        %mul3A_306 = vector.broadcast %mul3A_305 : f32 to vector<16xf32>
        %mul3A_307 = arith.mulf %mul3A_306, %mul3A_300 : vector<16xf32>
        %exp3A_308 = math.exp %mul3A_307 : vector<16xf32>
        %add3A_309 = arith.addf %exp3A_304, %exp3A_308 : vector<16xf32>
        %mul3A_310 = arith.constant -9.423000e-01 : f32
        %mul3A_311 = vector.broadcast %mul3A_310 : f32 to vector<16xf32>
        %mul3A_312 = arith.mulf %mul3A_311, %mul3A_299 : vector<16xf32>
        %exp3A_313 = math.exp %mul3A_312 : vector<16xf32>
        %mul3A_314 = arith.constant -9.423000e-01 : f32
        %mul3A_315 = vector.broadcast %mul3A_314 : f32 to vector<16xf32>
        %mul3A_316 = arith.mulf %mul3A_315, %mul3A_300 : vector<16xf32>
        %exp3A_317 = math.exp %mul3A_316 : vector<16xf32>
        %add3A_318 = arith.addf %exp3A_313, %exp3A_317 : vector<16xf32>
        %mul3A_319 = arith.constant -4.029000e-01 : f32
        %mul3A_320 = vector.broadcast %mul3A_319 : f32 to vector<16xf32>
        %mul3A_321 = arith.mulf %mul3A_320, %mul3A_299 : vector<16xf32>
        %exp3A_322 = math.exp %mul3A_321 : vector<16xf32>
        %mul3A_323 = arith.constant -4.029000e-01 : f32
        %mul3A_324 = vector.broadcast %mul3A_323 : f32 to vector<16xf32>
        %mul3A_325 = arith.mulf %mul3A_324, %mul3A_300 : vector<16xf32>
        %exp3A_326 = math.exp %mul3A_325 : vector<16xf32>
        %add3A_327 = arith.addf %exp3A_322, %exp3A_326 : vector<16xf32>
        %mul3A_328 = arith.constant -2.016000e-01 : f32
        %mul3A_329 = vector.broadcast %mul3A_328 : f32 to vector<16xf32>
        %mul3A_330 = arith.mulf %mul3A_329, %mul3A_299 : vector<16xf32>
        %exp3A_331 = math.exp %mul3A_330 : vector<16xf32>
        %mul3A_332 = arith.constant -2.016000e-01 : f32
        %mul3A_333 = vector.broadcast %mul3A_332 : f32 to vector<16xf32>
        %mul3A_334 = arith.mulf %mul3A_333, %mul3A_300 : vector<16xf32>
        %exp3A_335 = math.exp %mul3A_334 : vector<16xf32>
        %add3A_336 = arith.addf %exp3A_331, %exp3A_335 : vector<16xf32>
        %mul3A_337 = arith.constant 1.818000e-01 : f32
        %mul3A_338 = vector.broadcast %mul3A_337 : f32 to vector<16xf32>
        %mul3A_339 = arith.mulf %mul3A_338, %add3A_309 : vector<16xf32>
        %mul3A_340 = arith.constant 5.099000e-01 : f32
        %mul3A_341 = vector.broadcast %mul3A_340 : f32 to vector<16xf32>
        %mul3A_342 = arith.mulf %mul3A_341, %add3A_318 : vector<16xf32>
        %add3A_343 = arith.addf %mul3A_339, %mul3A_342 : vector<16xf32>
        %mul3A_344 = arith.constant 2.802000e-01 : f32
        %mul3A_345 = vector.broadcast %mul3A_344 : f32 to vector<16xf32>
        %mul3A_346 = arith.mulf %mul3A_345, %add3A_327 : vector<16xf32>
        %add3A_347 = arith.addf %add3A_343, %mul3A_346 : vector<16xf32>
        %mul3A_348 = arith.constant 2.817000e-02 : f32
        %mul3A_349 = vector.broadcast %mul3A_348 : f32 to vector<16xf32>
        %mul3A_350 = arith.mulf %mul3A_349, %add3A_336 : vector<16xf32>
        %add3A_351 = arith.addf %add3A_347, %mul3A_350 : vector<16xf32>
        %mul3A_352 = arith.mulf %add3A_351, %mul3A_297 : vector<16xf32>
        %jit3A_353 = arith.constant 0.000000e+00 : f32
        %broadcast_in_dim3A_354 = vector.broadcast %jit3A_353 : f32 to vector<16xf32>
        %select_n3A_355 = arith.select %and3A_274, %mul3A_352, %broadcast_in_dim3A_354 : vector<16xi1>, vector<16xf32>
        %add3A_356 = arith.addf %while3A_143, %select_n3A_355 : vector<16xf32>
        %add3A_357 = arith.constant 2 : i32
        %add3A_358 = arith.addi %shift_left3A_30, %add3A_357 : i32
        %sub3A_359 = arith.subf %add3A_77, %get3A_153 : vector<16xf32>
        %sub3A_360 = arith.subf %add3A_93, %get3A_156 : vector<16xf32>
        %sub3A_361 = arith.subf %add3A_109, %get3A_159 : vector<16xf32>
        %mul3A_362 = arith.mulf %sub3A_359, %sub3A_359 : vector<16xf32>
        %mul3A_363 = arith.mulf %sub3A_360, %sub3A_360 : vector<16xf32>
        %add3A_364 = arith.addf %mul3A_362, %mul3A_363 : vector<16xf32>
        %mul3A_365 = arith.mulf %sub3A_361, %sub3A_361 : vector<16xf32>
        %add3A_366 = arith.addf %add3A_364, %mul3A_365 : vector<16xf32>
        %gt3A_367 = vector.broadcast %add3A_358 : i32 to vector<16xi32>
        %gt3A_368 = arith.cmpi sgt, %add3A_150, %gt3A_367 : vector<16xi32>
        %lt3A_369 = vector.broadcast %squeeze3A_48 : i32 to vector<16xi32>
        %lt3A_370 = arith.cmpi slt, %add3A_150, %lt3A_369 : vector<16xi32>
        %and3A_371 = arith.andi %gt3A_368, %lt3A_370 : vector<16xi1>
        %le3A_372 = arith.constant 28.002737 : f32
        %le3A_373 = vector.broadcast %le3A_372 : f32 to vector<16xf32>
        %le3A_374 = arith.cmpf ole, %add3A_366, %le3A_373 : vector<16xf32>
        %and3A_375 = arith.andi %and3A_371, %le3A_374 : vector<16xi1>
        %bitcast_convert_type3A_376 = tpu.bitcast %add3A_366 : vector<16xf32> -> vector<16xi32>
        %shift_right_arithmetic3A_377 = arith.constant 1 : i32
        %shift_right_arithmetic3A_378 = vector.broadcast %shift_right_arithmetic3A_377 : i32 to vector<16xi32>
        %shift_right_arithmetic3A_379 = arith.shrsi %bitcast_convert_type3A_376, %shift_right_arithmetic3A_378 : vector<16xi32>
        %sub3A_380 = arith.constant 1597463007 : i32
        %sub3A_381 = vector.broadcast %sub3A_380 : i32 to vector<16xi32>
        %sub3A_382 = arith.subi %sub3A_381, %shift_right_arithmetic3A_379 : vector<16xi32>
        %bitcast_convert_type3A_383 = tpu.bitcast %sub3A_382 : vector<16xi32> -> vector<16xf32>
        %mul3A_384 = arith.constant -5.000000e-01 : f32
        %mul3A_385 = vector.broadcast %mul3A_384 : f32 to vector<16xf32>
        %mul3A_386 = arith.mulf %mul3A_385, %add3A_366 : vector<16xf32>
        %mul3A_387 = arith.mulf %mul3A_386, %bitcast_convert_type3A_383 : vector<16xf32>
        %mul3A_388 = arith.mulf %mul3A_387, %bitcast_convert_type3A_383 : vector<16xf32>
        %add3A_389 = arith.constant 1.500000e+00 : f32
        %add3A_390 = vector.broadcast %add3A_389 : f32 to vector<16xf32>
        %add3A_391 = arith.addf %add3A_390, %mul3A_388 : vector<16xf32>
        %mul3A_392 = arith.mulf %bitcast_convert_type3A_383, %add3A_391 : vector<16xf32>
        %mul3A_393 = arith.mulf %mul3A_386, %mul3A_392 : vector<16xf32>
        %mul3A_394 = arith.mulf %mul3A_393, %mul3A_392 : vector<16xf32>
        %add3A_395 = arith.constant 1.500000e+00 : f32
        %add3A_396 = vector.broadcast %add3A_395 : f32 to vector<16xf32>
        %add3A_397 = arith.addf %add3A_396, %mul3A_394 : vector<16xf32>
        %mul3A_398 = arith.mulf %mul3A_392, %add3A_397 : vector<16xf32>
        %mul3A_399 = arith.mulf %add3A_366, %mul3A_398 : vector<16xf32>
        %mul3A_400 = arith.mulf %mul3A_399, %add3A_125 : vector<16xf32>
        %mul3A_401 = arith.mulf %mul3A_399, %get3A_162 : vector<16xf32>
        %mul3A_402 = arith.constant -3.200000e+00 : f32
        %mul3A_403 = vector.broadcast %mul3A_402 : f32 to vector<16xf32>
        %mul3A_404 = arith.mulf %mul3A_403, %mul3A_400 : vector<16xf32>
        %exp3A_405 = math.exp %mul3A_404 : vector<16xf32>
        %mul3A_406 = arith.constant -3.200000e+00 : f32
        %mul3A_407 = vector.broadcast %mul3A_406 : f32 to vector<16xf32>
        %mul3A_408 = arith.mulf %mul3A_407, %mul3A_401 : vector<16xf32>
        %exp3A_409 = math.exp %mul3A_408 : vector<16xf32>
        %add3A_410 = arith.addf %exp3A_405, %exp3A_409 : vector<16xf32>
        %mul3A_411 = arith.constant -9.423000e-01 : f32
        %mul3A_412 = vector.broadcast %mul3A_411 : f32 to vector<16xf32>
        %mul3A_413 = arith.mulf %mul3A_412, %mul3A_400 : vector<16xf32>
        %exp3A_414 = math.exp %mul3A_413 : vector<16xf32>
        %mul3A_415 = arith.constant -9.423000e-01 : f32
        %mul3A_416 = vector.broadcast %mul3A_415 : f32 to vector<16xf32>
        %mul3A_417 = arith.mulf %mul3A_416, %mul3A_401 : vector<16xf32>
        %exp3A_418 = math.exp %mul3A_417 : vector<16xf32>
        %add3A_419 = arith.addf %exp3A_414, %exp3A_418 : vector<16xf32>
        %mul3A_420 = arith.constant -4.029000e-01 : f32
        %mul3A_421 = vector.broadcast %mul3A_420 : f32 to vector<16xf32>
        %mul3A_422 = arith.mulf %mul3A_421, %mul3A_400 : vector<16xf32>
        %exp3A_423 = math.exp %mul3A_422 : vector<16xf32>
        %mul3A_424 = arith.constant -4.029000e-01 : f32
        %mul3A_425 = vector.broadcast %mul3A_424 : f32 to vector<16xf32>
        %mul3A_426 = arith.mulf %mul3A_425, %mul3A_401 : vector<16xf32>
        %exp3A_427 = math.exp %mul3A_426 : vector<16xf32>
        %add3A_428 = arith.addf %exp3A_423, %exp3A_427 : vector<16xf32>
        %mul3A_429 = arith.constant -2.016000e-01 : f32
        %mul3A_430 = vector.broadcast %mul3A_429 : f32 to vector<16xf32>
        %mul3A_431 = arith.mulf %mul3A_430, %mul3A_400 : vector<16xf32>
        %exp3A_432 = math.exp %mul3A_431 : vector<16xf32>
        %mul3A_433 = arith.constant -2.016000e-01 : f32
        %mul3A_434 = vector.broadcast %mul3A_433 : f32 to vector<16xf32>
        %mul3A_435 = arith.mulf %mul3A_434, %mul3A_401 : vector<16xf32>
        %exp3A_436 = math.exp %mul3A_435 : vector<16xf32>
        %add3A_437 = arith.addf %exp3A_432, %exp3A_436 : vector<16xf32>
        %mul3A_438 = arith.constant 1.818000e-01 : f32
        %mul3A_439 = vector.broadcast %mul3A_438 : f32 to vector<16xf32>
        %mul3A_440 = arith.mulf %mul3A_439, %add3A_410 : vector<16xf32>
        %mul3A_441 = arith.constant 5.099000e-01 : f32
        %mul3A_442 = vector.broadcast %mul3A_441 : f32 to vector<16xf32>
        %mul3A_443 = arith.mulf %mul3A_442, %add3A_419 : vector<16xf32>
        %add3A_444 = arith.addf %mul3A_440, %mul3A_443 : vector<16xf32>
        %mul3A_445 = arith.constant 2.802000e-01 : f32
        %mul3A_446 = vector.broadcast %mul3A_445 : f32 to vector<16xf32>
        %mul3A_447 = arith.mulf %mul3A_446, %add3A_428 : vector<16xf32>
        %add3A_448 = arith.addf %add3A_444, %mul3A_447 : vector<16xf32>
        %mul3A_449 = arith.constant 2.817000e-02 : f32
        %mul3A_450 = vector.broadcast %mul3A_449 : f32 to vector<16xf32>
        %mul3A_451 = arith.mulf %mul3A_450, %add3A_437 : vector<16xf32>
        %add3A_452 = arith.addf %add3A_448, %mul3A_451 : vector<16xf32>
        %mul3A_453 = arith.mulf %add3A_452, %mul3A_398 : vector<16xf32>
        %jit3A_454 = arith.constant 0.000000e+00 : f32
        %broadcast_in_dim3A_455 = vector.broadcast %jit3A_454 : f32 to vector<16xf32>
        %select_n3A_456 = arith.select %and3A_375, %mul3A_453, %broadcast_in_dim3A_455 : vector<16xi1>, vector<16xf32>
        %add3A_457 = arith.addf %while3A_144, %select_n3A_456 : vector<16xf32>
        %add3A_458 = arith.constant 3 : i32
        %add3A_459 = arith.addi %shift_left3A_30, %add3A_458 : i32
        %sub3A_460 = arith.subf %add3A_81, %get3A_153 : vector<16xf32>
        %sub3A_461 = arith.subf %add3A_97, %get3A_156 : vector<16xf32>
        %sub3A_462 = arith.subf %add3A_113, %get3A_159 : vector<16xf32>
        %mul3A_463 = arith.mulf %sub3A_460, %sub3A_460 : vector<16xf32>
        %mul3A_464 = arith.mulf %sub3A_461, %sub3A_461 : vector<16xf32>
        %add3A_465 = arith.addf %mul3A_463, %mul3A_464 : vector<16xf32>
        %mul3A_466 = arith.mulf %sub3A_462, %sub3A_462 : vector<16xf32>
        %add3A_467 = arith.addf %add3A_465, %mul3A_466 : vector<16xf32>
        %gt3A_468 = vector.broadcast %add3A_459 : i32 to vector<16xi32>
        %gt3A_469 = arith.cmpi sgt, %add3A_150, %gt3A_468 : vector<16xi32>
        %lt3A_470 = vector.broadcast %squeeze3A_50 : i32 to vector<16xi32>
        %lt3A_471 = arith.cmpi slt, %add3A_150, %lt3A_470 : vector<16xi32>
        %and3A_472 = arith.andi %gt3A_469, %lt3A_471 : vector<16xi1>
        %le3A_473 = arith.constant 28.002737 : f32
        %le3A_474 = vector.broadcast %le3A_473 : f32 to vector<16xf32>
        %le3A_475 = arith.cmpf ole, %add3A_467, %le3A_474 : vector<16xf32>
        %and3A_476 = arith.andi %and3A_472, %le3A_475 : vector<16xi1>
        %bitcast_convert_type3A_477 = tpu.bitcast %add3A_467 : vector<16xf32> -> vector<16xi32>
        %shift_right_arithmetic3A_478 = arith.constant 1 : i32
        %shift_right_arithmetic3A_479 = vector.broadcast %shift_right_arithmetic3A_478 : i32 to vector<16xi32>
        %shift_right_arithmetic3A_480 = arith.shrsi %bitcast_convert_type3A_477, %shift_right_arithmetic3A_479 : vector<16xi32>
        %sub3A_481 = arith.constant 1597463007 : i32
        %sub3A_482 = vector.broadcast %sub3A_481 : i32 to vector<16xi32>
        %sub3A_483 = arith.subi %sub3A_482, %shift_right_arithmetic3A_480 : vector<16xi32>
        %bitcast_convert_type3A_484 = tpu.bitcast %sub3A_483 : vector<16xi32> -> vector<16xf32>
        %mul3A_485 = arith.constant -5.000000e-01 : f32
        %mul3A_486 = vector.broadcast %mul3A_485 : f32 to vector<16xf32>
        %mul3A_487 = arith.mulf %mul3A_486, %add3A_467 : vector<16xf32>
        %mul3A_488 = arith.mulf %mul3A_487, %bitcast_convert_type3A_484 : vector<16xf32>
        %mul3A_489 = arith.mulf %mul3A_488, %bitcast_convert_type3A_484 : vector<16xf32>
        %add3A_490 = arith.constant 1.500000e+00 : f32
        %add3A_491 = vector.broadcast %add3A_490 : f32 to vector<16xf32>
        %add3A_492 = arith.addf %add3A_491, %mul3A_489 : vector<16xf32>
        %mul3A_493 = arith.mulf %bitcast_convert_type3A_484, %add3A_492 : vector<16xf32>
        %mul3A_494 = arith.mulf %mul3A_487, %mul3A_493 : vector<16xf32>
        %mul3A_495 = arith.mulf %mul3A_494, %mul3A_493 : vector<16xf32>
        %add3A_496 = arith.constant 1.500000e+00 : f32
        %add3A_497 = vector.broadcast %add3A_496 : f32 to vector<16xf32>
        %add3A_498 = arith.addf %add3A_497, %mul3A_495 : vector<16xf32>
        %mul3A_499 = arith.mulf %mul3A_493, %add3A_498 : vector<16xf32>
        %mul3A_500 = arith.mulf %add3A_467, %mul3A_499 : vector<16xf32>
        %mul3A_501 = arith.mulf %mul3A_500, %add3A_129 : vector<16xf32>
        %mul3A_502 = arith.mulf %mul3A_500, %get3A_162 : vector<16xf32>
        %mul3A_503 = arith.constant -3.200000e+00 : f32
        %mul3A_504 = vector.broadcast %mul3A_503 : f32 to vector<16xf32>
        %mul3A_505 = arith.mulf %mul3A_504, %mul3A_501 : vector<16xf32>
        %exp3A_506 = math.exp %mul3A_505 : vector<16xf32>
        %mul3A_507 = arith.constant -3.200000e+00 : f32
        %mul3A_508 = vector.broadcast %mul3A_507 : f32 to vector<16xf32>
        %mul3A_509 = arith.mulf %mul3A_508, %mul3A_502 : vector<16xf32>
        %exp3A_510 = math.exp %mul3A_509 : vector<16xf32>
        %add3A_511 = arith.addf %exp3A_506, %exp3A_510 : vector<16xf32>
        %mul3A_512 = arith.constant -9.423000e-01 : f32
        %mul3A_513 = vector.broadcast %mul3A_512 : f32 to vector<16xf32>
        %mul3A_514 = arith.mulf %mul3A_513, %mul3A_501 : vector<16xf32>
        %exp3A_515 = math.exp %mul3A_514 : vector<16xf32>
        %mul3A_516 = arith.constant -9.423000e-01 : f32
        %mul3A_517 = vector.broadcast %mul3A_516 : f32 to vector<16xf32>
        %mul3A_518 = arith.mulf %mul3A_517, %mul3A_502 : vector<16xf32>
        %exp3A_519 = math.exp %mul3A_518 : vector<16xf32>
        %add3A_520 = arith.addf %exp3A_515, %exp3A_519 : vector<16xf32>
        %mul3A_521 = arith.constant -4.029000e-01 : f32
        %mul3A_522 = vector.broadcast %mul3A_521 : f32 to vector<16xf32>
        %mul3A_523 = arith.mulf %mul3A_522, %mul3A_501 : vector<16xf32>
        %exp3A_524 = math.exp %mul3A_523 : vector<16xf32>
        %mul3A_525 = arith.constant -4.029000e-01 : f32
        %mul3A_526 = vector.broadcast %mul3A_525 : f32 to vector<16xf32>
        %mul3A_527 = arith.mulf %mul3A_526, %mul3A_502 : vector<16xf32>
        %exp3A_528 = math.exp %mul3A_527 : vector<16xf32>
        %add3A_529 = arith.addf %exp3A_524, %exp3A_528 : vector<16xf32>
        %mul3A_530 = arith.constant -2.016000e-01 : f32
        %mul3A_531 = vector.broadcast %mul3A_530 : f32 to vector<16xf32>
        %mul3A_532 = arith.mulf %mul3A_531, %mul3A_501 : vector<16xf32>
        %exp3A_533 = math.exp %mul3A_532 : vector<16xf32>
        %mul3A_534 = arith.constant -2.016000e-01 : f32
        %mul3A_535 = vector.broadcast %mul3A_534 : f32 to vector<16xf32>
        %mul3A_536 = arith.mulf %mul3A_535, %mul3A_502 : vector<16xf32>
        %exp3A_537 = math.exp %mul3A_536 : vector<16xf32>
        %add3A_538 = arith.addf %exp3A_533, %exp3A_537 : vector<16xf32>
        %mul3A_539 = arith.constant 1.818000e-01 : f32
        %mul3A_540 = vector.broadcast %mul3A_539 : f32 to vector<16xf32>
        %mul3A_541 = arith.mulf %mul3A_540, %add3A_511 : vector<16xf32>
        %mul3A_542 = arith.constant 5.099000e-01 : f32
        %mul3A_543 = vector.broadcast %mul3A_542 : f32 to vector<16xf32>
        %mul3A_544 = arith.mulf %mul3A_543, %add3A_520 : vector<16xf32>
        %add3A_545 = arith.addf %mul3A_541, %mul3A_544 : vector<16xf32>
        %mul3A_546 = arith.constant 2.802000e-01 : f32
        %mul3A_547 = vector.broadcast %mul3A_546 : f32 to vector<16xf32>
        %mul3A_548 = arith.mulf %mul3A_547, %add3A_529 : vector<16xf32>
        %add3A_549 = arith.addf %add3A_545, %mul3A_548 : vector<16xf32>
        %mul3A_550 = arith.constant 2.817000e-02 : f32
        %mul3A_551 = vector.broadcast %mul3A_550 : f32 to vector<16xf32>
        %mul3A_552 = arith.mulf %mul3A_551, %add3A_538 : vector<16xf32>
        %add3A_553 = arith.addf %add3A_549, %mul3A_552 : vector<16xf32>
        %mul3A_554 = arith.mulf %add3A_553, %mul3A_499 : vector<16xf32>
        %jit3A_555 = arith.constant 0.000000e+00 : f32
        %broadcast_in_dim3A_556 = vector.broadcast %jit3A_555 : f32 to vector<16xf32>
        %select_n3A_557 = arith.select %and3A_476, %mul3A_554, %broadcast_in_dim3A_556 : vector<16xi1>, vector<16xf32>
        %add3A_558 = arith.addf %while3A_145, %select_n3A_557 : vector<16xf32>
        scf.yield %add3A_255, %add3A_356, %add3A_457, %add3A_558 : vector<16xf32>, vector<16xf32>, vector<16xf32>, vector<16xf32>
      }
      %while3A_139 = arith.constant 1 : i32
      %while3A_140:4 = scf.for %while3A_141 = %while3A_136 to %while3A_132 step %while3A_139 iter_args(%while3A_142 = %while3A_138#0, %while3A_143 = %while3A_138#1, %while3A_144 = %while3A_138#2, %while3A_145 = %while3A_138#3) -> (vector<16xf32>, vector<16xf32>, vector<16xf32>, vector<16xf32>)  : i32 {
        %mul3A_146 = arith.constant 16 : i32
        %mul3A_147 = arith.muli %while3A_141, %mul3A_146 : i32
        %add3A_148 = arith.addi %shift_left3A_58, %mul3A_147 : i32
        %add3A_149 = vector.broadcast %add3A_148 : i32 to vector<16xi32>
        %add3A_150 = arith.addi %add3A_149, %iota3A : vector<16xi32>
        %get3A_151 = arith.index_cast %add3A_148 : i32 to index
        %get3A_152 = tpu.vector_load %arg8[%get3A_151] {strides = array<i32>} : memref<10064xf32, #tpu.memory_space<vmem>>, vector<16xf32>,
        %get3A_153 = vector.shape_cast %get3A_152 : vector<16xf32> to vector<16xf32>
        %get3A_154 = arith.index_cast %add3A_148 : i32 to index
        %get3A_155 = tpu.vector_load %arg9[%get3A_154] {strides = array<i32>} : memref<10064xf32, #tpu.memory_space<vmem>>, vector<16xf32>,
        %get3A_156 = vector.shape_cast %get3A_155 : vector<16xf32> to vector<16xf32>
        %get3A_157 = arith.index_cast %add3A_148 : i32 to index
        %get3A_158 = tpu.vector_load %arg10[%get3A_157] {strides = array<i32>} : memref<10064xf32, #tpu.memory_space<vmem>>, vector<16xf32>,
        %get3A_159 = vector.shape_cast %get3A_158 : vector<16xf32> to vector<16xf32>
        %get3A_160 = arith.index_cast %add3A_148 : i32 to index
        %get3A_161 = tpu.vector_load %arg12[%get3A_160] {strides = array<i32>} : memref<10064xf32, #tpu.memory_space<vmem>>, vector<16xf32>,
        %get3A_162 = vector.shape_cast %get3A_161 : vector<16xf32> to vector<16xf32>
        %add3A_163 = arith.constant 0 : i32
        %add3A_164 = arith.addi %shift_left3A_30, %add3A_163 : i32
        %sub3A_165 = arith.subf %add3A_69, %get3A_153 : vector<16xf32>
        %sub3A_166 = arith.subf %add3A_85, %get3A_156 : vector<16xf32>
        %sub3A_167 = arith.subf %add3A_101, %get3A_159 : vector<16xf32>
        %mul3A_168 = arith.mulf %sub3A_165, %sub3A_165 : vector<16xf32>
        %mul3A_169 = arith.mulf %sub3A_166, %sub3A_166 : vector<16xf32>
        %add3A_170 = arith.addf %mul3A_168, %mul3A_169 : vector<16xf32>
        %mul3A_171 = arith.mulf %sub3A_167, %sub3A_167 : vector<16xf32>
        %add3A_172 = arith.addf %add3A_170, %mul3A_171 : vector<16xf32>
        %gt3A = vector.broadcast %add3A_164 : i32 to vector<16xi32>
        %gt3A_173 = arith.cmpi sgt, %add3A_150, %gt3A : vector<16xi32>
        %lt3A = vector.broadcast %squeeze3A : i32 to vector<16xi32>
        %lt3A_174 = arith.cmpi slt, %add3A_150, %lt3A : vector<16xi32>
        %and3A = arith.andi %gt3A_173, %lt3A_174 : vector<16xi1>
        %le3A = arith.constant 28.002737 : f32
        %le3A_175 = vector.broadcast %le3A : f32 to vector<16xf32>
        %le3A_176 = arith.cmpf ole, %add3A_172, %le3A_175 : vector<16xf32>
        %and3A_177 = arith.andi %and3A, %le3A_176 : vector<16xi1>
        %bitcast_convert_type3A = tpu.bitcast %add3A_172 : vector<16xf32> -> vector<16xi32>
        %shift_right_arithmetic3A_178 = arith.constant 1 : i32
        %shift_right_arithmetic3A_179 = vector.broadcast %shift_right_arithmetic3A_178 : i32 to vector<16xi32>
        %shift_right_arithmetic3A_180 = arith.shrsi %bitcast_convert_type3A, %shift_right_arithmetic3A_179 : vector<16xi32>
        %sub3A_181 = arith.constant 1597463007 : i32
        %sub3A_182 = vector.broadcast %sub3A_181 : i32 to vector<16xi32>
        %sub3A_183 = arith.subi %sub3A_182, %shift_right_arithmetic3A_180 : vector<16xi32>
        %bitcast_convert_type3A_184 = tpu.bitcast %sub3A_183 : vector<16xi32> -> vector<16xf32>
        %mul3A_185 = arith.constant -5.000000e-01 : f32
        %mul3A_186 = vector.broadcast %mul3A_185 : f32 to vector<16xf32>
        %mul3A_187 = arith.mulf %mul3A_186, %add3A_172 : vector<16xf32>
        %mul3A_188 = arith.mulf %mul3A_187, %bitcast_convert_type3A_184 : vector<16xf32>
        %mul3A_189 = arith.mulf %mul3A_188, %bitcast_convert_type3A_184 : vector<16xf32>
        %add3A_190 = arith.constant 1.500000e+00 : f32
        %add3A_191 = vector.broadcast %add3A_190 : f32 to vector<16xf32>
        %add3A_192 = arith.addf %add3A_191, %mul3A_189 : vector<16xf32>
        %mul3A_193 = arith.mulf %bitcast_convert_type3A_184, %add3A_192 : vector<16xf32>
        %mul3A_194 = arith.mulf %mul3A_187, %mul3A_193 : vector<16xf32>
        %mul3A_195 = arith.mulf %mul3A_194, %mul3A_193 : vector<16xf32>
        %add3A_196 = arith.constant 1.500000e+00 : f32
        %add3A_197 = vector.broadcast %add3A_196 : f32 to vector<16xf32>
        %add3A_198 = arith.addf %add3A_197, %mul3A_195 : vector<16xf32>
        %mul3A_199 = arith.mulf %mul3A_193, %add3A_198 : vector<16xf32>
        %mul3A_200 = arith.mulf %add3A_172, %mul3A_199 : vector<16xf32>
        %mul3A_201 = arith.mulf %mul3A_200, %add3A_117 : vector<16xf32>
        %mul3A_202 = arith.mulf %mul3A_200, %get3A_162 : vector<16xf32>
        %mul3A_203 = arith.constant -3.200000e+00 : f32
        %mul3A_204 = vector.broadcast %mul3A_203 : f32 to vector<16xf32>
        %mul3A_205 = arith.mulf %mul3A_204, %mul3A_201 : vector<16xf32>
        %exp3A = math.exp %mul3A_205 : vector<16xf32>
        %mul3A_206 = arith.constant -3.200000e+00 : f32
        %mul3A_207 = vector.broadcast %mul3A_206 : f32 to vector<16xf32>
        %mul3A_208 = arith.mulf %mul3A_207, %mul3A_202 : vector<16xf32>
        %exp3A_209 = math.exp %mul3A_208 : vector<16xf32>
        %add3A_210 = arith.addf %exp3A, %exp3A_209 : vector<16xf32>
        %mul3A_211 = arith.constant -9.423000e-01 : f32
        %mul3A_212 = vector.broadcast %mul3A_211 : f32 to vector<16xf32>
        %mul3A_213 = arith.mulf %mul3A_212, %mul3A_201 : vector<16xf32>
        %exp3A_214 = math.exp %mul3A_213 : vector<16xf32>
        %mul3A_215 = arith.constant -9.423000e-01 : f32
        %mul3A_216 = vector.broadcast %mul3A_215 : f32 to vector<16xf32>
        %mul3A_217 = arith.mulf %mul3A_216, %mul3A_202 : vector<16xf32>
        %exp3A_218 = math.exp %mul3A_217 : vector<16xf32>
        %add3A_219 = arith.addf %exp3A_214, %exp3A_218 : vector<16xf32>
        %mul3A_220 = arith.constant -4.029000e-01 : f32
        %mul3A_221 = vector.broadcast %mul3A_220 : f32 to vector<16xf32>
        %mul3A_222 = arith.mulf %mul3A_221, %mul3A_201 : vector<16xf32>
        %exp3A_223 = math.exp %mul3A_222 : vector<16xf32>
        %mul3A_224 = arith.constant -4.029000e-01 : f32
        %mul3A_225 = vector.broadcast %mul3A_224 : f32 to vector<16xf32>
        %mul3A_226 = arith.mulf %mul3A_225, %mul3A_202 : vector<16xf32>
        %exp3A_227 = math.exp %mul3A_226 : vector<16xf32>
        %add3A_228 = arith.addf %exp3A_223, %exp3A_227 : vector<16xf32>
        %mul3A_229 = arith.constant -2.016000e-01 : f32
        %mul3A_230 = vector.broadcast %mul3A_229 : f32 to vector<16xf32>
        %mul3A_231 = arith.mulf %mul3A_230, %mul3A_201 : vector<16xf32>
        %exp3A_232 = math.exp %mul3A_231 : vector<16xf32>
        %mul3A_233 = arith.constant -2.016000e-01 : f32
        %mul3A_234 = vector.broadcast %mul3A_233 : f32 to vector<16xf32>
        %mul3A_235 = arith.mulf %mul3A_234, %mul3A_202 : vector<16xf32>
        %exp3A_236 = math.exp %mul3A_235 : vector<16xf32>
        %add3A_237 = arith.addf %exp3A_232, %exp3A_236 : vector<16xf32>
        %mul3A_238 = arith.constant 1.818000e-01 : f32
        %mul3A_239 = vector.broadcast %mul3A_238 : f32 to vector<16xf32>
        %mul3A_240 = arith.mulf %mul3A_239, %add3A_210 : vector<16xf32>
        %mul3A_241 = arith.constant 5.099000e-01 : f32
        %mul3A_242 = vector.broadcast %mul3A_241 : f32 to vector<16xf32>
        %mul3A_243 = arith.mulf %mul3A_242, %add3A_219 : vector<16xf32>
        %add3A_244 = arith.addf %mul3A_240, %mul3A_243 : vector<16xf32>
        %mul3A_245 = arith.constant 2.802000e-01 : f32
        %mul3A_246 = vector.broadcast %mul3A_245 : f32 to vector<16xf32>
        %mul3A_247 = arith.mulf %mul3A_246, %add3A_228 : vector<16xf32>
        %add3A_248 = arith.addf %add3A_244, %mul3A_247 : vector<16xf32>
        %mul3A_249 = arith.constant 2.817000e-02 : f32
        %mul3A_250 = vector.broadcast %mul3A_249 : f32 to vector<16xf32>
        %mul3A_251 = arith.mulf %mul3A_250, %add3A_237 : vector<16xf32>
        %add3A_252 = arith.addf %add3A_248, %mul3A_251 : vector<16xf32>
        %mul3A_253 = arith.mulf %add3A_252, %mul3A_199 : vector<16xf32>
        %jit3A = arith.constant 0.000000e+00 : f32
        %broadcast_in_dim3A_254 = vector.broadcast %jit3A : f32 to vector<16xf32>
        %select_n3A = arith.select %and3A_177, %mul3A_253, %broadcast_in_dim3A_254 : vector<16xi1>, vector<16xf32>
        %add3A_255 = arith.addf %while3A_142, %select_n3A : vector<16xf32>
        %add3A_256 = arith.constant 1 : i32
        %add3A_257 = arith.addi %shift_left3A_30, %add3A_256 : i32
        %sub3A_258 = arith.subf %add3A_73, %get3A_153 : vector<16xf32>
        %sub3A_259 = arith.subf %add3A_89, %get3A_156 : vector<16xf32>
        %sub3A_260 = arith.subf %add3A_105, %get3A_159 : vector<16xf32>
        %mul3A_261 = arith.mulf %sub3A_258, %sub3A_258 : vector<16xf32>
        %mul3A_262 = arith.mulf %sub3A_259, %sub3A_259 : vector<16xf32>
        %add3A_263 = arith.addf %mul3A_261, %mul3A_262 : vector<16xf32>
        %mul3A_264 = arith.mulf %sub3A_260, %sub3A_260 : vector<16xf32>
        %add3A_265 = arith.addf %add3A_263, %mul3A_264 : vector<16xf32>
        %gt3A_266 = vector.broadcast %add3A_257 : i32 to vector<16xi32>
        %gt3A_267 = arith.cmpi sgt, %add3A_150, %gt3A_266 : vector<16xi32>
        %lt3A_268 = vector.broadcast %squeeze3A_46 : i32 to vector<16xi32>
        %lt3A_269 = arith.cmpi slt, %add3A_150, %lt3A_268 : vector<16xi32>
        %and3A_270 = arith.andi %gt3A_267, %lt3A_269 : vector<16xi1>
        %le3A_271 = arith.constant 28.002737 : f32
        %le3A_272 = vector.broadcast %le3A_271 : f32 to vector<16xf32>
        %le3A_273 = arith.cmpf ole, %add3A_265, %le3A_272 : vector<16xf32>
        %and3A_274 = arith.andi %and3A_270, %le3A_273 : vector<16xi1>
        %bitcast_convert_type3A_275 = tpu.bitcast %add3A_265 : vector<16xf32> -> vector<16xi32>
        %shift_right_arithmetic3A_276 = arith.constant 1 : i32
        %shift_right_arithmetic3A_277 = vector.broadcast %shift_right_arithmetic3A_276 : i32 to vector<16xi32>
        %shift_right_arithmetic3A_278 = arith.shrsi %bitcast_convert_type3A_275, %shift_right_arithmetic3A_277 : vector<16xi32>
        %sub3A_279 = arith.constant 1597463007 : i32
        %sub3A_280 = vector.broadcast %sub3A_279 : i32 to vector<16xi32>
        %sub3A_281 = arith.subi %sub3A_280, %shift_right_arithmetic3A_278 : vector<16xi32>
        %bitcast_convert_type3A_282 = tpu.bitcast %sub3A_281 : vector<16xi32> -> vector<16xf32>
        %mul3A_283 = arith.constant -5.000000e-01 : f32
        %mul3A_284 = vector.broadcast %mul3A_283 : f32 to vector<16xf32>
        %mul3A_285 = arith.mulf %mul3A_284, %add3A_265 : vector<16xf32>
        %mul3A_286 = arith.mulf %mul3A_285, %bitcast_convert_type3A_282 : vector<16xf32>
        %mul3A_287 = arith.mulf %mul3A_286, %bitcast_convert_type3A_282 : vector<16xf32>
        %add3A_288 = arith.constant 1.500000e+00 : f32
        %add3A_289 = vector.broadcast %add3A_288 : f32 to vector<16xf32>
        %add3A_290 = arith.addf %add3A_289, %mul3A_287 : vector<16xf32>
        %mul3A_291 = arith.mulf %bitcast_convert_type3A_282, %add3A_290 : vector<16xf32>
        %mul3A_292 = arith.mulf %mul3A_285, %mul3A_291 : vector<16xf32>
        %mul3A_293 = arith.mulf %mul3A_292, %mul3A_291 : vector<16xf32>
        %add3A_294 = arith.constant 1.500000e+00 : f32
        %add3A_295 = vector.broadcast %add3A_294 : f32 to vector<16xf32>
        %add3A_296 = arith.addf %add3A_295, %mul3A_293 : vector<16xf32>
        %mul3A_297 = arith.mulf %mul3A_291, %add3A_296 : vector<16xf32>
        %mul3A_298 = arith.mulf %add3A_265, %mul3A_297 : vector<16xf32>
        %mul3A_299 = arith.mulf %mul3A_298, %add3A_121 : vector<16xf32>
        %mul3A_300 = arith.mulf %mul3A_298, %get3A_162 : vector<16xf32>
        %mul3A_301 = arith.constant -3.200000e+00 : f32
        %mul3A_302 = vector.broadcast %mul3A_301 : f32 to vector<16xf32>
        %mul3A_303 = arith.mulf %mul3A_302, %mul3A_299 : vector<16xf32>
        %exp3A_304 = math.exp %mul3A_303 : vector<16xf32>
        %mul3A_305 = arith.constant -3.200000e+00 : f32
        %mul3A_306 = vector.broadcast %mul3A_305 : f32 to vector<16xf32>
        %mul3A_307 = arith.mulf %mul3A_306, %mul3A_300 : vector<16xf32>
        %exp3A_308 = math.exp %mul3A_307 : vector<16xf32>
        %add3A_309 = arith.addf %exp3A_304, %exp3A_308 : vector<16xf32>
        %mul3A_310 = arith.constant -9.423000e-01 : f32
        %mul3A_311 = vector.broadcast %mul3A_310 : f32 to vector<16xf32>
        %mul3A_312 = arith.mulf %mul3A_311, %mul3A_299 : vector<16xf32>
        %exp3A_313 = math.exp %mul3A_312 : vector<16xf32>
        %mul3A_314 = arith.constant -9.423000e-01 : f32
        %mul3A_315 = vector.broadcast %mul3A_314 : f32 to vector<16xf32>
        %mul3A_316 = arith.mulf %mul3A_315, %mul3A_300 : vector<16xf32>
        %exp3A_317 = math.exp %mul3A_316 : vector<16xf32>
        %add3A_318 = arith.addf %exp3A_313, %exp3A_317 : vector<16xf32>
        %mul3A_319 = arith.constant -4.029000e-01 : f32
        %mul3A_320 = vector.broadcast %mul3A_319 : f32 to vector<16xf32>
        %mul3A_321 = arith.mulf %mul3A_320, %mul3A_299 : vector<16xf32>
        %exp3A_322 = math.exp %mul3A_321 : vector<16xf32>
        %mul3A_323 = arith.constant -4.029000e-01 : f32
        %mul3A_324 = vector.broadcast %mul3A_323 : f32 to vector<16xf32>
        %mul3A_325 = arith.mulf %mul3A_324, %mul3A_300 : vector<16xf32>
        %exp3A_326 = math.exp %mul3A_325 : vector<16xf32>
        %add3A_327 = arith.addf %exp3A_322, %exp3A_326 : vector<16xf32>
        %mul3A_328 = arith.constant -2.016000e-01 : f32
        %mul3A_329 = vector.broadcast %mul3A_328 : f32 to vector<16xf32>
        %mul3A_330 = arith.mulf %mul3A_329, %mul3A_299 : vector<16xf32>
        %exp3A_331 = math.exp %mul3A_330 : vector<16xf32>
        %mul3A_332 = arith.constant -2.016000e-01 : f32
        %mul3A_333 = vector.broadcast %mul3A_332 : f32 to vector<16xf32>
        %mul3A_334 = arith.mulf %mul3A_333, %mul3A_300 : vector<16xf32>
        %exp3A_335 = math.exp %mul3A_334 : vector<16xf32>
        %add3A_336 = arith.addf %exp3A_331, %exp3A_335 : vector<16xf32>
        %mul3A_337 = arith.constant 1.818000e-01 : f32
        %mul3A_338 = vector.broadcast %mul3A_337 : f32 to vector<16xf32>
        %mul3A_339 = arith.mulf %mul3A_338, %add3A_309 : vector<16xf32>
        %mul3A_340 = arith.constant 5.099000e-01 : f32
        %mul3A_341 = vector.broadcast %mul3A_340 : f32 to vector<16xf32>
        %mul3A_342 = arith.mulf %mul3A_341, %add3A_318 : vector<16xf32>
        %add3A_343 = arith.addf %mul3A_339, %mul3A_342 : vector<16xf32>
        %mul3A_344 = arith.constant 2.802000e-01 : f32
        %mul3A_345 = vector.broadcast %mul3A_344 : f32 to vector<16xf32>
        %mul3A_346 = arith.mulf %mul3A_345, %add3A_327 : vector<16xf32>
        %add3A_347 = arith.addf %add3A_343, %mul3A_346 : vector<16xf32>
        %mul3A_348 = arith.constant 2.817000e-02 : f32
        %mul3A_349 = vector.broadcast %mul3A_348 : f32 to vector<16xf32>
        %mul3A_350 = arith.mulf %mul3A_349, %add3A_336 : vector<16xf32>
        %add3A_351 = arith.addf %add3A_347, %mul3A_350 : vector<16xf32>
        %mul3A_352 = arith.mulf %add3A_351, %mul3A_297 : vector<16xf32>
        %jit3A_353 = arith.constant 0.000000e+00 : f32
        %broadcast_in_dim3A_354 = vector.broadcast %jit3A_353 : f32 to vector<16xf32>
        %select_n3A_355 = arith.select %and3A_274, %mul3A_352, %broadcast_in_dim3A_354 : vector<16xi1>, vector<16xf32>
        %add3A_356 = arith.addf %while3A_143, %select_n3A_355 : vector<16xf32>
        %add3A_357 = arith.constant 2 : i32
        %add3A_358 = arith.addi %shift_left3A_30, %add3A_357 : i32
        %sub3A_359 = arith.subf %add3A_77, %get3A_153 : vector<16xf32>
        %sub3A_360 = arith.subf %add3A_93, %get3A_156 : vector<16xf32>
        %sub3A_361 = arith.subf %add3A_109, %get3A_159 : vector<16xf32>
        %mul3A_362 = arith.mulf %sub3A_359, %sub3A_359 : vector<16xf32>
        %mul3A_363 = arith.mulf %sub3A_360, %sub3A_360 : vector<16xf32>
        %add3A_364 = arith.addf %mul3A_362, %mul3A_363 : vector<16xf32>
        %mul3A_365 = arith.mulf %sub3A_361, %sub3A_361 : vector<16xf32>
        %add3A_366 = arith.addf %add3A_364, %mul3A_365 : vector<16xf32>
        %gt3A_367 = vector.broadcast %add3A_358 : i32 to vector<16xi32>
        %gt3A_368 = arith.cmpi sgt, %add3A_150, %gt3A_367 : vector<16xi32>
        %lt3A_369 = vector.broadcast %squeeze3A_48 : i32 to vector<16xi32>
        %lt3A_370 = arith.cmpi slt, %add3A_150, %lt3A_369 : vector<16xi32>
        %and3A_371 = arith.andi %gt3A_368, %lt3A_370 : vector<16xi1>
        %le3A_372 = arith.constant 28.002737 : f32
        %le3A_373 = vector.broadcast %le3A_372 : f32 to vector<16xf32>
        %le3A_374 = arith.cmpf ole, %add3A_366, %le3A_373 : vector<16xf32>
        %and3A_375 = arith.andi %and3A_371, %le3A_374 : vector<16xi1>
        %bitcast_convert_type3A_376 = tpu.bitcast %add3A_366 : vector<16xf32> -> vector<16xi32>
        %shift_right_arithmetic3A_377 = arith.constant 1 : i32
        %shift_right_arithmetic3A_378 = vector.broadcast %shift_right_arithmetic3A_377 : i32 to vector<16xi32>
        %shift_right_arithmetic3A_379 = arith.shrsi %bitcast_convert_type3A_376, %shift_right_arithmetic3A_378 : vector<16xi32>
        %sub3A_380 = arith.constant 1597463007 : i32
        %sub3A_381 = vector.broadcast %sub3A_380 : i32 to vector<16xi32>
        %sub3A_382 = arith.subi %sub3A_381, %shift_right_arithmetic3A_379 : vector<16xi32>
        %bitcast_convert_type3A_383 = tpu.bitcast %sub3A_382 : vector<16xi32> -> vector<16xf32>
        %mul3A_384 = arith.constant -5.000000e-01 : f32
        %mul3A_385 = vector.broadcast %mul3A_384 : f32 to vector<16xf32>
        %mul3A_386 = arith.mulf %mul3A_385, %add3A_366 : vector<16xf32>
        %mul3A_387 = arith.mulf %mul3A_386, %bitcast_convert_type3A_383 : vector<16xf32>
        %mul3A_388 = arith.mulf %mul3A_387, %bitcast_convert_type3A_383 : vector<16xf32>
        %add3A_389 = arith.constant 1.500000e+00 : f32
        %add3A_390 = vector.broadcast %add3A_389 : f32 to vector<16xf32>
        %add3A_391 = arith.addf %add3A_390, %mul3A_388 : vector<16xf32>
        %mul3A_392 = arith.mulf %bitcast_convert_type3A_383, %add3A_391 : vector<16xf32>
        %mul3A_393 = arith.mulf %mul3A_386, %mul3A_392 : vector<16xf32>
        %mul3A_394 = arith.mulf %mul3A_393, %mul3A_392 : vector<16xf32>
        %add3A_395 = arith.constant 1.500000e+00 : f32
        %add3A_396 = vector.broadcast %add3A_395 : f32 to vector<16xf32>
        %add3A_397 = arith.addf %add3A_396, %mul3A_394 : vector<16xf32>
        %mul3A_398 = arith.mulf %mul3A_392, %add3A_397 : vector<16xf32>
        %mul3A_399 = arith.mulf %add3A_366, %mul3A_398 : vector<16xf32>
        %mul3A_400 = arith.mulf %mul3A_399, %add3A_125 : vector<16xf32>
        %mul3A_401 = arith.mulf %mul3A_399, %get3A_162 : vector<16xf32>
        %mul3A_402 = arith.constant -3.200000e+00 : f32
        %mul3A_403 = vector.broadcast %mul3A_402 : f32 to vector<16xf32>
        %mul3A_404 = arith.mulf %mul3A_403, %mul3A_400 : vector<16xf32>
        %exp3A_405 = math.exp %mul3A_404 : vector<16xf32>
        %mul3A_406 = arith.constant -3.200000e+00 : f32
        %mul3A_407 = vector.broadcast %mul3A_406 : f32 to vector<16xf32>
        %mul3A_408 = arith.mulf %mul3A_407, %mul3A_401 : vector<16xf32>
        %exp3A_409 = math.exp %mul3A_408 : vector<16xf32>
        %add3A_410 = arith.addf %exp3A_405, %exp3A_409 : vector<16xf32>
        %mul3A_411 = arith.constant -9.423000e-01 : f32
        %mul3A_412 = vector.broadcast %mul3A_411 : f32 to vector<16xf32>
        %mul3A_413 = arith.mulf %mul3A_412, %mul3A_400 : vector<16xf32>
        %exp3A_414 = math.exp %mul3A_413 : vector<16xf32>
        %mul3A_415 = arith.constant -9.423000e-01 : f32
        %mul3A_416 = vector.broadcast %mul3A_415 : f32 to vector<16xf32>
        %mul3A_417 = arith.mulf %mul3A_416, %mul3A_401 : vector<16xf32>
        %exp3A_418 = math.exp %mul3A_417 : vector<16xf32>
        %add3A_419 = arith.addf %exp3A_414, %exp3A_418 : vector<16xf32>
        %mul3A_420 = arith.constant -4.029000e-01 : f32
        %mul3A_421 = vector.broadcast %mul3A_420 : f32 to vector<16xf32>
        %mul3A_422 = arith.mulf %mul3A_421, %mul3A_400 : vector<16xf32>
        %exp3A_423 = math.exp %mul3A_422 : vector<16xf32>
        %mul3A_424 = arith.constant -4.029000e-01 : f32
        %mul3A_425 = vector.broadcast %mul3A_424 : f32 to vector<16xf32>
        %mul3A_426 = arith.mulf %mul3A_425, %mul3A_401 : vector<16xf32>
        %exp3A_427 = math.exp %mul3A_426 : vector<16xf32>
        %add3A_428 = arith.addf %exp3A_423, %exp3A_427 : vector<16xf32>
        %mul3A_429 = arith.constant -2.016000e-01 : f32
        %mul3A_430 = vector.broadcast %mul3A_429 : f32 to vector<16xf32>
        %mul3A_431 = arith.mulf %mul3A_430, %mul3A_400 : vector<16xf32>
        %exp3A_432 = math.exp %mul3A_431 : vector<16xf32>
        %mul3A_433 = arith.constant -2.016000e-01 : f32
        %mul3A_434 = vector.broadcast %mul3A_433 : f32 to vector<16xf32>
        %mul3A_435 = arith.mulf %mul3A_434, %mul3A_401 : vector<16xf32>
        %exp3A_436 = math.exp %mul3A_435 : vector<16xf32>
        %add3A_437 = arith.addf %exp3A_432, %exp3A_436 : vector<16xf32>
        %mul3A_438 = arith.constant 1.818000e-01 : f32
        %mul3A_439 = vector.broadcast %mul3A_438 : f32 to vector<16xf32>
        %mul3A_440 = arith.mulf %mul3A_439, %add3A_410 : vector<16xf32>
        %mul3A_441 = arith.constant 5.099000e-01 : f32
        %mul3A_442 = vector.broadcast %mul3A_441 : f32 to vector<16xf32>
        %mul3A_443 = arith.mulf %mul3A_442, %add3A_419 : vector<16xf32>
        %add3A_444 = arith.addf %mul3A_440, %mul3A_443 : vector<16xf32>
        %mul3A_445 = arith.constant 2.802000e-01 : f32
        %mul3A_446 = vector.broadcast %mul3A_445 : f32 to vector<16xf32>
        %mul3A_447 = arith.mulf %mul3A_446, %add3A_428 : vector<16xf32>
        %add3A_448 = arith.addf %add3A_444, %mul3A_447 : vector<16xf32>
        %mul3A_449 = arith.constant 2.817000e-02 : f32
        %mul3A_450 = vector.broadcast %mul3A_449 : f32 to vector<16xf32>
        %mul3A_451 = arith.mulf %mul3A_450, %add3A_437 : vector<16xf32>
        %add3A_452 = arith.addf %add3A_448, %mul3A_451 : vector<16xf32>
        %mul3A_453 = arith.mulf %add3A_452, %mul3A_398 : vector<16xf32>
        %jit3A_454 = arith.constant 0.000000e+00 : f32
        %broadcast_in_dim3A_455 = vector.broadcast %jit3A_454 : f32 to vector<16xf32>
        %select_n3A_456 = arith.select %and3A_375, %mul3A_453, %broadcast_in_dim3A_455 : vector<16xi1>, vector<16xf32>
        %add3A_457 = arith.addf %while3A_144, %select_n3A_456 : vector<16xf32>
        %add3A_458 = arith.constant 3 : i32
        %add3A_459 = arith.addi %shift_left3A_30, %add3A_458 : i32
        %sub3A_460 = arith.subf %add3A_81, %get3A_153 : vector<16xf32>
        %sub3A_461 = arith.subf %add3A_97, %get3A_156 : vector<16xf32>
        %sub3A_462 = arith.subf %add3A_113, %get3A_159 : vector<16xf32>
        %mul3A_463 = arith.mulf %sub3A_460, %sub3A_460 : vector<16xf32>
        %mul3A_464 = arith.mulf %sub3A_461, %sub3A_461 : vector<16xf32>
        %add3A_465 = arith.addf %mul3A_463, %mul3A_464 : vector<16xf32>
        %mul3A_466 = arith.mulf %sub3A_462, %sub3A_462 : vector<16xf32>
        %add3A_467 = arith.addf %add3A_465, %mul3A_466 : vector<16xf32>
        %gt3A_468 = vector.broadcast %add3A_459 : i32 to vector<16xi32>
        %gt3A_469 = arith.cmpi sgt, %add3A_150, %gt3A_468 : vector<16xi32>
        %lt3A_470 = vector.broadcast %squeeze3A_50 : i32 to vector<16xi32>
        %lt3A_471 = arith.cmpi slt, %add3A_150, %lt3A_470 : vector<16xi32>
        %and3A_472 = arith.andi %gt3A_469, %lt3A_471 : vector<16xi1>
        %le3A_473 = arith.constant 28.002737 : f32
        %le3A_474 = vector.broadcast %le3A_473 : f32 to vector<16xf32>
        %le3A_475 = arith.cmpf ole, %add3A_467, %le3A_474 : vector<16xf32>
        %and3A_476 = arith.andi %and3A_472, %le3A_475 : vector<16xi1>
        %bitcast_convert_type3A_477 = tpu.bitcast %add3A_467 : vector<16xf32> -> vector<16xi32>
        %shift_right_arithmetic3A_478 = arith.constant 1 : i32
        %shift_right_arithmetic3A_479 = vector.broadcast %shift_right_arithmetic3A_478 : i32 to vector<16xi32>
        %shift_right_arithmetic3A_480 = arith.shrsi %bitcast_convert_type3A_477, %shift_right_arithmetic3A_479 : vector<16xi32>
        %sub3A_481 = arith.constant 1597463007 : i32
        %sub3A_482 = vector.broadcast %sub3A_481 : i32 to vector<16xi32>
        %sub3A_483 = arith.subi %sub3A_482, %shift_right_arithmetic3A_480 : vector<16xi32>
        %bitcast_convert_type3A_484 = tpu.bitcast %sub3A_483 : vector<16xi32> -> vector<16xf32>
        %mul3A_485 = arith.constant -5.000000e-01 : f32
        %mul3A_486 = vector.broadcast %mul3A_485 : f32 to vector<16xf32>
        %mul3A_487 = arith.mulf %mul3A_486, %add3A_467 : vector<16xf32>
        %mul3A_488 = arith.mulf %mul3A_487, %bitcast_convert_type3A_484 : vector<16xf32>
        %mul3A_489 = arith.mulf %mul3A_488, %bitcast_convert_type3A_484 : vector<16xf32>
        %add3A_490 = arith.constant 1.500000e+00 : f32
        %add3A_491 = vector.broadcast %add3A_490 : f32 to vector<16xf32>
        %add3A_492 = arith.addf %add3A_491, %mul3A_489 : vector<16xf32>
        %mul3A_493 = arith.mulf %bitcast_convert_type3A_484, %add3A_492 : vector<16xf32>
        %mul3A_494 = arith.mulf %mul3A_487, %mul3A_493 : vector<16xf32>
        %mul3A_495 = arith.mulf %mul3A_494, %mul3A_493 : vector<16xf32>
        %add3A_496 = arith.constant 1.500000e+00 : f32
        %add3A_497 = vector.broadcast %add3A_496 : f32 to vector<16xf32>
        %add3A_498 = arith.addf %add3A_497, %mul3A_495 : vector<16xf32>
        %mul3A_499 = arith.mulf %mul3A_493, %add3A_498 : vector<16xf32>
        %mul3A_500 = arith.mulf %add3A_467, %mul3A_499 : vector<16xf32>
        %mul3A_501 = arith.mulf %mul3A_500, %add3A_129 : vector<16xf32>
        %mul3A_502 = arith.mulf %mul3A_500, %get3A_162 : vector<16xf32>
        %mul3A_503 = arith.constant -3.200000e+00 : f32
        %mul3A_504 = vector.broadcast %mul3A_503 : f32 to vector<16xf32>
        %mul3A_505 = arith.mulf %mul3A_504, %mul3A_501 : vector<16xf32>
        %exp3A_506 = math.exp %mul3A_505 : vector<16xf32>
        %mul3A_507 = arith.constant -3.200000e+00 : f32
        %mul3A_508 = vector.broadcast %mul3A_507 : f32 to vector<16xf32>
        %mul3A_509 = arith.mulf %mul3A_508, %mul3A_502 : vector<16xf32>
        %exp3A_510 = math.exp %mul3A_509 : vector<16xf32>
        %add3A_511 = arith.addf %exp3A_506, %exp3A_510 : vector<16xf32>
        %mul3A_512 = arith.constant -9.423000e-01 : f32
        %mul3A_513 = vector.broadcast %mul3A_512 : f32 to vector<16xf32>
        %mul3A_514 = arith.mulf %mul3A_513, %mul3A_501 : vector<16xf32>
        %exp3A_515 = math.exp %mul3A_514 : vector<16xf32>
        %mul3A_516 = arith.constant -9.423000e-01 : f32
        %mul3A_517 = vector.broadcast %mul3A_516 : f32 to vector<16xf32>
        %mul3A_518 = arith.mulf %mul3A_517, %mul3A_502 : vector<16xf32>
        %exp3A_519 = math.exp %mul3A_518 : vector<16xf32>
        %add3A_520 = arith.addf %exp3A_515, %exp3A_519 : vector<16xf32>
        %mul3A_521 = arith.constant -4.029000e-01 : f32
        %mul3A_522 = vector.broadcast %mul3A_521 : f32 to vector<16xf32>
        %mul3A_523 = arith.mulf %mul3A_522, %mul3A_501 : vector<16xf32>
        %exp3A_524 = math.exp %mul3A_523 : vector<16xf32>
        %mul3A_525 = arith.constant -4.029000e-01 : f32
        %mul3A_526 = vector.broadcast %mul3A_525 : f32 to vector<16xf32>
        %mul3A_527 = arith.mulf %mul3A_526, %mul3A_502 : vector<16xf32>
        %exp3A_528 = math.exp %mul3A_527 : vector<16xf32>
        %add3A_529 = arith.addf %exp3A_524, %exp3A_528 : vector<16xf32>
        %mul3A_530 = arith.constant -2.016000e-01 : f32
        %mul3A_531 = vector.broadcast %mul3A_530 : f32 to vector<16xf32>
        %mul3A_532 = arith.mulf %mul3A_531, %mul3A_501 : vector<16xf32>
        %exp3A_533 = math.exp %mul3A_532 : vector<16xf32>
        %mul3A_534 = arith.constant -2.016000e-01 : f32
        %mul3A_535 = vector.broadcast %mul3A_534 : f32 to vector<16xf32>
        %mul3A_536 = arith.mulf %mul3A_535, %mul3A_502 : vector<16xf32>
        %exp3A_537 = math.exp %mul3A_536 : vector<16xf32>
        %add3A_538 = arith.addf %exp3A_533, %exp3A_537 : vector<16xf32>
        %mul3A_539 = arith.constant 1.818000e-01 : f32
        %mul3A_540 = vector.broadcast %mul3A_539 : f32 to vector<16xf32>
        %mul3A_541 = arith.mulf %mul3A_540, %add3A_511 : vector<16xf32>
        %mul3A_542 = arith.constant 5.099000e-01 : f32
        %mul3A_543 = vector.broadcast %mul3A_542 : f32 to vector<16xf32>
        %mul3A_544 = arith.mulf %mul3A_543, %add3A_520 : vector<16xf32>
        %add3A_545 = arith.addf %mul3A_541, %mul3A_544 : vector<16xf32>
        %mul3A_546 = arith.constant 2.802000e-01 : f32
        %mul3A_547 = vector.broadcast %mul3A_546 : f32 to vector<16xf32>
        %mul3A_548 = arith.mulf %mul3A_547, %add3A_529 : vector<16xf32>
        %add3A_549 = arith.addf %add3A_545, %mul3A_548 : vector<16xf32>
        %mul3A_550 = arith.constant 2.817000e-02 : f32
        %mul3A_551 = vector.broadcast %mul3A_550 : f32 to vector<16xf32>
        %mul3A_552 = arith.mulf %mul3A_551, %add3A_538 : vector<16xf32>
        %add3A_553 = arith.addf %add3A_549, %mul3A_552 : vector<16xf32>
        %mul3A_554 = arith.mulf %add3A_553, %mul3A_499 : vector<16xf32>
        %jit3A_555 = arith.constant 0.000000e+00 : f32
        %broadcast_in_dim3A_556 = vector.broadcast %jit3A_555 : f32 to vector<16xf32>
        %select_n3A_557 = arith.select %and3A_476, %mul3A_554, %broadcast_in_dim3A_556 : vector<16xi1>, vector<16xf32>
        %add3A_558 = arith.addf %while3A_145, %select_n3A_557 : vector<16xf32>
        scf.yield %add3A_255, %add3A_356, %add3A_457, %add3A_558 : vector<16xf32>, vector<16xf32>, vector<16xf32>, vector<16xf32>
      }
      scf.yield %while3A_140#0, %while3A_140#1, %while3A_140#2, %while3A_140#3 : vector<16xf32>, vector<16xf32>, vector<16xf32>, vector<16xf32>
    }
    %while3A_14 = arith.constant 1 : i32
    %while3A_15:4 = scf.for %while3A_22 = %while3A_11 to %while3A_7 step %while3A_14 iter_args(%while3A_23 = %while3A_13#0, %while3A_24 = %while3A_13#1, %while3A_25 = %while3A_13#2, %while3A_26 = %while3A_13#3) -> (vector<16xf32>, vector<16xf32>, vector<16xf32>, vector<16xf32>)  : i32 {
      %shift_left3A = arith.constant 5 : i32
      %shift_left3A_27 = arith.shli %while3A_22, %shift_left3A : i32
      %add3A_28 = arith.addi %add3A, %shift_left3A_27 : i32
      %shift_left3A_29 = arith.constant 2 : i32
      %shift_left3A_30 = arith.shli %add3A_28, %shift_left3A_29 : i32
      %get3A = arith.index_cast %shift_left3A_30 : i32 to index
      %get3A_31 = tpu.vector_load %arg11[%get3A] {strides = array<i32>} : memref<10064xi32, #tpu.memory_space<vmem>>, vector<16xi32>,
      %get3A_32 = vector.shape_cast %get3A_31 : vector<16xi32> to vector<16xi32>
      %get3A_33 = arith.index_cast %shift_left3A_30 : i32 to index
      %get3A_34 = tpu.vector_load %arg12[%get3A_33] {strides = array<i32>} : memref<10064xf32, #tpu.memory_space<vmem>>, vector<16xf32>,
      %get3A_35 = vector.shape_cast %get3A_34 : vector<16xf32> to vector<16xf32>
      %get3A_36 = arith.index_cast %shift_left3A_30 : i32 to index
      %get3A_37 = tpu.vector_load %arg8[%get3A_36] {strides = array<i32>} : memref<10064xf32, #tpu.memory_space<vmem>>, vector<16xf32>,
      %get3A_38 = vector.shape_cast %get3A_37 : vector<16xf32> to vector<16xf32>
      %get3A_39 = arith.index_cast %shift_left3A_30 : i32 to index
      %get3A_40 = tpu.vector_load %arg9[%get3A_39] {strides = array<i32>} : memref<10064xf32, #tpu.memory_space<vmem>>, vector<16xf32>,
      %get3A_41 = vector.shape_cast %get3A_40 : vector<16xf32> to vector<16xf32>
      %get3A_42 = arith.index_cast %shift_left3A_30 : i32 to index
      %get3A_43 = tpu.vector_load %arg10[%get3A_42] {strides = array<i32>} : memref<10064xf32, #tpu.memory_space<vmem>>, vector<16xf32>,
      %get3A_44 = vector.shape_cast %get3A_43 : vector<16xf32> to vector<16xf32>
      %slice3A = vector.extract_strided_slice %get3A_32 {offsets = [0], sizes = [1], strides = [1]} : vector<16xi32> to vector<1xi32>
      %squeeze3A = vector.extract %slice3A[0] : i32 from vector<1xi32>
      %slice3A_45 = vector.extract_strided_slice %get3A_32 {offsets = [1], sizes = [1], strides = [1]} : vector<16xi32> to vector<1xi32>
      %squeeze3A_46 = vector.extract %slice3A_45[0] : i32 from vector<1xi32>
      %slice3A_47 = vector.extract_strided_slice %get3A_32 {offsets = [2], sizes = [1], strides = [1]} : vector<16xi32> to vector<1xi32>
      %squeeze3A_48 = vector.extract %slice3A_47[0] : i32 from vector<1xi32>
      %slice3A_49 = vector.extract_strided_slice %get3A_32 {offsets = [3], sizes = [1], strides = [1]} : vector<16xi32> to vector<1xi32>
      %squeeze3A_50 = vector.extract %slice3A_49[0] : i32 from vector<1xi32>
      %max3A = arith.maxsi %squeeze3A, %squeeze3A_46 : i32
      %max3A_51 = arith.maxsi %squeeze3A_48, %squeeze3A_50 : i32
      %max3A_52 = arith.maxsi %max3A, %max3A_51 : i32
      %add3A_53 = arith.constant 1 : i32
      %add3A_54 = arith.addi %shift_left3A_30, %add3A_53 : i32
      %shift_right_arithmetic3A_55 = arith.constant 4 : i32
      %shift_right_arithmetic3A_56 = arith.shrsi %add3A_54, %shift_right_arithmetic3A_55 : i32
      %shift_left3A_57 = arith.constant 4 : i32
      %shift_left3A_58 = arith.shli %shift_right_arithmetic3A_56, %shift_left3A_57 : i32
      %sub3A_59 = arith.subi %max3A_52, %shift_left3A_58 : i32
      %add3A_60 = arith.constant 16 : i32
      %add3A_61 = arith.addi %sub3A_59, %add3A_60 : i32
      %sub3A_62 = arith.constant 1 : i32
      %sub3A_63 = arith.subi %add3A_61, %sub3A_62 : i32
      %shift_right_arithmetic3A_64 = arith.constant 4 : i32
      %shift_right_arithmetic3A_65 = arith.shrsi %sub3A_63, %shift_right_arithmetic3A_64 : i32
      %slice3A_66 = vector.extract_strided_slice %get3A_38 {offsets = [0], sizes = [1], strides = [1]} : vector<16xf32> to vector<1xf32>
      %squeeze3A_67 = vector.extract %slice3A_66[0] : f32 from vector<1xf32>
      %add3A_68 = vector.broadcast %squeeze3A_67 : f32 to vector<16xf32>
      %add3A_69 = arith.addf %add3A_68, %broadcast_in_dim3A_1 : vector<16xf32>
      %slice3A_70 = vector.extract_strided_slice %get3A_38 {offsets = [1], sizes = [1], strides = [1]} : vector<16xf32> to vector<1xf32>
      %squeeze3A_71 = vector.extract %slice3A_70[0] : f32 from vector<1xf32>
      %add3A_72 = vector.broadcast %squeeze3A_71 : f32 to vector<16xf32>
      %add3A_73 = arith.addf %add3A_72, %broadcast_in_dim3A_1 : vector<16xf32>
      %slice3A_74 = vector.extract_strided_slice %get3A_38 {offsets = [2], sizes = [1], strides = [1]} : vector<16xf32> to vector<1xf32>
      %squeeze3A_75 = vector.extract %slice3A_74[0] : f32 from vector<1xf32>
      %add3A_76 = vector.broadcast %squeeze3A_75 : f32 to vector<16xf32>
      %add3A_77 = arith.addf %add3A_76, %broadcast_in_dim3A_1 : vector<16xf32>
      %slice3A_78 = vector.extract_strided_slice %get3A_38 {offsets = [3], sizes = [1], strides = [1]} : vector<16xf32> to vector<1xf32>
      %squeeze3A_79 = vector.extract %slice3A_78[0] : f32 from vector<1xf32>
      %add3A_80 = vector.broadcast %squeeze3A_79 : f32 to vector<16xf32>
      %add3A_81 = arith.addf %add3A_80, %broadcast_in_dim3A_1 : vector<16xf32>
      %slice3A_82 = vector.extract_strided_slice %get3A_41 {offsets = [0], sizes = [1], strides = [1]} : vector<16xf32> to vector<1xf32>
      %squeeze3A_83 = vector.extract %slice3A_82[0] : f32 from vector<1xf32>
      %add3A_84 = vector.broadcast %squeeze3A_83 : f32 to vector<16xf32>
      %add3A_85 = arith.addf %add3A_84, %broadcast_in_dim3A_1 : vector<16xf32>
      %slice3A_86 = vector.extract_strided_slice %get3A_41 {offsets = [1], sizes = [1], strides = [1]} : vector<16xf32> to vector<1xf32>
      %squeeze3A_87 = vector.extract %slice3A_86[0] : f32 from vector<1xf32>
      %add3A_88 = vector.broadcast %squeeze3A_87 : f32 to vector<16xf32>
      %add3A_89 = arith.addf %add3A_88, %broadcast_in_dim3A_1 : vector<16xf32>
      %slice3A_90 = vector.extract_strided_slice %get3A_41 {offsets = [2], sizes = [1], strides = [1]} : vector<16xf32> to vector<1xf32>
      %squeeze3A_91 = vector.extract %slice3A_90[0] : f32 from vector<1xf32>
      %add3A_92 = vector.broadcast %squeeze3A_91 : f32 to vector<16xf32>
      %add3A_93 = arith.addf %add3A_92, %broadcast_in_dim3A_1 : vector<16xf32>
      %slice3A_94 = vector.extract_strided_slice %get3A_41 {offsets = [3], sizes = [1], strides = [1]} : vector<16xf32> to vector<1xf32>
      %squeeze3A_95 = vector.extract %slice3A_94[0] : f32 from vector<1xf32>
      %add3A_96 = vector.broadcast %squeeze3A_95 : f32 to vector<16xf32>
      %add3A_97 = arith.addf %add3A_96, %broadcast_in_dim3A_1 : vector<16xf32>
      %slice3A_98 = vector.extract_strided_slice %get3A_44 {offsets = [0], sizes = [1], strides = [1]} : vector<16xf32> to vector<1xf32>
      %squeeze3A_99 = vector.extract %slice3A_98[0] : f32 from vector<1xf32>
      %add3A_100 = vector.broadcast %squeeze3A_99 : f32 to vector<16xf32>
      %add3A_101 = arith.addf %add3A_100, %broadcast_in_dim3A_1 : vector<16xf32>
      %slice3A_102 = vector.extract_strided_slice %get3A_44 {offsets = [1], sizes = [1], strides = [1]} : vector<16xf32> to vector<1xf32>
      %squeeze3A_103 = vector.extract %slice3A_102[0] : f32 from vector<1xf32>
      %add3A_104 = vector.broadcast %squeeze3A_103 : f32 to vector<16xf32>
      %add3A_105 = arith.addf %add3A_104, %broadcast_in_dim3A_1 : vector<16xf32>
      %slice3A_106 = vector.extract_strided_slice %get3A_44 {offsets = [2], sizes = [1], strides = [1]} : vector<16xf32> to vector<1xf32>
      %squeeze3A_107 = vector.extract %slice3A_106[0] : f32 from vector<1xf32>
      %add3A_108 = vector.broadcast %squeeze3A_107 : f32 to vector<16xf32>
      %add3A_109 = arith.addf %add3A_108, %broadcast_in_dim3A_1 : vector<16xf32>
      %slice3A_110 = vector.extract_strided_slice %get3A_44 {offsets = [3], sizes = [1], strides = [1]} : vector<16xf32> to vector<1xf32>
      %squeeze3A_111 = vector.extract %slice3A_110[0] : f32 from vector<1xf32>
      %add3A_112 = vector.broadcast %squeeze3A_111 : f32 to vector<16xf32>
      %add3A_113 = arith.addf %add3A_112, %broadcast_in_dim3A_1 : vector<16xf32>
      %slice3A_114 = vector.extract_strided_slice %get3A_35 {offsets = [0], sizes = [1], strides = [1]} : vector<16xf32> to vector<1xf32>
      %squeeze3A_115 = vector.extract %slice3A_114[0] : f32 from vector<1xf32>
      %add3A_116 = vector.broadcast %squeeze3A_115 : f32 to vector<16xf32>
      %add3A_117 = arith.addf %add3A_116, %broadcast_in_dim3A_1 : vector<16xf32>
      %slice3A_118 = vector.extract_strided_slice %get3A_35 {offsets = [1], sizes = [1], strides = [1]} : vector<16xf32> to vector<1xf32>
      %squeeze3A_119 = vector.extract %slice3A_118[0] : f32 from vector<1xf32>
      %add3A_120 = vector.broadcast %squeeze3A_119 : f32 to vector<16xf32>
      %add3A_121 = arith.addf %add3A_120, %broadcast_in_dim3A_1 : vector<16xf32>
      %slice3A_122 = vector.extract_strided_slice %get3A_35 {offsets = [2], sizes = [1], strides = [1]} : vector<16xf32> to vector<1xf32>
      %squeeze3A_123 = vector.extract %slice3A_122[0] : f32 from vector<1xf32>
      %add3A_124 = vector.broadcast %squeeze3A_123 : f32 to vector<16xf32>
      %add3A_125 = arith.addf %add3A_124, %broadcast_in_dim3A_1 : vector<16xf32>
      %slice3A_126 = vector.extract_strided_slice %get3A_35 {offsets = [3], sizes = [1], strides = [1]} : vector<16xf32> to vector<1xf32>
      %squeeze3A_127 = vector.extract %slice3A_126[0] : f32 from vector<1xf32>
      %add3A_128 = vector.broadcast %squeeze3A_127 : f32 to vector<16xf32>
      %add3A_129 = arith.addf %add3A_128, %broadcast_in_dim3A_1 : vector<16xf32>
      %while3A_130 = arith.constant 0 : i32
      %while3A_131 = arith.subi %shift_right_arithmetic3A_65, %while3A_130 : i32
      %while3A_132 = arith.addi %while3A_130, %while3A_131 : i32
      %while3A_133 = arith.constant 1 : i32
      %while3A_134 = arith.divsi %while3A_131, %while3A_133 : i32
      %while3A_135 = arith.muli %while3A_134, %while3A_133 : i32
      %while3A_136 = arith.addi %while3A_130, %while3A_135 : i32
      %while3A_137 = arith.constant 1 : i32
      %while3A_138:4 = scf.for %while3A_141 = %while3A_130 to %while3A_136 step %while3A_137 iter_args(%while3A_142 = %while3A_23, %while3A_143 = %while3A_24, %while3A_144 = %while3A_25, %while3A_145 = %while3A_26) -> (vector<16xf32>, vector<16xf32>, vector<16xf32>, vector<16xf32>)  : i32 {
        %mul3A_146 = arith.constant 16 : i32
        %mul3A_147 = arith.muli %while3A_141, %mul3A_146 : i32
        %add3A_148 = arith.addi %shift_left3A_58, %mul3A_147 : i32
        %add3A_149 = vector.broadcast %add3A_148 : i32 to vector<16xi32>
        %add3A_150 = arith.addi %add3A_149, %iota3A : vector<16xi32>
        %get3A_151 = arith.index_cast %add3A_148 : i32 to index
        %get3A_152 = tpu.vector_load %arg8[%get3A_151] {strides = array<i32>} : memref<10064xf32, #tpu.memory_space<vmem>>, vector<16xf32>,
        %get3A_153 = vector.shape_cast %get3A_152 : vector<16xf32> to vector<16xf32>
        %get3A_154 = arith.index_cast %add3A_148 : i32 to index
        %get3A_155 = tpu.vector_load %arg9[%get3A_154] {strides = array<i32>} : memref<10064xf32, #tpu.memory_space<vmem>>, vector<16xf32>,
        %get3A_156 = vector.shape_cast %get3A_155 : vector<16xf32> to vector<16xf32>
        %get3A_157 = arith.index_cast %add3A_148 : i32 to index
        %get3A_158 = tpu.vector_load %arg10[%get3A_157] {strides = array<i32>} : memref<10064xf32, #tpu.memory_space<vmem>>, vector<16xf32>,
        %get3A_159 = vector.shape_cast %get3A_158 : vector<16xf32> to vector<16xf32>
        %get3A_160 = arith.index_cast %add3A_148 : i32 to index
        %get3A_161 = tpu.vector_load %arg12[%get3A_160] {strides = array<i32>} : memref<10064xf32, #tpu.memory_space<vmem>>, vector<16xf32>,
        %get3A_162 = vector.shape_cast %get3A_161 : vector<16xf32> to vector<16xf32>
        %add3A_163 = arith.constant 0 : i32
        %add3A_164 = arith.addi %shift_left3A_30, %add3A_163 : i32
        %sub3A_165 = arith.subf %add3A_69, %get3A_153 : vector<16xf32>
        %sub3A_166 = arith.subf %add3A_85, %get3A_156 : vector<16xf32>
        %sub3A_167 = arith.subf %add3A_101, %get3A_159 : vector<16xf32>
        %mul3A_168 = arith.mulf %sub3A_165, %sub3A_165 : vector<16xf32>
        %mul3A_169 = arith.mulf %sub3A_166, %sub3A_166 : vector<16xf32>
        %add3A_170 = arith.addf %mul3A_168, %mul3A_169 : vector<16xf32>
        %mul3A_171 = arith.mulf %sub3A_167, %sub3A_167 : vector<16xf32>
        %add3A_172 = arith.addf %add3A_170, %mul3A_171 : vector<16xf32>
        %gt3A = vector.broadcast %add3A_164 : i32 to vector<16xi32>
        %gt3A_173 = arith.cmpi sgt, %add3A_150, %gt3A : vector<16xi32>
        %lt3A = vector.broadcast %squeeze3A : i32 to vector<16xi32>
        %lt3A_174 = arith.cmpi slt, %add3A_150, %lt3A : vector<16xi32>
        %and3A = arith.andi %gt3A_173, %lt3A_174 : vector<16xi1>
        %le3A = arith.constant 28.002737 : f32
        %le3A_175 = vector.broadcast %le3A : f32 to vector<16xf32>
        %le3A_176 = arith.cmpf ole, %add3A_172, %le3A_175 : vector<16xf32>
        %and3A_177 = arith.andi %and3A, %le3A_176 : vector<16xi1>
        %bitcast_convert_type3A = tpu.bitcast %add3A_172 : vector<16xf32> -> vector<16xi32>
        %shift_right_arithmetic3A_178 = arith.constant 1 : i32
        %shift_right_arithmetic3A_179 = vector.broadcast %shift_right_arithmetic3A_178 : i32 to vector<16xi32>
        %shift_right_arithmetic3A_180 = arith.shrsi %bitcast_convert_type3A, %shift_right_arithmetic3A_179 : vector<16xi32>
        %sub3A_181 = arith.constant 1597463007 : i32
        %sub3A_182 = vector.broadcast %sub3A_181 : i32 to vector<16xi32>
        %sub3A_183 = arith.subi %sub3A_182, %shift_right_arithmetic3A_180 : vector<16xi32>
        %bitcast_convert_type3A_184 = tpu.bitcast %sub3A_183 : vector<16xi32> -> vector<16xf32>
        %mul3A_185 = arith.constant -5.000000e-01 : f32
        %mul3A_186 = vector.broadcast %mul3A_185 : f32 to vector<16xf32>
        %mul3A_187 = arith.mulf %mul3A_186, %add3A_172 : vector<16xf32>
        %mul3A_188 = arith.mulf %mul3A_187, %bitcast_convert_type3A_184 : vector<16xf32>
        %mul3A_189 = arith.mulf %mul3A_188, %bitcast_convert_type3A_184 : vector<16xf32>
        %add3A_190 = arith.constant 1.500000e+00 : f32
        %add3A_191 = vector.broadcast %add3A_190 : f32 to vector<16xf32>
        %add3A_192 = arith.addf %add3A_191, %mul3A_189 : vector<16xf32>
        %mul3A_193 = arith.mulf %bitcast_convert_type3A_184, %add3A_192 : vector<16xf32>
        %mul3A_194 = arith.mulf %mul3A_187, %mul3A_193 : vector<16xf32>
        %mul3A_195 = arith.mulf %mul3A_194, %mul3A_193 : vector<16xf32>
        %add3A_196 = arith.constant 1.500000e+00 : f32
        %add3A_197 = vector.broadcast %add3A_196 : f32 to vector<16xf32>
        %add3A_198 = arith.addf %add3A_197, %mul3A_195 : vector<16xf32>
        %mul3A_199 = arith.mulf %mul3A_193, %add3A_198 : vector<16xf32>
        %mul3A_200 = arith.mulf %add3A_172, %mul3A_199 : vector<16xf32>
        %mul3A_201 = arith.mulf %mul3A_200, %add3A_117 : vector<16xf32>
        %mul3A_202 = arith.mulf %mul3A_200, %get3A_162 : vector<16xf32>
        %mul3A_203 = arith.constant -3.200000e+00 : f32
        %mul3A_204 = vector.broadcast %mul3A_203 : f32 to vector<16xf32>
        %mul3A_205 = arith.mulf %mul3A_204, %mul3A_201 : vector<16xf32>
        %exp3A = math.exp %mul3A_205 : vector<16xf32>
        %mul3A_206 = arith.constant -3.200000e+00 : f32
        %mul3A_207 = vector.broadcast %mul3A_206 : f32 to vector<16xf32>
        %mul3A_208 = arith.mulf %mul3A_207, %mul3A_202 : vector<16xf32>
        %exp3A_209 = math.exp %mul3A_208 : vector<16xf32>
        %add3A_210 = arith.addf %exp3A, %exp3A_209 : vector<16xf32>
        %mul3A_211 = arith.constant -9.423000e-01 : f32
        %mul3A_212 = vector.broadcast %mul3A_211 : f32 to vector<16xf32>
        %mul3A_213 = arith.mulf %mul3A_212, %mul3A_201 : vector<16xf32>
        %exp3A_214 = math.exp %mul3A_213 : vector<16xf32>
        %mul3A_215 = arith.constant -9.423000e-01 : f32
        %mul3A_216 = vector.broadcast %mul3A_215 : f32 to vector<16xf32>
        %mul3A_217 = arith.mulf %mul3A_216, %mul3A_202 : vector<16xf32>
        %exp3A_218 = math.exp %mul3A_217 : vector<16xf32>
        %add3A_219 = arith.addf %exp3A_214, %exp3A_218 : vector<16xf32>
        %mul3A_220 = arith.constant -4.029000e-01 : f32
        %mul3A_221 = vector.broadcast %mul3A_220 : f32 to vector<16xf32>
        %mul3A_222 = arith.mulf %mul3A_221, %mul3A_201 : vector<16xf32>
        %exp3A_223 = math.exp %mul3A_222 : vector<16xf32>
        %mul3A_224 = arith.constant -4.029000e-01 : f32
        %mul3A_225 = vector.broadcast %mul3A_224 : f32 to vector<16xf32>
        %mul3A_226 = arith.mulf %mul3A_225, %mul3A_202 : vector<16xf32>
        %exp3A_227 = math.exp %mul3A_226 : vector<16xf32>
        %add3A_228 = arith.addf %exp3A_223, %exp3A_227 : vector<16xf32>
        %mul3A_229 = arith.constant -2.016000e-01 : f32
        %mul3A_230 = vector.broadcast %mul3A_229 : f32 to vector<16xf32>
        %mul3A_231 = arith.mulf %mul3A_230, %mul3A_201 : vector<16xf32>
        %exp3A_232 = math.exp %mul3A_231 : vector<16xf32>
        %mul3A_233 = arith.constant -2.016000e-01 : f32
        %mul3A_234 = vector.broadcast %mul3A_233 : f32 to vector<16xf32>
        %mul3A_235 = arith.mulf %mul3A_234, %mul3A_202 : vector<16xf32>
        %exp3A_236 = math.exp %mul3A_235 : vector<16xf32>
        %add3A_237 = arith.addf %exp3A_232, %exp3A_236 : vector<16xf32>
        %mul3A_238 = arith.constant 1.818000e-01 : f32
        %mul3A_239 = vector.broadcast %mul3A_238 : f32 to vector<16xf32>
        %mul3A_240 = arith.mulf %mul3A_239, %add3A_210 : vector<16xf32>
        %mul3A_241 = arith.constant 5.099000e-01 : f32
        %mul3A_242 = vector.broadcast %mul3A_241 : f32 to vector<16xf32>
        %mul3A_243 = arith.mulf %mul3A_242, %add3A_219 : vector<16xf32>
        %add3A_244 = arith.addf %mul3A_240, %mul3A_243 : vector<16xf32>
        %mul3A_245 = arith.constant 2.802000e-01 : f32
        %mul3A_246 = vector.broadcast %mul3A_245 : f32 to vector<16xf32>
        %mul3A_247 = arith.mulf %mul3A_246, %add3A_228 : vector<16xf32>
        %add3A_248 = arith.addf %add3A_244, %mul3A_247 : vector<16xf32>
        %mul3A_249 = arith.constant 2.817000e-02 : f32
        %mul3A_250 = vector.broadcast %mul3A_249 : f32 to vector<16xf32>
        %mul3A_251 = arith.mulf %mul3A_250, %add3A_237 : vector<16xf32>
        %add3A_252 = arith.addf %add3A_248, %mul3A_251 : vector<16xf32>
        %mul3A_253 = arith.mulf %add3A_252, %mul3A_199 : vector<16xf32>
        %jit3A = arith.constant 0.000000e+00 : f32
        %broadcast_in_dim3A_254 = vector.broadcast %jit3A : f32 to vector<16xf32>
        %select_n3A = arith.select %and3A_177, %mul3A_253, %broadcast_in_dim3A_254 : vector<16xi1>, vector<16xf32>
        %add3A_255 = arith.addf %while3A_142, %select_n3A : vector<16xf32>
        %add3A_256 = arith.constant 1 : i32
        %add3A_257 = arith.addi %shift_left3A_30, %add3A_256 : i32
        %sub3A_258 = arith.subf %add3A_73, %get3A_153 : vector<16xf32>
        %sub3A_259 = arith.subf %add3A_89, %get3A_156 : vector<16xf32>
        %sub3A_260 = arith.subf %add3A_105, %get3A_159 : vector<16xf32>
        %mul3A_261 = arith.mulf %sub3A_258, %sub3A_258 : vector<16xf32>
        %mul3A_262 = arith.mulf %sub3A_259, %sub3A_259 : vector<16xf32>
        %add3A_263 = arith.addf %mul3A_261, %mul3A_262 : vector<16xf32>
        %mul3A_264 = arith.mulf %sub3A_260, %sub3A_260 : vector<16xf32>
        %add3A_265 = arith.addf %add3A_263, %mul3A_264 : vector<16xf32>
        %gt3A_266 = vector.broadcast %add3A_257 : i32 to vector<16xi32>
        %gt3A_267 = arith.cmpi sgt, %add3A_150, %gt3A_266 : vector<16xi32>
        %lt3A_268 = vector.broadcast %squeeze3A_46 : i32 to vector<16xi32>
        %lt3A_269 = arith.cmpi slt, %add3A_150, %lt3A_268 : vector<16xi32>
        %and3A_270 = arith.andi %gt3A_267, %lt3A_269 : vector<16xi1>
        %le3A_271 = arith.constant 28.002737 : f32
        %le3A_272 = vector.broadcast %le3A_271 : f32 to vector<16xf32>
        %le3A_273 = arith.cmpf ole, %add3A_265, %le3A_272 : vector<16xf32>
        %and3A_274 = arith.andi %and3A_270, %le3A_273 : vector<16xi1>
        %bitcast_convert_type3A_275 = tpu.bitcast %add3A_265 : vector<16xf32> -> vector<16xi32>
        %shift_right_arithmetic3A_276 = arith.constant 1 : i32
        %shift_right_arithmetic3A_277 = vector.broadcast %shift_right_arithmetic3A_276 : i32 to vector<16xi32>
        %shift_right_arithmetic3A_278 = arith.shrsi %bitcast_convert_type3A_275, %shift_right_arithmetic3A_277 : vector<16xi32>
        %sub3A_279 = arith.constant 1597463007 : i32
        %sub3A_280 = vector.broadcast %sub3A_279 : i32 to vector<16xi32>
        %sub3A_281 = arith.subi %sub3A_280, %shift_right_arithmetic3A_278 : vector<16xi32>
        %bitcast_convert_type3A_282 = tpu.bitcast %sub3A_281 : vector<16xi32> -> vector<16xf32>
        %mul3A_283 = arith.constant -5.000000e-01 : f32
        %mul3A_284 = vector.broadcast %mul3A_283 : f32 to vector<16xf32>
        %mul3A_285 = arith.mulf %mul3A_284, %add3A_265 : vector<16xf32>
        %mul3A_286 = arith.mulf %mul3A_285, %bitcast_convert_type3A_282 : vector<16xf32>
        %mul3A_287 = arith.mulf %mul3A_286, %bitcast_convert_type3A_282 : vector<16xf32>
        %add3A_288 = arith.constant 1.500000e+00 : f32
        %add3A_289 = vector.broadcast %add3A_288 : f32 to vector<16xf32>
        %add3A_290 = arith.addf %add3A_289, %mul3A_287 : vector<16xf32>
        %mul3A_291 = arith.mulf %bitcast_convert_type3A_282, %add3A_290 : vector<16xf32>
        %mul3A_292 = arith.mulf %mul3A_285, %mul3A_291 : vector<16xf32>
        %mul3A_293 = arith.mulf %mul3A_292, %mul3A_291 : vector<16xf32>
        %add3A_294 = arith.constant 1.500000e+00 : f32
        %add3A_295 = vector.broadcast %add3A_294 : f32 to vector<16xf32>
        %add3A_296 = arith.addf %add3A_295, %mul3A_293 : vector<16xf32>
        %mul3A_297 = arith.mulf %mul3A_291, %add3A_296 : vector<16xf32>
        %mul3A_298 = arith.mulf %add3A_265, %mul3A_297 : vector<16xf32>
        %mul3A_299 = arith.mulf %mul3A_298, %add3A_121 : vector<16xf32>
        %mul3A_300 = arith.mulf %mul3A_298, %get3A_162 : vector<16xf32>
        %mul3A_301 = arith.constant -3.200000e+00 : f32
        %mul3A_302 = vector.broadcast %mul3A_301 : f32 to vector<16xf32>
        %mul3A_303 = arith.mulf %mul3A_302, %mul3A_299 : vector<16xf32>
        %exp3A_304 = math.exp %mul3A_303 : vector<16xf32>
        %mul3A_305 = arith.constant -3.200000e+00 : f32
        %mul3A_306 = vector.broadcast %mul3A_305 : f32 to vector<16xf32>
        %mul3A_307 = arith.mulf %mul3A_306, %mul3A_300 : vector<16xf32>
        %exp3A_308 = math.exp %mul3A_307 : vector<16xf32>
        %add3A_309 = arith.addf %exp3A_304, %exp3A_308 : vector<16xf32>
        %mul3A_310 = arith.constant -9.423000e-01 : f32
        %mul3A_311 = vector.broadcast %mul3A_310 : f32 to vector<16xf32>
        %mul3A_312 = arith.mulf %mul3A_311, %mul3A_299 : vector<16xf32>
        %exp3A_313 = math.exp %mul3A_312 : vector<16xf32>
        %mul3A_314 = arith.constant -9.423000e-01 : f32
        %mul3A_315 = vector.broadcast %mul3A_314 : f32 to vector<16xf32>
        %mul3A_316 = arith.mulf %mul3A_315, %mul3A_300 : vector<16xf32>
        %exp3A_317 = math.exp %mul3A_316 : vector<16xf32>
        %add3A_318 = arith.addf %exp3A_313, %exp3A_317 : vector<16xf32>
        %mul3A_319 = arith.constant -4.029000e-01 : f32
        %mul3A_320 = vector.broadcast %mul3A_319 : f32 to vector<16xf32>
        %mul3A_321 = arith.mulf %mul3A_320, %mul3A_299 : vector<16xf32>
        %exp3A_322 = math.exp %mul3A_321 : vector<16xf32>
        %mul3A_323 = arith.constant -4.029000e-01 : f32
        %mul3A_324 = vector.broadcast %mul3A_323 : f32 to vector<16xf32>
        %mul3A_325 = arith.mulf %mul3A_324, %mul3A_300 : vector<16xf32>
        %exp3A_326 = math.exp %mul3A_325 : vector<16xf32>
        %add3A_327 = arith.addf %exp3A_322, %exp3A_326 : vector<16xf32>
        %mul3A_328 = arith.constant -2.016000e-01 : f32
        %mul3A_329 = vector.broadcast %mul3A_328 : f32 to vector<16xf32>
        %mul3A_330 = arith.mulf %mul3A_329, %mul3A_299 : vector<16xf32>
        %exp3A_331 = math.exp %mul3A_330 : vector<16xf32>
        %mul3A_332 = arith.constant -2.016000e-01 : f32
        %mul3A_333 = vector.broadcast %mul3A_332 : f32 to vector<16xf32>
        %mul3A_334 = arith.mulf %mul3A_333, %mul3A_300 : vector<16xf32>
        %exp3A_335 = math.exp %mul3A_334 : vector<16xf32>
        %add3A_336 = arith.addf %exp3A_331, %exp3A_335 : vector<16xf32>
        %mul3A_337 = arith.constant 1.818000e-01 : f32
        %mul3A_338 = vector.broadcast %mul3A_337 : f32 to vector<16xf32>
        %mul3A_339 = arith.mulf %mul3A_338, %add3A_309 : vector<16xf32>
        %mul3A_340 = arith.constant 5.099000e-01 : f32
        %mul3A_341 = vector.broadcast %mul3A_340 : f32 to vector<16xf32>
        %mul3A_342 = arith.mulf %mul3A_341, %add3A_318 : vector<16xf32>
        %add3A_343 = arith.addf %mul3A_339, %mul3A_342 : vector<16xf32>
        %mul3A_344 = arith.constant 2.802000e-01 : f32
        %mul3A_345 = vector.broadcast %mul3A_344 : f32 to vector<16xf32>
        %mul3A_346 = arith.mulf %mul3A_345, %add3A_327 : vector<16xf32>
        %add3A_347 = arith.addf %add3A_343, %mul3A_346 : vector<16xf32>
        %mul3A_348 = arith.constant 2.817000e-02 : f32
        %mul3A_349 = vector.broadcast %mul3A_348 : f32 to vector<16xf32>
        %mul3A_350 = arith.mulf %mul3A_349, %add3A_336 : vector<16xf32>
        %add3A_351 = arith.addf %add3A_347, %mul3A_350 : vector<16xf32>
        %mul3A_352 = arith.mulf %add3A_351, %mul3A_297 : vector<16xf32>
        %jit3A_353 = arith.constant 0.000000e+00 : f32
        %broadcast_in_dim3A_354 = vector.broadcast %jit3A_353 : f32 to vector<16xf32>
        %select_n3A_355 = arith.select %and3A_274, %mul3A_352, %broadcast_in_dim3A_354 : vector<16xi1>, vector<16xf32>
        %add3A_356 = arith.addf %while3A_143, %select_n3A_355 : vector<16xf32>
        %add3A_357 = arith.constant 2 : i32
        %add3A_358 = arith.addi %shift_left3A_30, %add3A_357 : i32
        %sub3A_359 = arith.subf %add3A_77, %get3A_153 : vector<16xf32>
        %sub3A_360 = arith.subf %add3A_93, %get3A_156 : vector<16xf32>
        %sub3A_361 = arith.subf %add3A_109, %get3A_159 : vector<16xf32>
        %mul3A_362 = arith.mulf %sub3A_359, %sub3A_359 : vector<16xf32>
        %mul3A_363 = arith.mulf %sub3A_360, %sub3A_360 : vector<16xf32>
        %add3A_364 = arith.addf %mul3A_362, %mul3A_363 : vector<16xf32>
        %mul3A_365 = arith.mulf %sub3A_361, %sub3A_361 : vector<16xf32>
        %add3A_366 = arith.addf %add3A_364, %mul3A_365 : vector<16xf32>
        %gt3A_367 = vector.broadcast %add3A_358 : i32 to vector<16xi32>
        %gt3A_368 = arith.cmpi sgt, %add3A_150, %gt3A_367 : vector<16xi32>
        %lt3A_369 = vector.broadcast %squeeze3A_48 : i32 to vector<16xi32>
        %lt3A_370 = arith.cmpi slt, %add3A_150, %lt3A_369 : vector<16xi32>
        %and3A_371 = arith.andi %gt3A_368, %lt3A_370 : vector<16xi1>
        %le3A_372 = arith.constant 28.002737 : f32
        %le3A_373 = vector.broadcast %le3A_372 : f32 to vector<16xf32>
        %le3A_374 = arith.cmpf ole, %add3A_366, %le3A_373 : vector<16xf32>
        %and3A_375 = arith.andi %and3A_371, %le3A_374 : vector<16xi1>
        %bitcast_convert_type3A_376 = tpu.bitcast %add3A_366 : vector<16xf32> -> vector<16xi32>
        %shift_right_arithmetic3A_377 = arith.constant 1 : i32
        %shift_right_arithmetic3A_378 = vector.broadcast %shift_right_arithmetic3A_377 : i32 to vector<16xi32>
        %shift_right_arithmetic3A_379 = arith.shrsi %bitcast_convert_type3A_376, %shift_right_arithmetic3A_378 : vector<16xi32>
        %sub3A_380 = arith.constant 1597463007 : i32
        %sub3A_381 = vector.broadcast %sub3A_380 : i32 to vector<16xi32>
        %sub3A_382 = arith.subi %sub3A_381, %shift_right_arithmetic3A_379 : vector<16xi32>
        %bitcast_convert_type3A_383 = tpu.bitcast %sub3A_382 : vector<16xi32> -> vector<16xf32>
        %mul3A_384 = arith.constant -5.000000e-01 : f32
        %mul3A_385 = vector.broadcast %mul3A_384 : f32 to vector<16xf32>
        %mul3A_386 = arith.mulf %mul3A_385, %add3A_366 : vector<16xf32>
        %mul3A_387 = arith.mulf %mul3A_386, %bitcast_convert_type3A_383 : vector<16xf32>
        %mul3A_388 = arith.mulf %mul3A_387, %bitcast_convert_type3A_383 : vector<16xf32>
        %add3A_389 = arith.constant 1.500000e+00 : f32
        %add3A_390 = vector.broadcast %add3A_389 : f32 to vector<16xf32>
        %add3A_391 = arith.addf %add3A_390, %mul3A_388 : vector<16xf32>
        %mul3A_392 = arith.mulf %bitcast_convert_type3A_383, %add3A_391 : vector<16xf32>
        %mul3A_393 = arith.mulf %mul3A_386, %mul3A_392 : vector<16xf32>
        %mul3A_394 = arith.mulf %mul3A_393, %mul3A_392 : vector<16xf32>
        %add3A_395 = arith.constant 1.500000e+00 : f32
        %add3A_396 = vector.broadcast %add3A_395 : f32 to vector<16xf32>
        %add3A_397 = arith.addf %add3A_396, %mul3A_394 : vector<16xf32>
        %mul3A_398 = arith.mulf %mul3A_392, %add3A_397 : vector<16xf32>
        %mul3A_399 = arith.mulf %add3A_366, %mul3A_398 : vector<16xf32>
        %mul3A_400 = arith.mulf %mul3A_399, %add3A_125 : vector<16xf32>
        %mul3A_401 = arith.mulf %mul3A_399, %get3A_162 : vector<16xf32>
        %mul3A_402 = arith.constant -3.200000e+00 : f32
        %mul3A_403 = vector.broadcast %mul3A_402 : f32 to vector<16xf32>
        %mul3A_404 = arith.mulf %mul3A_403, %mul3A_400 : vector<16xf32>
        %exp3A_405 = math.exp %mul3A_404 : vector<16xf32>
        %mul3A_406 = arith.constant -3.200000e+00 : f32
        %mul3A_407 = vector.broadcast %mul3A_406 : f32 to vector<16xf32>
        %mul3A_408 = arith.mulf %mul3A_407, %mul3A_401 : vector<16xf32>
        %exp3A_409 = math.exp %mul3A_408 : vector<16xf32>
        %add3A_410 = arith.addf %exp3A_405, %exp3A_409 : vector<16xf32>
        %mul3A_411 = arith.constant -9.423000e-01 : f32
        %mul3A_412 = vector.broadcast %mul3A_411 : f32 to vector<16xf32>
        %mul3A_413 = arith.mulf %mul3A_412, %mul3A_400 : vector<16xf32>
        %exp3A_414 = math.exp %mul3A_413 : vector<16xf32>
        %mul3A_415 = arith.constant -9.423000e-01 : f32
        %mul3A_416 = vector.broadcast %mul3A_415 : f32 to vector<16xf32>
        %mul3A_417 = arith.mulf %mul3A_416, %mul3A_401 : vector<16xf32>
        %exp3A_418 = math.exp %mul3A_417 : vector<16xf32>
        %add3A_419 = arith.addf %exp3A_414, %exp3A_418 : vector<16xf32>
        %mul3A_420 = arith.constant -4.029000e-01 : f32
        %mul3A_421 = vector.broadcast %mul3A_420 : f32 to vector<16xf32>
        %mul3A_422 = arith.mulf %mul3A_421, %mul3A_400 : vector<16xf32>
        %exp3A_423 = math.exp %mul3A_422 : vector<16xf32>
        %mul3A_424 = arith.constant -4.029000e-01 : f32
        %mul3A_425 = vector.broadcast %mul3A_424 : f32 to vector<16xf32>
        %mul3A_426 = arith.mulf %mul3A_425, %mul3A_401 : vector<16xf32>
        %exp3A_427 = math.exp %mul3A_426 : vector<16xf32>
        %add3A_428 = arith.addf %exp3A_423, %exp3A_427 : vector<16xf32>
        %mul3A_429 = arith.constant -2.016000e-01 : f32
        %mul3A_430 = vector.broadcast %mul3A_429 : f32 to vector<16xf32>
        %mul3A_431 = arith.mulf %mul3A_430, %mul3A_400 : vector<16xf32>
        %exp3A_432 = math.exp %mul3A_431 : vector<16xf32>
        %mul3A_433 = arith.constant -2.016000e-01 : f32
        %mul3A_434 = vector.broadcast %mul3A_433 : f32 to vector<16xf32>
        %mul3A_435 = arith.mulf %mul3A_434, %mul3A_401 : vector<16xf32>
        %exp3A_436 = math.exp %mul3A_435 : vector<16xf32>
        %add3A_437 = arith.addf %exp3A_432, %exp3A_436 : vector<16xf32>
        %mul3A_438 = arith.constant 1.818000e-01 : f32
        %mul3A_439 = vector.broadcast %mul3A_438 : f32 to vector<16xf32>
        %mul3A_440 = arith.mulf %mul3A_439, %add3A_410 : vector<16xf32>
        %mul3A_441 = arith.constant 5.099000e-01 : f32
        %mul3A_442 = vector.broadcast %mul3A_441 : f32 to vector<16xf32>
        %mul3A_443 = arith.mulf %mul3A_442, %add3A_419 : vector<16xf32>
        %add3A_444 = arith.addf %mul3A_440, %mul3A_443 : vector<16xf32>
        %mul3A_445 = arith.constant 2.802000e-01 : f32
        %mul3A_446 = vector.broadcast %mul3A_445 : f32 to vector<16xf32>
        %mul3A_447 = arith.mulf %mul3A_446, %add3A_428 : vector<16xf32>
        %add3A_448 = arith.addf %add3A_444, %mul3A_447 : vector<16xf32>
        %mul3A_449 = arith.constant 2.817000e-02 : f32
        %mul3A_450 = vector.broadcast %mul3A_449 : f32 to vector<16xf32>
        %mul3A_451 = arith.mulf %mul3A_450, %add3A_437 : vector<16xf32>
        %add3A_452 = arith.addf %add3A_448, %mul3A_451 : vector<16xf32>
        %mul3A_453 = arith.mulf %add3A_452, %mul3A_398 : vector<16xf32>
        %jit3A_454 = arith.constant 0.000000e+00 : f32
        %broadcast_in_dim3A_455 = vector.broadcast %jit3A_454 : f32 to vector<16xf32>
        %select_n3A_456 = arith.select %and3A_375, %mul3A_453, %broadcast_in_dim3A_455 : vector<16xi1>, vector<16xf32>
        %add3A_457 = arith.addf %while3A_144, %select_n3A_456 : vector<16xf32>
        %add3A_458 = arith.constant 3 : i32
        %add3A_459 = arith.addi %shift_left3A_30, %add3A_458 : i32
        %sub3A_460 = arith.subf %add3A_81, %get3A_153 : vector<16xf32>
        %sub3A_461 = arith.subf %add3A_97, %get3A_156 : vector<16xf32>
        %sub3A_462 = arith.subf %add3A_113, %get3A_159 : vector<16xf32>
        %mul3A_463 = arith.mulf %sub3A_460, %sub3A_460 : vector<16xf32>
        %mul3A_464 = arith.mulf %sub3A_461, %sub3A_461 : vector<16xf32>
        %add3A_465 = arith.addf %mul3A_463, %mul3A_464 : vector<16xf32>
        %mul3A_466 = arith.mulf %sub3A_462, %sub3A_462 : vector<16xf32>
        %add3A_467 = arith.addf %add3A_465, %mul3A_466 : vector<16xf32>
        %gt3A_468 = vector.broadcast %add3A_459 : i32 to vector<16xi32>
        %gt3A_469 = arith.cmpi sgt, %add3A_150, %gt3A_468 : vector<16xi32>
        %lt3A_470 = vector.broadcast %squeeze3A_50 : i32 to vector<16xi32>
        %lt3A_471 = arith.cmpi slt, %add3A_150, %lt3A_470 : vector<16xi32>
        %and3A_472 = arith.andi %gt3A_469, %lt3A_471 : vector<16xi1>
        %le3A_473 = arith.constant 28.002737 : f32
        %le3A_474 = vector.broadcast %le3A_473 : f32 to vector<16xf32>
        %le3A_475 = arith.cmpf ole, %add3A_467, %le3A_474 : vector<16xf32>
        %and3A_476 = arith.andi %and3A_472, %le3A_475 : vector<16xi1>
        %bitcast_convert_type3A_477 = tpu.bitcast %add3A_467 : vector<16xf32> -> vector<16xi32>
        %shift_right_arithmetic3A_478 = arith.constant 1 : i32
        %shift_right_arithmetic3A_479 = vector.broadcast %shift_right_arithmetic3A_478 : i32 to vector<16xi32>
        %shift_right_arithmetic3A_480 = arith.shrsi %bitcast_convert_type3A_477, %shift_right_arithmetic3A_479 : vector<16xi32>
        %sub3A_481 = arith.constant 1597463007 : i32
        %sub3A_482 = vector.broadcast %sub3A_481 : i32 to vector<16xi32>
        %sub3A_483 = arith.subi %sub3A_482, %shift_right_arithmetic3A_480 : vector<16xi32>
        %bitcast_convert_type3A_484 = tpu.bitcast %sub3A_483 : vector<16xi32> -> vector<16xf32>
        %mul3A_485 = arith.constant -5.000000e-01 : f32
        %mul3A_486 = vector.broadcast %mul3A_485 : f32 to vector<16xf32>
        %mul3A_487 = arith.mulf %mul3A_486, %add3A_467 : vector<16xf32>
        %mul3A_488 = arith.mulf %mul3A_487, %bitcast_convert_type3A_484 : vector<16xf32>
        %mul3A_489 = arith.mulf %mul3A_488, %bitcast_convert_type3A_484 : vector<16xf32>
        %add3A_490 = arith.constant 1.500000e+00 : f32
        %add3A_491 = vector.broadcast %add3A_490 : f32 to vector<16xf32>
        %add3A_492 = arith.addf %add3A_491, %mul3A_489 : vector<16xf32>
        %mul3A_493 = arith.mulf %bitcast_convert_type3A_484, %add3A_492 : vector<16xf32>
        %mul3A_494 = arith.mulf %mul3A_487, %mul3A_493 : vector<16xf32>
        %mul3A_495 = arith.mulf %mul3A_494, %mul3A_493 : vector<16xf32>
        %add3A_496 = arith.constant 1.500000e+00 : f32
        %add3A_497 = vector.broadcast %add3A_496 : f32 to vector<16xf32>
        %add3A_498 = arith.addf %add3A_497, %mul3A_495 : vector<16xf32>
        %mul3A_499 = arith.mulf %mul3A_493, %add3A_498 : vector<16xf32>
        %mul3A_500 = arith.mulf %add3A_467, %mul3A_499 : vector<16xf32>
        %mul3A_501 = arith.mulf %mul3A_500, %add3A_129 : vector<16xf32>
        %mul3A_502 = arith.mulf %mul3A_500, %get3A_162 : vector<16xf32>
        %mul3A_503 = arith.constant -3.200000e+00 : f32
        %mul3A_504 = vector.broadcast %mul3A_503 : f32 to vector<16xf32>
        %mul3A_505 = arith.mulf %mul3A_504, %mul3A_501 : vector<16xf32>
        %exp3A_506 = math.exp %mul3A_505 : vector<16xf32>
        %mul3A_507 = arith.constant -3.200000e+00 : f32
        %mul3A_508 = vector.broadcast %mul3A_507 : f32 to vector<16xf32>
        %mul3A_509 = arith.mulf %mul3A_508, %mul3A_502 : vector<16xf32>
        %exp3A_510 = math.exp %mul3A_509 : vector<16xf32>
        %add3A_511 = arith.addf %exp3A_506, %exp3A_510 : vector<16xf32>
        %mul3A_512 = arith.constant -9.423000e-01 : f32
        %mul3A_513 = vector.broadcast %mul3A_512 : f32 to vector<16xf32>
        %mul3A_514 = arith.mulf %mul3A_513, %mul3A_501 : vector<16xf32>
        %exp3A_515 = math.exp %mul3A_514 : vector<16xf32>
        %mul3A_516 = arith.constant -9.423000e-01 : f32
        %mul3A_517 = vector.broadcast %mul3A_516 : f32 to vector<16xf32>
        %mul3A_518 = arith.mulf %mul3A_517, %mul3A_502 : vector<16xf32>
        %exp3A_519 = math.exp %mul3A_518 : vector<16xf32>
        %add3A_520 = arith.addf %exp3A_515, %exp3A_519 : vector<16xf32>
        %mul3A_521 = arith.constant -4.029000e-01 : f32
        %mul3A_522 = vector.broadcast %mul3A_521 : f32 to vector<16xf32>
        %mul3A_523 = arith.mulf %mul3A_522, %mul3A_501 : vector<16xf32>
        %exp3A_524 = math.exp %mul3A_523 : vector<16xf32>
        %mul3A_525 = arith.constant -4.029000e-01 : f32
        %mul3A_526 = vector.broadcast %mul3A_525 : f32 to vector<16xf32>
        %mul3A_527 = arith.mulf %mul3A_526, %mul3A_502 : vector<16xf32>
        %exp3A_528 = math.exp %mul3A_527 : vector<16xf32>
        %add3A_529 = arith.addf %exp3A_524, %exp3A_528 : vector<16xf32>
        %mul3A_530 = arith.constant -2.016000e-01 : f32
        %mul3A_531 = vector.broadcast %mul3A_530 : f32 to vector<16xf32>
        %mul3A_532 = arith.mulf %mul3A_531, %mul3A_501 : vector<16xf32>
        %exp3A_533 = math.exp %mul3A_532 : vector<16xf32>
        %mul3A_534 = arith.constant -2.016000e-01 : f32
        %mul3A_535 = vector.broadcast %mul3A_534 : f32 to vector<16xf32>
        %mul3A_536 = arith.mulf %mul3A_535, %mul3A_502 : vector<16xf32>
        %exp3A_537 = math.exp %mul3A_536 : vector<16xf32>
        %add3A_538 = arith.addf %exp3A_533, %exp3A_537 : vector<16xf32>
        %mul3A_539 = arith.constant 1.818000e-01 : f32
        %mul3A_540 = vector.broadcast %mul3A_539 : f32 to vector<16xf32>
        %mul3A_541 = arith.mulf %mul3A_540, %add3A_511 : vector<16xf32>
        %mul3A_542 = arith.constant 5.099000e-01 : f32
        %mul3A_543 = vector.broadcast %mul3A_542 : f32 to vector<16xf32>
        %mul3A_544 = arith.mulf %mul3A_543, %add3A_520 : vector<16xf32>
        %add3A_545 = arith.addf %mul3A_541, %mul3A_544 : vector<16xf32>
        %mul3A_546 = arith.constant 2.802000e-01 : f32
        %mul3A_547 = vector.broadcast %mul3A_546 : f32 to vector<16xf32>
        %mul3A_548 = arith.mulf %mul3A_547, %add3A_529 : vector<16xf32>
        %add3A_549 = arith.addf %add3A_545, %mul3A_548 : vector<16xf32>
        %mul3A_550 = arith.constant 2.817000e-02 : f32
        %mul3A_551 = vector.broadcast %mul3A_550 : f32 to vector<16xf32>
        %mul3A_552 = arith.mulf %mul3A_551, %add3A_538 : vector<16xf32>
        %add3A_553 = arith.addf %add3A_549, %mul3A_552 : vector<16xf32>
        %mul3A_554 = arith.mulf %add3A_553, %mul3A_499 : vector<16xf32>
        %jit3A_555 = arith.constant 0.000000e+00 : f32
        %broadcast_in_dim3A_556 = vector.broadcast %jit3A_555 : f32 to vector<16xf32>
        %select_n3A_557 = arith.select %and3A_476, %mul3A_554, %broadcast_in_dim3A_556 : vector<16xi1>, vector<16xf32>
        %add3A_558 = arith.addf %while3A_145, %select_n3A_557 : vector<16xf32>
        scf.yield %add3A_255, %add3A_356, %add3A_457, %add3A_558 : vector<16xf32>, vector<16xf32>, vector<16xf32>, vector<16xf32>
      }
      %while3A_139 = arith.constant 1 : i32
      %while3A_140:4 = scf.for %while3A_141 = %while3A_136 to %while3A_132 step %while3A_139 iter_args(%while3A_142 = %while3A_138#0, %while3A_143 = %while3A_138#1, %while3A_144 = %while3A_138#2, %while3A_145 = %while3A_138#3) -> (vector<16xf32>, vector<16xf32>, vector<16xf32>, vector<16xf32>)  : i32 {
        %mul3A_146 = arith.constant 16 : i32
        %mul3A_147 = arith.muli %while3A_141, %mul3A_146 : i32
        %add3A_148 = arith.addi %shift_left3A_58, %mul3A_147 : i32
        %add3A_149 = vector.broadcast %add3A_148 : i32 to vector<16xi32>
        %add3A_150 = arith.addi %add3A_149, %iota3A : vector<16xi32>
        %get3A_151 = arith.index_cast %add3A_148 : i32 to index
        %get3A_152 = tpu.vector_load %arg8[%get3A_151] {strides = array<i32>} : memref<10064xf32, #tpu.memory_space<vmem>>, vector<16xf32>,
        %get3A_153 = vector.shape_cast %get3A_152 : vector<16xf32> to vector<16xf32>
        %get3A_154 = arith.index_cast %add3A_148 : i32 to index
        %get3A_155 = tpu.vector_load %arg9[%get3A_154] {strides = array<i32>} : memref<10064xf32, #tpu.memory_space<vmem>>, vector<16xf32>,
        %get3A_156 = vector.shape_cast %get3A_155 : vector<16xf32> to vector<16xf32>
        %get3A_157 = arith.index_cast %add3A_148 : i32 to index
        %get3A_158 = tpu.vector_load %arg10[%get3A_157] {strides = array<i32>} : memref<10064xf32, #tpu.memory_space<vmem>>, vector<16xf32>,
        %get3A_159 = vector.shape_cast %get3A_158 : vector<16xf32> to vector<16xf32>
        %get3A_160 = arith.index_cast %add3A_148 : i32 to index
        %get3A_161 = tpu.vector_load %arg12[%get3A_160] {strides = array<i32>} : memref<10064xf32, #tpu.memory_space<vmem>>, vector<16xf32>,
        %get3A_162 = vector.shape_cast %get3A_161 : vector<16xf32> to vector<16xf32>
        %add3A_163 = arith.constant 0 : i32
        %add3A_164 = arith.addi %shift_left3A_30, %add3A_163 : i32
        %sub3A_165 = arith.subf %add3A_69, %get3A_153 : vector<16xf32>
        %sub3A_166 = arith.subf %add3A_85, %get3A_156 : vector<16xf32>
        %sub3A_167 = arith.subf %add3A_101, %get3A_159 : vector<16xf32>
        %mul3A_168 = arith.mulf %sub3A_165, %sub3A_165 : vector<16xf32>
        %mul3A_169 = arith.mulf %sub3A_166, %sub3A_166 : vector<16xf32>
        %add3A_170 = arith.addf %mul3A_168, %mul3A_169 : vector<16xf32>
        %mul3A_171 = arith.mulf %sub3A_167, %sub3A_167 : vector<16xf32>
        %add3A_172 = arith.addf %add3A_170, %mul3A_171 : vector<16xf32>
        %gt3A = vector.broadcast %add3A_164 : i32 to vector<16xi32>
        %gt3A_173 = arith.cmpi sgt, %add3A_150, %gt3A : vector<16xi32>
        %lt3A = vector.broadcast %squeeze3A : i32 to vector<16xi32>
        %lt3A_174 = arith.cmpi slt, %add3A_150, %lt3A : vector<16xi32>
        %and3A = arith.andi %gt3A_173, %lt3A_174 : vector<16xi1>
        %le3A = arith.constant 28.002737 : f32
        %le3A_175 = vector.broadcast %le3A : f32 to vector<16xf32>
        %le3A_176 = arith.cmpf ole, %add3A_172, %le3A_175 : vector<16xf32>
        %and3A_177 = arith.andi %and3A, %le3A_176 : vector<16xi1>
        %bitcast_convert_type3A = tpu.bitcast %add3A_172 : vector<16xf32> -> vector<16xi32>
        %shift_right_arithmetic3A_178 = arith.constant 1 : i32
        %shift_right_arithmetic3A_179 = vector.broadcast %shift_right_arithmetic3A_178 : i32 to vector<16xi32>
        %shift_right_arithmetic3A_180 = arith.shrsi %bitcast_convert_type3A, %shift_right_arithmetic3A_179 : vector<16xi32>
        %sub3A_181 = arith.constant 1597463007 : i32
        %sub3A_182 = vector.broadcast %sub3A_181 : i32 to vector<16xi32>
        %sub3A_183 = arith.subi %sub3A_182, %shift_right_arithmetic3A_180 : vector<16xi32>
        %bitcast_convert_type3A_184 = tpu.bitcast %sub3A_183 : vector<16xi32> -> vector<16xf32>
        %mul3A_185 = arith.constant -5.000000e-01 : f32
        %mul3A_186 = vector.broadcast %mul3A_185 : f32 to vector<16xf32>
        %mul3A_187 = arith.mulf %mul3A_186, %add3A_172 : vector<16xf32>
        %mul3A_188 = arith.mulf %mul3A_187, %bitcast_convert_type3A_184 : vector<16xf32>
        %mul3A_189 = arith.mulf %mul3A_188, %bitcast_convert_type3A_184 : vector<16xf32>
        %add3A_190 = arith.constant 1.500000e+00 : f32
        %add3A_191 = vector.broadcast %add3A_190 : f32 to vector<16xf32>
        %add3A_192 = arith.addf %add3A_191, %mul3A_189 : vector<16xf32>
        %mul3A_193 = arith.mulf %bitcast_convert_type3A_184, %add3A_192 : vector<16xf32>
        %mul3A_194 = arith.mulf %mul3A_187, %mul3A_193 : vector<16xf32>
        %mul3A_195 = arith.mulf %mul3A_194, %mul3A_193 : vector<16xf32>
        %add3A_196 = arith.constant 1.500000e+00 : f32
        %add3A_197 = vector.broadcast %add3A_196 : f32 to vector<16xf32>
        %add3A_198 = arith.addf %add3A_197, %mul3A_195 : vector<16xf32>
        %mul3A_199 = arith.mulf %mul3A_193, %add3A_198 : vector<16xf32>
        %mul3A_200 = arith.mulf %add3A_172, %mul3A_199 : vector<16xf32>
        %mul3A_201 = arith.mulf %mul3A_200, %add3A_117 : vector<16xf32>
        %mul3A_202 = arith.mulf %mul3A_200, %get3A_162 : vector<16xf32>
        %mul3A_203 = arith.constant -3.200000e+00 : f32
        %mul3A_204 = vector.broadcast %mul3A_203 : f32 to vector<16xf32>
        %mul3A_205 = arith.mulf %mul3A_204, %mul3A_201 : vector<16xf32>
        %exp3A = math.exp %mul3A_205 : vector<16xf32>
        %mul3A_206 = arith.constant -3.200000e+00 : f32
        %mul3A_207 = vector.broadcast %mul3A_206 : f32 to vector<16xf32>
        %mul3A_208 = arith.mulf %mul3A_207, %mul3A_202 : vector<16xf32>
        %exp3A_209 = math.exp %mul3A_208 : vector<16xf32>
        %add3A_210 = arith.addf %exp3A, %exp3A_209 : vector<16xf32>
        %mul3A_211 = arith.constant -9.423000e-01 : f32
        %mul3A_212 = vector.broadcast %mul3A_211 : f32 to vector<16xf32>
        %mul3A_213 = arith.mulf %mul3A_212, %mul3A_201 : vector<16xf32>
        %exp3A_214 = math.exp %mul3A_213 : vector<16xf32>
        %mul3A_215 = arith.constant -9.423000e-01 : f32
        %mul3A_216 = vector.broadcast %mul3A_215 : f32 to vector<16xf32>
        %mul3A_217 = arith.mulf %mul3A_216, %mul3A_202 : vector<16xf32>
        %exp3A_218 = math.exp %mul3A_217 : vector<16xf32>
        %add3A_219 = arith.addf %exp3A_214, %exp3A_218 : vector<16xf32>
        %mul3A_220 = arith.constant -4.029000e-01 : f32
        %mul3A_221 = vector.broadcast %mul3A_220 : f32 to vector<16xf32>
        %mul3A_222 = arith.mulf %mul3A_221, %mul3A_201 : vector<16xf32>
        %exp3A_223 = math.exp %mul3A_222 : vector<16xf32>
        %mul3A_224 = arith.constant -4.029000e-01 : f32
        %mul3A_225 = vector.broadcast %mul3A_224 : f32 to vector<16xf32>
        %mul3A_226 = arith.mulf %mul3A_225, %mul3A_202 : vector<16xf32>
        %exp3A_227 = math.exp %mul3A_226 : vector<16xf32>
        %add3A_228 = arith.addf %exp3A_223, %exp3A_227 : vector<16xf32>
        %mul3A_229 = arith.constant -2.016000e-01 : f32
        %mul3A_230 = vector.broadcast %mul3A_229 : f32 to vector<16xf32>
        %mul3A_231 = arith.mulf %mul3A_230, %mul3A_201 : vector<16xf32>
        %exp3A_232 = math.exp %mul3A_231 : vector<16xf32>
        %mul3A_233 = arith.constant -2.016000e-01 : f32
        %mul3A_234 = vector.broadcast %mul3A_233 : f32 to vector<16xf32>
        %mul3A_235 = arith.mulf %mul3A_234, %mul3A_202 : vector<16xf32>
        %exp3A_236 = math.exp %mul3A_235 : vector<16xf32>
        %add3A_237 = arith.addf %exp3A_232, %exp3A_236 : vector<16xf32>
        %mul3A_238 = arith.constant 1.818000e-01 : f32
        %mul3A_239 = vector.broadcast %mul3A_238 : f32 to vector<16xf32>
        %mul3A_240 = arith.mulf %mul3A_239, %add3A_210 : vector<16xf32>
        %mul3A_241 = arith.constant 5.099000e-01 : f32
        %mul3A_242 = vector.broadcast %mul3A_241 : f32 to vector<16xf32>
        %mul3A_243 = arith.mulf %mul3A_242, %add3A_219 : vector<16xf32>
        %add3A_244 = arith.addf %mul3A_240, %mul3A_243 : vector<16xf32>
        %mul3A_245 = arith.constant 2.802000e-01 : f32
        %mul3A_246 = vector.broadcast %mul3A_245 : f32 to vector<16xf32>
        %mul3A_247 = arith.mulf %mul3A_246, %add3A_228 : vector<16xf32>
        %add3A_248 = arith.addf %add3A_244, %mul3A_247 : vector<16xf32>
        %mul3A_249 = arith.constant 2.817000e-02 : f32
        %mul3A_250 = vector.broadcast %mul3A_249 : f32 to vector<16xf32>
        %mul3A_251 = arith.mulf %mul3A_250, %add3A_237 : vector<16xf32>
        %add3A_252 = arith.addf %add3A_248, %mul3A_251 : vector<16xf32>
        %mul3A_253 = arith.mulf %add3A_252, %mul3A_199 : vector<16xf32>
        %jit3A = arith.constant 0.000000e+00 : f32
        %broadcast_in_dim3A_254 = vector.broadcast %jit3A : f32 to vector<16xf32>
        %select_n3A = arith.select %and3A_177, %mul3A_253, %broadcast_in_dim3A_254 : vector<16xi1>, vector<16xf32>
        %add3A_255 = arith.addf %while3A_142, %select_n3A : vector<16xf32>
        %add3A_256 = arith.constant 1 : i32
        %add3A_257 = arith.addi %shift_left3A_30, %add3A_256 : i32
        %sub3A_258 = arith.subf %add3A_73, %get3A_153 : vector<16xf32>
        %sub3A_259 = arith.subf %add3A_89, %get3A_156 : vector<16xf32>
        %sub3A_260 = arith.subf %add3A_105, %get3A_159 : vector<16xf32>
        %mul3A_261 = arith.mulf %sub3A_258, %sub3A_258 : vector<16xf32>
        %mul3A_262 = arith.mulf %sub3A_259, %sub3A_259 : vector<16xf32>
        %add3A_263 = arith.addf %mul3A_261, %mul3A_262 : vector<16xf32>
        %mul3A_264 = arith.mulf %sub3A_260, %sub3A_260 : vector<16xf32>
        %add3A_265 = arith.addf %add3A_263, %mul3A_264 : vector<16xf32>
        %gt3A_266 = vector.broadcast %add3A_257 : i32 to vector<16xi32>
        %gt3A_267 = arith.cmpi sgt, %add3A_150, %gt3A_266 : vector<16xi32>
        %lt3A_268 = vector.broadcast %squeeze3A_46 : i32 to vector<16xi32>
        %lt3A_269 = arith.cmpi slt, %add3A_150, %lt3A_268 : vector<16xi32>
        %and3A_270 = arith.andi %gt3A_267, %lt3A_269 : vector<16xi1>
        %le3A_271 = arith.constant 28.002737 : f32
        %le3A_272 = vector.broadcast %le3A_271 : f32 to vector<16xf32>
        %le3A_273 = arith.cmpf ole, %add3A_265, %le3A_272 : vector<16xf32>
        %and3A_274 = arith.andi %and3A_270, %le3A_273 : vector<16xi1>
        %bitcast_convert_type3A_275 = tpu.bitcast %add3A_265 : vector<16xf32> -> vector<16xi32>
        %shift_right_arithmetic3A_276 = arith.constant 1 : i32
        %shift_right_arithmetic3A_277 = vector.broadcast %shift_right_arithmetic3A_276 : i32 to vector<16xi32>
        %shift_right_arithmetic3A_278 = arith.shrsi %bitcast_convert_type3A_275, %shift_right_arithmetic3A_277 : vector<16xi32>
        %sub3A_279 = arith.constant 1597463007 : i32
        %sub3A_280 = vector.broadcast %sub3A_279 : i32 to vector<16xi32>
        %sub3A_281 = arith.subi %sub3A_280, %shift_right_arithmetic3A_278 : vector<16xi32>
        %bitcast_convert_type3A_282 = tpu.bitcast %sub3A_281 : vector<16xi32> -> vector<16xf32>
        %mul3A_283 = arith.constant -5.000000e-01 : f32
        %mul3A_284 = vector.broadcast %mul3A_283 : f32 to vector<16xf32>
        %mul3A_285 = arith.mulf %mul3A_284, %add3A_265 : vector<16xf32>
        %mul3A_286 = arith.mulf %mul3A_285, %bitcast_convert_type3A_282 : vector<16xf32>
        %mul3A_287 = arith.mulf %mul3A_286, %bitcast_convert_type3A_282 : vector<16xf32>
        %add3A_288 = arith.constant 1.500000e+00 : f32
        %add3A_289 = vector.broadcast %add3A_288 : f32 to vector<16xf32>
        %add3A_290 = arith.addf %add3A_289, %mul3A_287 : vector<16xf32>
        %mul3A_291 = arith.mulf %bitcast_convert_type3A_282, %add3A_290 : vector<16xf32>
        %mul3A_292 = arith.mulf %mul3A_285, %mul3A_291 : vector<16xf32>
        %mul3A_293 = arith.mulf %mul3A_292, %mul3A_291 : vector<16xf32>
        %add3A_294 = arith.constant 1.500000e+00 : f32
        %add3A_295 = vector.broadcast %add3A_294 : f32 to vector<16xf32>
        %add3A_296 = arith.addf %add3A_295, %mul3A_293 : vector<16xf32>
        %mul3A_297 = arith.mulf %mul3A_291, %add3A_296 : vector<16xf32>
        %mul3A_298 = arith.mulf %add3A_265, %mul3A_297 : vector<16xf32>
        %mul3A_299 = arith.mulf %mul3A_298, %add3A_121 : vector<16xf32>
        %mul3A_300 = arith.mulf %mul3A_298, %get3A_162 : vector<16xf32>
        %mul3A_301 = arith.constant -3.200000e+00 : f32
        %mul3A_302 = vector.broadcast %mul3A_301 : f32 to vector<16xf32>
        %mul3A_303 = arith.mulf %mul3A_302, %mul3A_299 : vector<16xf32>
        %exp3A_304 = math.exp %mul3A_303 : vector<16xf32>
        %mul3A_305 = arith.constant -3.200000e+00 : f32
        %mul3A_306 = vector.broadcast %mul3A_305 : f32 to vector<16xf32>
        %mul3A_307 = arith.mulf %mul3A_306, %mul3A_300 : vector<16xf32>
        %exp3A_308 = math.exp %mul3A_307 : vector<16xf32>
        %add3A_309 = arith.addf %exp3A_304, %exp3A_308 : vector<16xf32>
        %mul3A_310 = arith.constant -9.423000e-01 : f32
        %mul3A_311 = vector.broadcast %mul3A_310 : f32 to vector<16xf32>
        %mul3A_312 = arith.mulf %mul3A_311, %mul3A_299 : vector<16xf32>
        %exp3A_313 = math.exp %mul3A_312 : vector<16xf32>
        %mul3A_314 = arith.constant -9.423000e-01 : f32
        %mul3A_315 = vector.broadcast %mul3A_314 : f32 to vector<16xf32>
        %mul3A_316 = arith.mulf %mul3A_315, %mul3A_300 : vector<16xf32>
        %exp3A_317 = math.exp %mul3A_316 : vector<16xf32>
        %add3A_318 = arith.addf %exp3A_313, %exp3A_317 : vector<16xf32>
        %mul3A_319 = arith.constant -4.029000e-01 : f32
        %mul3A_320 = vector.broadcast %mul3A_319 : f32 to vector<16xf32>
        %mul3A_321 = arith.mulf %mul3A_320, %mul3A_299 : vector<16xf32>
        %exp3A_322 = math.exp %mul3A_321 : vector<16xf32>
        %mul3A_323 = arith.constant -4.029000e-01 : f32
        %mul3A_324 = vector.broadcast %mul3A_323 : f32 to vector<16xf32>
        %mul3A_325 = arith.mulf %mul3A_324, %mul3A_300 : vector<16xf32>
        %exp3A_326 = math.exp %mul3A_325 : vector<16xf32>
        %add3A_327 = arith.addf %exp3A_322, %exp3A_326 : vector<16xf32>
        %mul3A_328 = arith.constant -2.016000e-01 : f32
        %mul3A_329 = vector.broadcast %mul3A_328 : f32 to vector<16xf32>
        %mul3A_330 = arith.mulf %mul3A_329, %mul3A_299 : vector<16xf32>
        %exp3A_331 = math.exp %mul3A_330 : vector<16xf32>
        %mul3A_332 = arith.constant -2.016000e-01 : f32
        %mul3A_333 = vector.broadcast %mul3A_332 : f32 to vector<16xf32>
        %mul3A_334 = arith.mulf %mul3A_333, %mul3A_300 : vector<16xf32>
        %exp3A_335 = math.exp %mul3A_334 : vector<16xf32>
        %add3A_336 = arith.addf %exp3A_331, %exp3A_335 : vector<16xf32>
        %mul3A_337 = arith.constant 1.818000e-01 : f32
        %mul3A_338 = vector.broadcast %mul3A_337 : f32 to vector<16xf32>
        %mul3A_339 = arith.mulf %mul3A_338, %add3A_309 : vector<16xf32>
        %mul3A_340 = arith.constant 5.099000e-01 : f32
        %mul3A_341 = vector.broadcast %mul3A_340 : f32 to vector<16xf32>
        %mul3A_342 = arith.mulf %mul3A_341, %add3A_318 : vector<16xf32>
        %add3A_343 = arith.addf %mul3A_339, %mul3A_342 : vector<16xf32>
        %mul3A_344 = arith.constant 2.802000e-01 : f32
        %mul3A_345 = vector.broadcast %mul3A_344 : f32 to vector<16xf32>
        %mul3A_346 = arith.mulf %mul3A_345, %add3A_327 : vector<16xf32>
        %add3A_347 = arith.addf %add3A_343, %mul3A_346 : vector<16xf32>
        %mul3A_348 = arith.constant 2.817000e-02 : f32
        %mul3A_349 = vector.broadcast %mul3A_348 : f32 to vector<16xf32>
        %mul3A_350 = arith.mulf %mul3A_349, %add3A_336 : vector<16xf32>
        %add3A_351 = arith.addf %add3A_347, %mul3A_350 : vector<16xf32>
        %mul3A_352 = arith.mulf %add3A_351, %mul3A_297 : vector<16xf32>
        %jit3A_353 = arith.constant 0.000000e+00 : f32
        %broadcast_in_dim3A_354 = vector.broadcast %jit3A_353 : f32 to vector<16xf32>
        %select_n3A_355 = arith.select %and3A_274, %mul3A_352, %broadcast_in_dim3A_354 : vector<16xi1>, vector<16xf32>
        %add3A_356 = arith.addf %while3A_143, %select_n3A_355 : vector<16xf32>
        %add3A_357 = arith.constant 2 : i32
        %add3A_358 = arith.addi %shift_left3A_30, %add3A_357 : i32
        %sub3A_359 = arith.subf %add3A_77, %get3A_153 : vector<16xf32>
        %sub3A_360 = arith.subf %add3A_93, %get3A_156 : vector<16xf32>
        %sub3A_361 = arith.subf %add3A_109, %get3A_159 : vector<16xf32>
        %mul3A_362 = arith.mulf %sub3A_359, %sub3A_359 : vector<16xf32>
        %mul3A_363 = arith.mulf %sub3A_360, %sub3A_360 : vector<16xf32>
        %add3A_364 = arith.addf %mul3A_362, %mul3A_363 : vector<16xf32>
        %mul3A_365 = arith.mulf %sub3A_361, %sub3A_361 : vector<16xf32>
        %add3A_366 = arith.addf %add3A_364, %mul3A_365 : vector<16xf32>
        %gt3A_367 = vector.broadcast %add3A_358 : i32 to vector<16xi32>
        %gt3A_368 = arith.cmpi sgt, %add3A_150, %gt3A_367 : vector<16xi32>
        %lt3A_369 = vector.broadcast %squeeze3A_48 : i32 to vector<16xi32>
        %lt3A_370 = arith.cmpi slt, %add3A_150, %lt3A_369 : vector<16xi32>
        %and3A_371 = arith.andi %gt3A_368, %lt3A_370 : vector<16xi1>
        %le3A_372 = arith.constant 28.002737 : f32
        %le3A_373 = vector.broadcast %le3A_372 : f32 to vector<16xf32>
        %le3A_374 = arith.cmpf ole, %add3A_366, %le3A_373 : vector<16xf32>
        %and3A_375 = arith.andi %and3A_371, %le3A_374 : vector<16xi1>
        %bitcast_convert_type3A_376 = tpu.bitcast %add3A_366 : vector<16xf32> -> vector<16xi32>
        %shift_right_arithmetic3A_377 = arith.constant 1 : i32
        %shift_right_arithmetic3A_378 = vector.broadcast %shift_right_arithmetic3A_377 : i32 to vector<16xi32>
        %shift_right_arithmetic3A_379 = arith.shrsi %bitcast_convert_type3A_376, %shift_right_arithmetic3A_378 : vector<16xi32>
        %sub3A_380 = arith.constant 1597463007 : i32
        %sub3A_381 = vector.broadcast %sub3A_380 : i32 to vector<16xi32>
        %sub3A_382 = arith.subi %sub3A_381, %shift_right_arithmetic3A_379 : vector<16xi32>
        %bitcast_convert_type3A_383 = tpu.bitcast %sub3A_382 : vector<16xi32> -> vector<16xf32>
        %mul3A_384 = arith.constant -5.000000e-01 : f32
        %mul3A_385 = vector.broadcast %mul3A_384 : f32 to vector<16xf32>
        %mul3A_386 = arith.mulf %mul3A_385, %add3A_366 : vector<16xf32>
        %mul3A_387 = arith.mulf %mul3A_386, %bitcast_convert_type3A_383 : vector<16xf32>
        %mul3A_388 = arith.mulf %mul3A_387, %bitcast_convert_type3A_383 : vector<16xf32>
        %add3A_389 = arith.constant 1.500000e+00 : f32
        %add3A_390 = vector.broadcast %add3A_389 : f32 to vector<16xf32>
        %add3A_391 = arith.addf %add3A_390, %mul3A_388 : vector<16xf32>
        %mul3A_392 = arith.mulf %bitcast_convert_type3A_383, %add3A_391 : vector<16xf32>
        %mul3A_393 = arith.mulf %mul3A_386, %mul3A_392 : vector<16xf32>
        %mul3A_394 = arith.mulf %mul3A_393, %mul3A_392 : vector<16xf32>
        %add3A_395 = arith.constant 1.500000e+00 : f32
        %add3A_396 = vector.broadcast %add3A_395 : f32 to vector<16xf32>
        %add3A_397 = arith.addf %add3A_396, %mul3A_394 : vector<16xf32>
        %mul3A_398 = arith.mulf %mul3A_392, %add3A_397 : vector<16xf32>
        %mul3A_399 = arith.mulf %add3A_366, %mul3A_398 : vector<16xf32>
        %mul3A_400 = arith.mulf %mul3A_399, %add3A_125 : vector<16xf32>
        %mul3A_401 = arith.mulf %mul3A_399, %get3A_162 : vector<16xf32>
        %mul3A_402 = arith.constant -3.200000e+00 : f32
        %mul3A_403 = vector.broadcast %mul3A_402 : f32 to vector<16xf32>
        %mul3A_404 = arith.mulf %mul3A_403, %mul3A_400 : vector<16xf32>
        %exp3A_405 = math.exp %mul3A_404 : vector<16xf32>
        %mul3A_406 = arith.constant -3.200000e+00 : f32
        %mul3A_407 = vector.broadcast %mul3A_406 : f32 to vector<16xf32>
        %mul3A_408 = arith.mulf %mul3A_407, %mul3A_401 : vector<16xf32>
        %exp3A_409 = math.exp %mul3A_408 : vector<16xf32>
        %add3A_410 = arith.addf %exp3A_405, %exp3A_409 : vector<16xf32>
        %mul3A_411 = arith.constant -9.423000e-01 : f32
        %mul3A_412 = vector.broadcast %mul3A_411 : f32 to vector<16xf32>
        %mul3A_413 = arith.mulf %mul3A_412, %mul3A_400 : vector<16xf32>
        %exp3A_414 = math.exp %mul3A_413 : vector<16xf32>
        %mul3A_415 = arith.constant -9.423000e-01 : f32
        %mul3A_416 = vector.broadcast %mul3A_415 : f32 to vector<16xf32>
        %mul3A_417 = arith.mulf %mul3A_416, %mul3A_401 : vector<16xf32>
        %exp3A_418 = math.exp %mul3A_417 : vector<16xf32>
        %add3A_419 = arith.addf %exp3A_414, %exp3A_418 : vector<16xf32>
        %mul3A_420 = arith.constant -4.029000e-01 : f32
        %mul3A_421 = vector.broadcast %mul3A_420 : f32 to vector<16xf32>
        %mul3A_422 = arith.mulf %mul3A_421, %mul3A_400 : vector<16xf32>
        %exp3A_423 = math.exp %mul3A_422 : vector<16xf32>
        %mul3A_424 = arith.constant -4.029000e-01 : f32
        %mul3A_425 = vector.broadcast %mul3A_424 : f32 to vector<16xf32>
        %mul3A_426 = arith.mulf %mul3A_425, %mul3A_401 : vector<16xf32>
        %exp3A_427 = math.exp %mul3A_426 : vector<16xf32>
        %add3A_428 = arith.addf %exp3A_423, %exp3A_427 : vector<16xf32>
        %mul3A_429 = arith.constant -2.016000e-01 : f32
        %mul3A_430 = vector.broadcast %mul3A_429 : f32 to vector<16xf32>
        %mul3A_431 = arith.mulf %mul3A_430, %mul3A_400 : vector<16xf32>
        %exp3A_432 = math.exp %mul3A_431 : vector<16xf32>
        %mul3A_433 = arith.constant -2.016000e-01 : f32
        %mul3A_434 = vector.broadcast %mul3A_433 : f32 to vector<16xf32>
        %mul3A_435 = arith.mulf %mul3A_434, %mul3A_401 : vector<16xf32>
        %exp3A_436 = math.exp %mul3A_435 : vector<16xf32>
        %add3A_437 = arith.addf %exp3A_432, %exp3A_436 : vector<16xf32>
        %mul3A_438 = arith.constant 1.818000e-01 : f32
        %mul3A_439 = vector.broadcast %mul3A_438 : f32 to vector<16xf32>
        %mul3A_440 = arith.mulf %mul3A_439, %add3A_410 : vector<16xf32>
        %mul3A_441 = arith.constant 5.099000e-01 : f32
        %mul3A_442 = vector.broadcast %mul3A_441 : f32 to vector<16xf32>
        %mul3A_443 = arith.mulf %mul3A_442, %add3A_419 : vector<16xf32>
        %add3A_444 = arith.addf %mul3A_440, %mul3A_443 : vector<16xf32>
        %mul3A_445 = arith.constant 2.802000e-01 : f32
        %mul3A_446 = vector.broadcast %mul3A_445 : f32 to vector<16xf32>
        %mul3A_447 = arith.mulf %mul3A_446, %add3A_428 : vector<16xf32>
        %add3A_448 = arith.addf %add3A_444, %mul3A_447 : vector<16xf32>
        %mul3A_449 = arith.constant 2.817000e-02 : f32
        %mul3A_450 = vector.broadcast %mul3A_449 : f32 to vector<16xf32>
        %mul3A_451 = arith.mulf %mul3A_450, %add3A_437 : vector<16xf32>
        %add3A_452 = arith.addf %add3A_448, %mul3A_451 : vector<16xf32>
        %mul3A_453 = arith.mulf %add3A_452, %mul3A_398 : vector<16xf32>
        %jit3A_454 = arith.constant 0.000000e+00 : f32
        %broadcast_in_dim3A_455 = vector.broadcast %jit3A_454 : f32 to vector<16xf32>
        %select_n3A_456 = arith.select %and3A_375, %mul3A_453, %broadcast_in_dim3A_455 : vector<16xi1>, vector<16xf32>
        %add3A_457 = arith.addf %while3A_144, %select_n3A_456 : vector<16xf32>
        %add3A_458 = arith.constant 3 : i32
        %add3A_459 = arith.addi %shift_left3A_30, %add3A_458 : i32
        %sub3A_460 = arith.subf %add3A_81, %get3A_153 : vector<16xf32>
        %sub3A_461 = arith.subf %add3A_97, %get3A_156 : vector<16xf32>
        %sub3A_462 = arith.subf %add3A_113, %get3A_159 : vector<16xf32>
        %mul3A_463 = arith.mulf %sub3A_460, %sub3A_460 : vector<16xf32>
        %mul3A_464 = arith.mulf %sub3A_461, %sub3A_461 : vector<16xf32>
        %add3A_465 = arith.addf %mul3A_463, %mul3A_464 : vector<16xf32>
        %mul3A_466 = arith.mulf %sub3A_462, %sub3A_462 : vector<16xf32>
        %add3A_467 = arith.addf %add3A_465, %mul3A_466 : vector<16xf32>
        %gt3A_468 = vector.broadcast %add3A_459 : i32 to vector<16xi32>
        %gt3A_469 = arith.cmpi sgt, %add3A_150, %gt3A_468 : vector<16xi32>
        %lt3A_470 = vector.broadcast %squeeze3A_50 : i32 to vector<16xi32>
        %lt3A_471 = arith.cmpi slt, %add3A_150, %lt3A_470 : vector<16xi32>
        %and3A_472 = arith.andi %gt3A_469, %lt3A_471 : vector<16xi1>
        %le3A_473 = arith.constant 28.002737 : f32
        %le3A_474 = vector.broadcast %le3A_473 : f32 to vector<16xf32>
        %le3A_475 = arith.cmpf ole, %add3A_467, %le3A_474 : vector<16xf32>
        %and3A_476 = arith.andi %and3A_472, %le3A_475 : vector<16xi1>
        %bitcast_convert_type3A_477 = tpu.bitcast %add3A_467 : vector<16xf32> -> vector<16xi32>
        %shift_right_arithmetic3A_478 = arith.constant 1 : i32
        %shift_right_arithmetic3A_479 = vector.broadcast %shift_right_arithmetic3A_478 : i32 to vector<16xi32>
        %shift_right_arithmetic3A_480 = arith.shrsi %bitcast_convert_type3A_477, %shift_right_arithmetic3A_479 : vector<16xi32>
        %sub3A_481 = arith.constant 1597463007 : i32
        %sub3A_482 = vector.broadcast %sub3A_481 : i32 to vector<16xi32>
        %sub3A_483 = arith.subi %sub3A_482, %shift_right_arithmetic3A_480 : vector<16xi32>
        %bitcast_convert_type3A_484 = tpu.bitcast %sub3A_483 : vector<16xi32> -> vector<16xf32>
        %mul3A_485 = arith.constant -5.000000e-01 : f32
        %mul3A_486 = vector.broadcast %mul3A_485 : f32 to vector<16xf32>
        %mul3A_487 = arith.mulf %mul3A_486, %add3A_467 : vector<16xf32>
        %mul3A_488 = arith.mulf %mul3A_487, %bitcast_convert_type3A_484 : vector<16xf32>
        %mul3A_489 = arith.mulf %mul3A_488, %bitcast_convert_type3A_484 : vector<16xf32>
        %add3A_490 = arith.constant 1.500000e+00 : f32
        %add3A_491 = vector.broadcast %add3A_490 : f32 to vector<16xf32>
        %add3A_492 = arith.addf %add3A_491, %mul3A_489 : vector<16xf32>
        %mul3A_493 = arith.mulf %bitcast_convert_type3A_484, %add3A_492 : vector<16xf32>
        %mul3A_494 = arith.mulf %mul3A_487, %mul3A_493 : vector<16xf32>
        %mul3A_495 = arith.mulf %mul3A_494, %mul3A_493 : vector<16xf32>
        %add3A_496 = arith.constant 1.500000e+00 : f32
        %add3A_497 = vector.broadcast %add3A_496 : f32 to vector<16xf32>
        %add3A_498 = arith.addf %add3A_497, %mul3A_495 : vector<16xf32>
        %mul3A_499 = arith.mulf %mul3A_493, %add3A_498 : vector<16xf32>
        %mul3A_500 = arith.mulf %add3A_467, %mul3A_499 : vector<16xf32>
        %mul3A_501 = arith.mulf %mul3A_500, %add3A_129 : vector<16xf32>
        %mul3A_502 = arith.mulf %mul3A_500, %get3A_162 : vector<16xf32>
        %mul3A_503 = arith.constant -3.200000e+00 : f32
        %mul3A_504 = vector.broadcast %mul3A_503 : f32 to vector<16xf32>
        %mul3A_505 = arith.mulf %mul3A_504, %mul3A_501 : vector<16xf32>
        %exp3A_506 = math.exp %mul3A_505 : vector<16xf32>
        %mul3A_507 = arith.constant -3.200000e+00 : f32
        %mul3A_508 = vector.broadcast %mul3A_507 : f32 to vector<16xf32>
        %mul3A_509 = arith.mulf %mul3A_508, %mul3A_502 : vector<16xf32>
        %exp3A_510 = math.exp %mul3A_509 : vector<16xf32>
        %add3A_511 = arith.addf %exp3A_506, %exp3A_510 : vector<16xf32>
        %mul3A_512 = arith.constant -9.423000e-01 : f32
        %mul3A_513 = vector.broadcast %mul3A_512 : f32 to vector<16xf32>
        %mul3A_514 = arith.mulf %mul3A_513, %mul3A_501 : vector<16xf32>
        %exp3A_515 = math.exp %mul3A_514 : vector<16xf32>
        %mul3A_516 = arith.constant -9.423000e-01 : f32
        %mul3A_517 = vector.broadcast %mul3A_516 : f32 to vector<16xf32>
        %mul3A_518 = arith.mulf %mul3A_517, %mul3A_502 : vector<16xf32>
        %exp3A_519 = math.exp %mul3A_518 : vector<16xf32>
        %add3A_520 = arith.addf %exp3A_515, %exp3A_519 : vector<16xf32>
        %mul3A_521 = arith.constant -4.029000e-01 : f32
        %mul3A_522 = vector.broadcast %mul3A_521 : f32 to vector<16xf32>
        %mul3A_523 = arith.mulf %mul3A_522, %mul3A_501 : vector<16xf32>
        %exp3A_524 = math.exp %mul3A_523 : vector<16xf32>
        %mul3A_525 = arith.constant -4.029000e-01 : f32
        %mul3A_526 = vector.broadcast %mul3A_525 : f32 to vector<16xf32>
        %mul3A_527 = arith.mulf %mul3A_526, %mul3A_502 : vector<16xf32>
        %exp3A_528 = math.exp %mul3A_527 : vector<16xf32>
        %add3A_529 = arith.addf %exp3A_524, %exp3A_528 : vector<16xf32>
        %mul3A_530 = arith.constant -2.016000e-01 : f32
        %mul3A_531 = vector.broadcast %mul3A_530 : f32 to vector<16xf32>
        %mul3A_532 = arith.mulf %mul3A_531, %mul3A_501 : vector<16xf32>
        %exp3A_533 = math.exp %mul3A_532 : vector<16xf32>
        %mul3A_534 = arith.constant -2.016000e-01 : f32
        %mul3A_535 = vector.broadcast %mul3A_534 : f32 to vector<16xf32>
        %mul3A_536 = arith.mulf %mul3A_535, %mul3A_502 : vector<16xf32>
        %exp3A_537 = math.exp %mul3A_536 : vector<16xf32>
        %add3A_538 = arith.addf %exp3A_533, %exp3A_537 : vector<16xf32>
        %mul3A_539 = arith.constant 1.818000e-01 : f32
        %mul3A_540 = vector.broadcast %mul3A_539 : f32 to vector<16xf32>
        %mul3A_541 = arith.mulf %mul3A_540, %add3A_511 : vector<16xf32>
        %mul3A_542 = arith.constant 5.099000e-01 : f32
        %mul3A_543 = vector.broadcast %mul3A_542 : f32 to vector<16xf32>
        %mul3A_544 = arith.mulf %mul3A_543, %add3A_520 : vector<16xf32>
        %add3A_545 = arith.addf %mul3A_541, %mul3A_544 : vector<16xf32>
        %mul3A_546 = arith.constant 2.802000e-01 : f32
        %mul3A_547 = vector.broadcast %mul3A_546 : f32 to vector<16xf32>
        %mul3A_548 = arith.mulf %mul3A_547, %add3A_529 : vector<16xf32>
        %add3A_549 = arith.addf %add3A_545, %mul3A_548 : vector<16xf32>
        %mul3A_550 = arith.constant 2.817000e-02 : f32
        %mul3A_551 = vector.broadcast %mul3A_550 : f32 to vector<16xf32>
        %mul3A_552 = arith.mulf %mul3A_551, %add3A_538 : vector<16xf32>
        %add3A_553 = arith.addf %add3A_549, %mul3A_552 : vector<16xf32>
        %mul3A_554 = arith.mulf %add3A_553, %mul3A_499 : vector<16xf32>
        %jit3A_555 = arith.constant 0.000000e+00 : f32
        %broadcast_in_dim3A_556 = vector.broadcast %jit3A_555 : f32 to vector<16xf32>
        %select_n3A_557 = arith.select %and3A_476, %mul3A_554, %broadcast_in_dim3A_556 : vector<16xi1>, vector<16xf32>
        %add3A_558 = arith.addf %while3A_145, %select_n3A_557 : vector<16xf32>
        scf.yield %add3A_255, %add3A_356, %add3A_457, %add3A_558 : vector<16xf32>, vector<16xf32>, vector<16xf32>, vector<16xf32>
      }
      scf.yield %while3A_140#0, %while3A_140#1, %while3A_140#2, %while3A_140#3 : vector<16xf32>, vector<16xf32>, vector<16xf32>, vector<16xf32>
    }
    %add3A_16 = arith.addf %while3A_15#0, %while3A_15#1 : vector<16xf32>
    %add3A_17 = arith.addf %while3A_15#2, %while3A_15#3 : vector<16xf32>
    %add3A_18 = arith.addf %add3A_16, %add3A_17 : vector<16xf32>
    %swap3A = arith.constant 0 : index
    %swap3A_19 = tpu.vector_load %arg13[%swap3A] {strides = array<i32>} : memref<16xf32, #tpu.memory_space<vmem>>, vector<16xf32>,
    %swap3A_20 = vector.shape_cast %swap3A_19 : vector<16xf32> to vector<16xf32>
    %swap3A_21 = vector.shape_cast %add3A_18 : vector<16xf32> to vector<16xf32>
    tpu.vector_store %arg13[%swap3A], %swap3A_21 {strides = array<i32>} : memref<16xf32, #tpu.memory_space<vmem>>, vector<16xf32>,
    "tpu.region"() ({
      %run_scoped3A = tpu.sem_alloc : memref<!tpu.dma_semaphore, #tpu.memory_space<semaphore_mem>>
      %dma_start3A = arith.constant 0 : i32
      %dma_start3A_22 = tpu.memref_slice %arg7[%add3A, %dma_start3A] : memref<32x16xf32, #tpu.memory_space<hbm>> -> memref<1x16xf32, #tpu.memory_space<hbm>>
      %dma_start3A_23 = tpu.memref_squeeze %dma_start3A_22 : memref<1x16xf32, #tpu.memory_space<hbm>> -> memref<16xf32, #tpu.memory_space<hbm>>
      %dma_start3A_24 = arith.constant 0 : i32
      %dma_start3A_25 = tpu.memref_slice %arg7[%add3A, %dma_start3A_24] : memref<32x16xf32, #tpu.memory_space<hbm>> -> memref<1x16xf32, #tpu.memory_space<hbm>>
      %dma_start3A_26 = tpu.memref_squeeze %dma_start3A_25 : memref<1x16xf32, #tpu.memory_space<hbm>> -> memref<16xf32, #tpu.memory_space<hbm>>
      tpu.enqueue_dma source(%arg13 : memref<16xf32, #tpu.memory_space<vmem>>) target(%dma_start3A_26 : memref<16xf32, #tpu.memory_space<hbm>>) target_semaphore(%run_scoped3A : memref<!tpu.dma_semaphore, #tpu.memory_space<semaphore_mem>>)
      %dma_wait3A = arith.constant 0 : i32
      %dma_wait3A_27 = tpu.memref_slice %arg7[%add3A, %dma_wait3A] : memref<32x16xf32, #tpu.memory_space<hbm>> -> memref<1x16xf32, #tpu.memory_space<hbm>>
      %dma_wait3A_28 = tpu.memref_squeeze %dma_wait3A_27 : memref<1x16xf32, #tpu.memory_space<hbm>> -> memref<16xf32, #tpu.memory_space<hbm>>
      %dma_wait3A_29 = arith.constant 0 : i32
      %dma_wait3A_30 = tpu.memref_slice %arg7[%add3A, %dma_wait3A_29] : memref<32x16xf32, #tpu.memory_space<hbm>> -> memref<1x16xf32, #tpu.memory_space<hbm>>
      %dma_wait3A_31 = tpu.memref_squeeze %dma_wait3A_30 : memref<1x16xf32, #tpu.memory_space<hbm>> -> memref<16xf32, #tpu.memory_space<hbm>>
      tpu.wait_dma2 semaphore(%run_scoped3A : memref<!tpu.dma_semaphore, #tpu.memory_space<semaphore_mem>>) src(%arg13 : memref<16xf32, #tpu.memory_space<vmem>>) dst(%dma_wait3A_31 : memref<16xf32, #tpu.memory_space<hbm>>)
      tpu.yield
    }) : () -> ()
    return
  }
}

</mosaic_0001>

<sc_bundles>
// kernel: kernel.3.cloned.1.call-start
scs
__scs_entry_jumppad:
0x0: {  	(pc) =	sbr.rel $0x88, $3  }
0x1: {  	(tag) =	ssettag $0x0;
	lr =	simm.s32 $0x1  }
0x2: {  	[smem:$0x3F9D] =	sst lr;
	_ =	strace $0xD0000000  }
0x3: {  	_ = 	snop  }
0x4: {  	_ = 	snop  }
0x5: {  	_ = 	snop  }
0x6: {  	_ = 	snop  }
0x7: {  	_ = 	snop  }
__scs_overlays_trampoline_lowered:
0x8: {  	[smem:$0x3FAC] =	sst s0  }
0x9: {  	[smem:$0x3FAD] =	sst s1  }
0xa: {  	[smem:$0x3FAE] =	sst s2  }
0xb: {  	[smem:$0x3FAF] =	sst s3  }
0xc: {  	[smem:$0x3FB0] =	sst s4  }
0xd: {  	[smem:$0x3FB1] =	sst s5  }
0xe: {  	[smem:$0x3FB2] =	sst s6  }
0xf: {  	[smem:$0x3FB3] =	sst s7  }
0x10: {  	[smem:$0x3FB4] =	sst s8  }
0x11: {  	[smem:$0x3FB5] =	sst s9;
	s0 =	simm.s32 @!p0 $0x0  }
0x12: {  	s1 =	sld [smem:$0x3F9B];
	s0 =	simm.s32 @p0 $0x1  }
0x13: {  	[smem:$0x3FB6] =	sst s0;
	s0 =	simm.s32 @!p1 $0x0  }
0x14: {  	s2 =	sld [smem:$0x3F9A];
	s0 =	simm.s32 @p1 $0x1  }
0x15: {  	[smem:$0x3FB7] =	sst s0;
	s0 =	simm.s32 @!p2 $0x0  }
0x16: {  	s3 =	sld [smem:$0x3FDB];
	s0 =	simm.s32 @p2 $0x1  }
0x17: {  	s4 =	simm.s32 $0x1BF5;
	[smem:$0x3FB9] =	sst s0  }
0x18: {  	s0 =	sld [smem:$0x3F9C];
	_ =	swait.ge [sflag:s4], $0x0  }
0x19: {  	s7 =	sld [smem:$0x3F9D]  }
0x1a: {  	s8 =	sadd.s32 $0xFFFFE003, lr  }
0x1b: {  	s9 =	sadd.s32 $0xFFFFFEF7, lr;
	s5 =	simm.s32 $0xFFFFFFFF;
	p2 =	slt.u32 s8, $0xFFFFF086  }
0x1c: {  	p1 =	slt.u32 s9, $0xF7A;
	s5 =	simm.s32 @!p2 $0x0  }
0x1d: {  	s5 =	simm.s32 @p1 $0x1;
	p0 =	seq.s32 s7, s2  }
0x1e: {  	s7 =	smul.u32 @!p0 $0xF7A, s2;
	p2 =	seq.s32 @!p0 s5, $0x0  }
0x1f: {  	s9 =	smul.u32 $0xF7A, s1;
	s8 =	simm.s32 @!p0 $0x1BF5;
	p2 =	por !p2, p0  }
0x20: {  	[sflag:s8] =	ssyncset.s32 @!p0 $0xFFFFF086;
	s6 =	sadd.s32 @!p0 s3, s7;
	s7 =	simm.s32 @!p0 $0x108  }
0x21: {  	s3 =	sadd.s32 s3, s9;
	s6 =	sadd.s32 @!p0 $0x88, s6;
	s7 =	simm.s32 @p2 $0x1082  }
0x22: {  	[simem:s7], [sflag:s8] =	dma.local @!p0 [hbm:s6], $0xF7A  }
0x23: {  	s9 =	sor.u32 $0xD0000000, s2;
	s6 =	simm.s32 $0x108;
	_ =	swait.ge @!p0 [sflag:s8], $0x0  }
0x24: {  	s3 =	sadd.s32 $0x88, s3;
	s6 =	simm.s32 @!p1 $0x1082;
	[sflag:s4] =	ssyncset.s32 $0xFFFFF086  }
0x25: {  	[simem:s6], [sflag:s4] =	dma.local [hbm:s3], $0xF7A  }
0x26: {  	[smem:$0x3F9D] =	sst s1;
	(tag) =	ssettag s2;
	_ =	strace s9  }
0x27: {  	s1 =	sld [smem:$0x3FAD]  }
0x28: {  	s2 =	sld [smem:$0x3FAE]  }
0x29: {  	s4 =	sld [smem:$0x3FB0]  }
0x2a: {  	p0 =	seq.s32 s5, $0x0;
	s5 =	sld [smem:$0x3FB1]  }
0x2b: {  	s6 =	sld [smem:$0x3FB2]  }
0x2c: {  	s7 =	sld [smem:$0x3FB3]  }
0x2d: {  	s3 =	simm.s32 $0x108;
	s8 =	sld [smem:$0x3FB4]  }
0x2e: {  	s3 =	simm.s32 @!p0 $0x1082;
	s9 =	sld [smem:$0x3FB5]  }
0x2f: {  	lr =	sadd.s32 s0, s3;
	s0 =	sld [smem:$0x3FAC]  }
0x30: {  	s3 =	sld [smem:$0x3FAF]  }
0x31: {  	[smem:$0x3FB8] =	sst s10  }
0x32: {  	s10 =	sld [smem:$0x3FB6];
	_ =	sdelay $0x3  }
0x33: {  	p0 =	seq.s32 s10, $0x1;
	s10 =	sld [smem:$0x3FB8];
	_ =	sdelay $0x3  }
0x34: {  	[smem:$0x3FB8] =	sst s10  }
0x35: {  	s10 =	sld [smem:$0x3FB7];
	_ =	sdelay $0x3  }
0x36: {  	p1 =	seq.s32 s10, $0x1;
	s10 =	sld [smem:$0x3FB8];
	_ =	sdelay $0x3  }
0x37: {  	[smem:$0x3FB8] =	sst s10  }
0x38: {  	s10 =	sld [smem:$0x3FB9]  }
0x39: {  	_ = 	snop;
	(pc) =	sbr.ind lr, $3  }
0x3a: {  	_ = 	snop  }
0x3b: {  	_ = 	snop  }
0x3c: {  	p2 =	seq.s32 s10, $0x1;
	s10 =	sld [smem:$0x3FB8]  }
0x3d: {  	_ =	shalt  }
0x3e: {  	_ =	shalt  }
0x3f: {  	_ =	shalt  }
0x40: {  	_ =	shalt  }
0x41: {  	_ =	shalt  }
0x42: {  	_ =	shalt  }
0x43: {  	_ =	shalt  }
0x44: {  	_ =	shalt  }
0x45: {  	_ =	shalt  }
0x46: {  	_ =	shalt  }
0x47: {  	_ =	shalt  }
0x48: {  	_ =	shalt  }
0x49: {  	_ =	shalt  }
0x4a: {  	_ =	shalt  }
0x4b: {  	_ =	shalt  }
0x4c: {  	_ =	shalt  }
0x4d: {  	_ =	shalt  }
0x4e: {  	_ =	shalt  }
0x4f: {  	_ =	shalt  }
0x50: {  	_ =	shalt  }
0x51: {  	_ =	shalt  }
0x52: {  	_ =	shalt  }
0x53: {  	_ =	shalt  }
0x54: {  	_ =	shalt  }
0x55: {  	_ =	shalt  }
0x56: {  	_ =	shalt  }
0x57: {  	_ =	shalt  }
0x58: {  	_ =	shalt  }
0x59: {  	_ =	shalt  }
0x5a: {  	_ =	shalt  }
0x5b: {  	_ =	shalt  }
0x5c: {  	_ =	shalt  }
0x5d: {  	_ =	shalt  }
0x5e: {  	_ =	shalt  }
0x5f: {  	_ =	shalt  }
0x60: {  	_ =	shalt  }
0x61: {  	_ =	shalt  }
0x62: {  	_ =	shalt  }
0x63: {  	_ =	shalt  }
0x64: {  	_ =	shalt  }
0x65: {  	_ =	shalt  }
0x66: {  	_ =	shalt  }
0x67: {  	_ =	shalt  }
0x68: {  	_ =	shalt  }
0x69: {  	_ =	shalt  }
0x6a: {  	_ =	shalt  }
0x6b: {  	_ =	shalt  }
0x6c: {  	_ =	shalt  }
0x6d: {  	_ =	shalt  }
0x6e: {  	_ =	shalt  }
0x6f: {  	_ =	shalt  }
0x70: {  	_ =	shalt  }
0x71: {  	_ =	shalt  }
0x72: {  	_ =	shalt  }
0x73: {  	_ =	shalt  }
0x74: {  	_ =	shalt  }
0x75: {  	_ =	shalt  }
0x76: {  	_ =	shalt  }
0x77: {  	_ =	shalt  }
0x78: {  	_ =	shalt  }
0x79: {  	_ =	shalt  }
0x7a: {  	_ =	shalt  }
0x7b: {  	_ =	shalt  }
0x7c: {  	_ =	shalt  }
0x7d: {  	_ =	shalt  }
0x7e: {  	_ =	shalt  }
0x7f: {  	_ =	shalt  }
0x80: {  	_ =	shalt  }
0x81: {  	_ =	shalt  }
0x82: {  	_ =	shalt  }
0x83: {  	_ =	shalt  }
0x84: {  	_ =	shalt  }
0x85: {  	_ =	shalt  }
0x86: {  	_ =	shalt  }
0x87: {  	_ =	shalt  }
.Lfunc_end0:
.L_simem_size_0:
called_computation_lowered:
.L_overlay_start_0:
0x88: {  	s2 =	sld [smem:$0x3FD9]  }
0x89: {  	s3 =	sld [smem:$0x3FFE];
	_ =	sdelay $0x1  }
0x8a: {  	s1 =	srdreg.scid  }
0x8b: {  	s0 =	sand.u32 $0x1, s1  }
0x8c: {  	s16 =	sshll.u32 s0, $0xA;
	s2 =	sadd.s32 s3, s2  }
0x8d: {  	s2 =	sadd.s32 s2, s16  }
0x8e: {  	[smem:$0x3FC4] =	sst s2  }
0x8f: {  	_ = 	snop  }
0x90: {  	(tm) =	ssettm $0x1  }
0x91: {  	s17 =	sld [smem:$0x3FFB];
	_ =	sdelay $0x3  }
0x92: {  	_ =	strace s17  }
0x93: {  	s2 =	sld [smem:$0x3FFC];
	_ =	sdelay $0x3  }
0x94: {  	_ =	strace s2  }
0x95: {  	s2 =	sld [smem:$0x3FFD];
	_ =	sdelay $0x3  }
0x96: {  	_ =	strace s2  }
0x97: {  	_ =	strace $0x8FFFFFFF  }
0x98: {  	s18 =	sld [smem:$0x3FDB];
	_ =	sdelay $0x1  }
0x99: {  	s19 =	simm.s32 $_scs_section_size  }
0x9a: {  	s4 =	simm.s32 $_size__tile_overlayer_lowered;
	s5 =	simm.s32 $_tile_overlayer_lowered  }
0x9b: {  	s22 =	simm.s32 $0x1BFF;
	s21 =	sshll.u32 s5, $0x1;
	s2 =	sadd.s32 s19, s18  }
0x9c: {  	s6 =	simm.s32 $0x0;
	s20 =	sshll.u32 s4, $0x1;
	s4 =	sadd.s32 s21, s2  }
0x9d: {  	[timem:s6], [sflag:s22] =	dma.local [hbm:s4], s20  }
0x9e: {  	_ =	swait.ge [sflag:s22], s20  }
0x9f: {  	s3 =	ssub.s32 $0x0, s20;
	[sflag:s22] =	ssyncset.done $0x0  }
0xa0: {  	[sflag:s22] =	ssyncadd.s32 s3;
	_ =	sdelay $0x1  }
0xa1: {  	s23 =	simm.s32 $0x1B8B  }
0xa2: {  	_ =	swait.ge [sflag:s23], $0x1  }
0xa3: {  	[sflag:s23] =	ssyncset.done $0x0  }
0xa4: {  	s25 =	simm.s32 $0x1B8E;
	s24 =	sld [smem:$0x3FFE];
	[sflag:s23] =	ssyncadd.s32 $0xFFFFFFFF  }
0xa5: {  	s26 =	simm.s32 $execute0_lowered;
	[smem:$0x3FD2] =	sst s25  }
0xa6: {  	s4 =	sshll.u32 s26, $0x1;
	_ =	strace $0x80000046;
	[dreg:$0x1] =	wrdreg $0xFFFFFFFF  }
0xa7: {  	s28 =	simm.s32 $_size_execute0_lowered;
	s2 =	sadd.s32 s2, s4;
	[dreg:$0x0] =	wrdreg $0x0  }
0xa8: {  	s4 =	sshll.u32 s28, $0x1;
	[dreg:$0x2] =	wrdreg s2  }
0xa9: {  	[dreg:$0x3] =	wrdreg s4  }
0xaa: {  	[dreg:$0x4] =	wrdreg $0xC0  }
0xab: {  	_ =	task [dreg:s6], $0x5FFFF  }
0xac: {  	[dreg:$0x1] =	wrdreg $0xFFFFFFFF  }
0xad: {  	[dreg:$0x0] =	wrdreg $0x60  }
0xae: {  	[dreg:$0x2] =	wrdreg s24  }
0xaf: {  	[dreg:$0x3] =	wrdreg $0x9  }
0xb0: {  	_ =	task.clear_ibuf [dreg:s6], $0x4FFFF;
	_ =	strace $0x90000046  }
0xb1: {  	s29 =	simm.s32 $0x9;
	_ =	strace $0x80000048  }
0xb2: {  	_ =	swait.ge [sflag:s29], $0x1  }
0xb3: {  	[sflag:s29] =	ssyncadd.s32 $0xFFFFFFFF  }
0xb4: {  	_ =	strace $0x90000048  }
0xb5: {  	_ =	sfence  }
0xb6: {  	s30 =	sld [smem:$0x0];
	_ =	sdelay $0x2  }
0xb7: {  	s31 =	sshll.u32 s1, $0xD;
	s1 =	sshrl.u32 s1, $0x2  }
0xb8: {  	s3 =	sand.u32 $0x4000, s31;
	s1 =	sadd.s32 s1, s30  }
0xb9: {  	s0 =	sor.u32 s3, s0;
	s1 =	sshll.u32 s1, $0x11  }
0xba: {  	s0 =	sor.u32 s1, s0  }
0xbb: {  	s0 =	sadd.s32 $0x8F2B, s0  }
0xbc: {  	[sflag:s0] =	ssyncadd.remote.s32 $0x1  }
0xbd: {  	_ =	sfence.sel $0xFFFF  }
0xbe: {  	[dreg:$0x0] =	wrdreg $0xFFFFFFFF;
	(pc) =	sbr.abs _section_cstart, $3  }
0xbf: {  	[dreg:$0x1] =	wrdreg $0xFFFFFFFF  }
0xc0: {  	_ =	task.clear_ibuf [dreg:s6], $0x2FFFF;
	_ =	strace $0x9FFFFFFF  }
0xc1: {  	(tm) =	ssettm $0x7FFFFFFF  }
tec
execute0_lowered:
.L_overlay_start_1:
0x0: {  	(tag) =	ssettag $0x1  }
0x1: {  	s1 =	rddreg [dreg:$0x0]  }
0x2: {  	s0 =	rddreg [dreg:$0x1]  }
0x3: {  	s3 =	simm.s32 $0x0;
	s5 =	srdreg.scid;
	s2 =	stileid.u32  }
0x4: {  	s15 =	simm.s32 $0x4F00;
	s16 =	simm.s32 $0x7680;
	s17 =	simm.s32 $0x9E00  }
0x5: {  	s18 =	simm.s32 $0xC580;
	s19 =	simm.s32 $0x0;
	[smem:$0x7FF] =	sst s3  }
0x6: {  	s4 =	sadd.s32 $0x1200, s1;
	s11 =	sand.u32 $0x1, s5;
	s6 =	sshll.u32 s2, $0x1  }
0x7: {  	s5 =	sadd.s32 $0xC00, s1;
	s7 =	sadd.s32 $0x1800, s1;
	s13 =	sshll.u32 s2, $0x3  }
0x8: {  	_ =	strace $0x80000047;
	s10 =	sor.u32 s11, s6;
	s8 =	ssub.s32 $0x2, s11  }
.Ltmp0:
0x9: {  	s6 =	sadd.s32 $0x600, s1;
	s9 =	sshll.u32 s10, $0x4;
	(pc) =	sbr.rel .LBB2_1-.Ltmp0, $4  }
0xa: {  	s14 =	sshll.u32 s11, $0x2;
	s12 =	sshrl.u32 s8, $0x1;
	s9 =	sadd.s32 s9, s1  }
0xb: {  	s12 =	ssub.s32 s8, s12;
	s8 =	sshll.u32 s10, $0x2;
	s10 =	ssub.s32 $0x9C3, s10  }
0xc: {  	s9 =	sadd.s32 $0x1E00, s9;
	s10 =	sshrl.u32 s10, $0x5;
	s11 =	smax.u32 s12, $0x1  }
0xd: {  	v0 =	vlaneseq.u32;
	s12 =	sor.u32 s14, s13;
	s13 =	simm.s32 $0x1;
	s14 =	simm.s32 $0x2780  }
.LBB2_13:
0xe: {  	v2 =	vadd.f32 v63, v4;
	v1 =	vadd.f32 v1, v62;
	_ =	sdelay $0x1  }
0xf: {  	s19 =	sadd.s32 $0x1, s19;
	v1 =	vadd.f32 v1, v2  }
0x10: {  	p0 =	sne.s32 s19, s11  }
.Ltmp1:
0x11: {  	[tilespmem:$0xC580] =	vst v1;
	(pc) =	sbr.rel @!p0 .LBB2_14-.Ltmp1, $4  }
0x12: {  	[hbm4b:s9+s3] =	stream.linear.scatter [tilespmem:s18], [sflag:$0x1], $0x80, $0x38;
	[tilespmem:$0xC600] =	vst v63  }
0x13: {  	_ =	swait.ge [sflag:s13], $0x80  }
0x14: {  	[sflag:s13] =	ssyncset.done $0x0  }
0x15: {  	[sflag:s13] =	ssyncadd.s32 $0xFFFFFF80  }
.LBB2_1:
0x16: {  	[tilespmem:s3], [sflag:$0x1] =	stream.linear.gather [hbm4b:s4+s3], $0x2710, $0x38;
	[tilespmem:$0xC600] =	vst v63  }
0x17: {  	_ =	swait.ge [sflag:s13], $0x2710  }
0x18: {  	[sflag:s13] =	ssyncset.done $0x0  }
0x19: {  	[sflag:s13] =	ssyncadd.s32 $0xFFFFD8F0  }
0x1a: {  	[tilespmem:s14], [sflag:$0x1] =	stream.linear.gather [hbm4b:s5+s3], $0x2710, $0x38;
	[tilespmem:$0xC600] =	vst v63  }
0x1b: {  	_ =	swait.ge [sflag:s13], $0x2710  }
0x1c: {  	[sflag:s13] =	ssyncset.done $0x0  }
0x1d: {  	[sflag:s13] =	ssyncadd.s32 $0xFFFFD8F0  }
0x1e: {  	[tilespmem:s15], [sflag:$0x1] =	stream.linear.gather [hbm4b:s6+s3], $0x2710, $0x38;
	[tilespmem:$0xC600] =	vst v63  }
0x1f: {  	_ =	swait.ge [sflag:s13], $0x2710  }
0x20: {  	[sflag:s13] =	ssyncset.done $0x0  }
0x21: {  	[sflag:s13] =	ssyncadd.s32 $0xFFFFD8F0  }
0x22: {  	[tilespmem:s16], [sflag:$0x1] =	stream.linear.gather [hbm4b:s1+s3], $0x2710, $0x38;
	[tilespmem:$0xC600] =	vst v63  }
0x23: {  	_ =	swait.ge [sflag:s13], $0x2710  }
0x24: {  	[sflag:s13] =	ssyncset.done $0x0  }
.Ltmp2:
0x25: {  	[sflag:s13] =	ssyncadd.s32 $0xFFFFD8F0;
	(pc) =	sbr.rel .LBB2_2-.Ltmp2, $4  }
0x26: {  	[tilespmem:s17], [sflag:$0x1] =	stream.linear.gather [hbm4b:s7+s3], $0x2710, $0x38;
	[tilespmem:$0xC600] =	vst v63  }
0x27: {  	_ =	swait.ge [sflag:s13], $0x2710  }
0x28: {  	v62 =	vimm.f32 $0.0e+00;
	[sflag:s13] =	ssyncset.done $0x0  }
0x29: {  	s20 =	smov.u32 s12;
	v1 =	vimm.f32 $0.0e+00;
	v63 =	vimm.f32 $0.0e+00;
	v4 =	vimm.f32 $0.0e+00;
	s21 =	simm.s32 $0x0;
	[sflag:s13] =	ssyncadd.s32 $0xFFFFD8F0  }
.LBB2_4:
0x2a: {  	s24 =	smov.u32 s23;
	v32 =	vmov v4;
	v33 =	vmov v63;
	v34 =	vmov v62;
	s25 =	smov.u32 s22  }
.LBB2_11:
0x2b: {  	v2 =	vsub.f32 v24, v46;
	v28 =	vsub.f32 v25, v51;
	_ =	sdelay $0x1  }
0x2c: {  	v36 =	vsub.f32 v26, v49;
	v2 =	vmul.f32 v2, v2;
	v24 =	vmul.f32 v28, v28;
	_ =	sdelay $0x1  }
0x2d: {  	v23 =	vsub.f32 v23, v51;
	v37 =	vmul.f32 v36, v36;
	v2 =	vadd.f32 v24, v2  }
0x2e: {  	v38 =	vmul.f32 v53, v53;
	v53 =	vsub.f32 v21, v51;
	v54 =	vsub.f32 v20, v51  }
0x2f: {  	v55 =	vmul.f32 v52, v52;
	v22 =	vsub.f32 v22, v49;
	v21 =	vadd.f32 v37, v2  }
0x30: {  	v19 =	vsub.f32 v19, v49;
	v17 =	vsub.f32 v17, v49;
	v23 =	vmul.f32 v23, v23  }
0x31: {  	v26 =	vmul.f32 v53, v53;
	v24 =	vshra.s32 v21, $0x1;
	v27 =	vmul.f32 $-5.000000000e-01, v21  }
0x32: {  	v22 =	vmul.f32 v22, v22;
	v2 =	vsub.f32 v18, v46;
	v24 =	vsub.s32 $0x5F3759DF, v24  }
0x33: {  	v19 =	vmul.f32 v19, v19;
	v23 =	vadd.f32 v23, v38;
	v28 =	vmul.f32 v24, v27  }
0x34: {  	v20 =	vadd.f32 v26, v55;
	v18 =	vmul.f32 v54, v54;
	v2 =	vmul.f32 v2, v2  }
0x35: {  	v22 =	vadd.f32 v22, v23;
	v56 =	vmul.f32 v24, v28  }
0x36: {  	v17 =	vmul.f32 v17, v17;
	v20 =	vadd.f32 v19, v20;
	v2 =	vadd.f32 v18, v2  }
0x37: {  	v58 =	vshra.s32 v22, $0x1;
	v57 =	vadd.f32 $1.500000000e+00, v56  }
0x38: {  	v59 =	vmul.f32 $-5.000000000e-01, v22;
	v60 =	vshra.s32 v20, $0x1;
	v2 =	vadd.f32 v17, v2  }
0x39: {  	v61 =	vmul.f32 $-5.000000000e-01, v20;
	v19 =	vsub.s32 $0x5F3759DF, v58;
	v18 =	vmul.f32 v24, v57  }
0x3a: {  	v23 =	vsub.s32 $0x5F3759DF, v60;
	v49 =	vshra.s32 v2, $0x1;
	v51 =	vmul.f32 $-5.000000000e-01, v2  }
0x3b: {  	v52 =	vmul.f32 v19, v59;
	v25 =	vsub.s32 $0x5F3759DF, v49;
	v27 =	vmul.f32 v18, v27  }
0x3c: {  	v36 =	vmul.f32 v23, v61;
	v37 =	vmul.f32 v25, v51  }
0x3d: {  	v28 =	vmul.f32 v19, v52;
	v27 =	vmul.f32 v27, v18  }
0x3e: {  	v38 =	vadd.f32 @p0 v45, v47;
	v36 =	vmul.f32 v23, v36;
	v37 =	vmul.f32 v25, v37  }
0x3f: {  	s24 =	sadd.s32 @p0 $0x10, s24;
	v45 =	vmul.f32 @p0 $2.802000050e-01, v50;
	v28 =	vadd.f32 $1.500000000e+00, v28;
	v27 =	vadd.f32 $1.500000000e+00, v27  }
0x40: {  	s23 =	smov.u32 @p0 s24;
	v38 =	vmul.f32 @p0 $2.802000050e-01, v38;
	v36 =	vadd.f32 $1.500000000e+00, v36;
	v37 =	vadd.f32 $1.500000000e+00, v37  }
0x41: {  	v46 =	vld [tilespmem:s23+$0x0];
	v27 =	vmul.f32 v27, v18;
	v18 =	vmul.f32 v19, v28  }
0x42: {  	v19 =	vmul.f32 v23, v36;
	v23 =	vmul.f32 v25, v37  }
0x43: {  	v53 =	vmul.f32 v27, v21;
	v17 =	vmul.f32 v18, v59  }
0x44: {  	v24 =	vmul.f32 v19, v61;
	v26 =	vmul.f32 v23, v51  }
0x45: {  	v16 =	vmul.f32 v53, v16;
	v17 =	vmul.f32 v17, v18  }
0x46: {  	v25 =	vmul.f32 v53, v46;
	v24 =	vmul.f32 v24, v19  }
0x47: {  	v26 =	vmul.f32 v26, v23;
	v54 =	vmul.f32 $-3.200000050e+00, v16  }
0x48: {  	v55 =	vmul.f32 $-3.200000050e+00, v25;
	v56 =	vmul.f32 $-2.016000000e-01, v16  }
0x49: {  	v57 =	vmul.f32 $-2.016000000e-01, v25;
	v28 =	vmul.f32 $1.442695020e+00, v54  }
0x4a: {  	v58 =	vmul.f32 $-9.423000210e-01, v16;
	v59 =	vmul.f32 $-9.423000210e-01, v25  }
0x4b: {  	v16 =	vmul.f32 $-4.029000100e-01, v16;
	v25 =	vmul.f32 $-4.029000100e-01, v25  }
0x4c: {  	v48 =	vnsel @p1 vm5, $0x0, v48;
	v49 =	vpop @p0 (erf);
	v36 =	vmul.f32 $1.442695020e+00, v55;
	v50 =	vmul.f32 $1.442695020e+00, v58  }
0x4d: {  	v41 =	vadd.f32 @p0 v42, v41;
	v16 =	vmul.f32 $1.442695020e+00, v16;
	(erf) = vpow2.f32 v28;
	v28 =	vpop @p0 (erf)  }
0x4e: {  	v24 =	vadd.f32 $1.500000000e+00, v24;
	v25 =	vmul.f32 $1.442695020e+00, v25;
	v37 =	vmul.f32 $1.442695020e+00, v56;
	v51 =	vpop @p0 (erf)  }
0x4f: {  	v60 =	vadd.f32 $1.500000000e+00, v17;
	(erf) = vpow2.f32 v36;
	v36 =	vmul.f32 $1.442695020e+00, v59;
	v42 =	vpop @p0 (erf)  }
0x50: {  	v17 =	vmul.f32 v24, v19;
	v28 =	vadd.f32 @p0 v28, v49;
	v49 =	vpop @p0 (erf);
	(erf) = vpow2.f32 v50  }
0x51: {  	v26 =	vadd.f32 $1.500000000e+00, v26;
	v61 =	vmul.f32 $1.442695020e+00, v57;
	v50 =	vpop @p0 (erf);
	(erf) = vpow2.f32 v36  }
0x52: {  	v47 =	vmul.f32 v17, v20;
	v42 =	vadd.f32 @p0 v42, v51;
	(erf) = vpow2.f32 v16  }
0x53: {  	v36 =	vadd.f32 @p0 v50, v49;
	v16 =	vmul.f32 v60, v18;
	v18 =	vmul.f32 v26, v23  }
0x54: {  	v26 =	vadd.f32 @p0 v41, v38;
	v38 =	vmul.f32 v47, v46;
	(erf) = vpow2.f32 v25  }
0x55: {  	v25 =	vmul.f32 @p0 $2.817000080e-02, v28;
	v28 =	vadd.f32 @p0 v35, v40;
	v35 =	vmul.f32 @p0 $2.817000080e-02, v42  }
0x56: {  	v44 =	vnsel @p1 vm4, $0x0, v44;
	(erf) = vpow2.f32 v37;
	v42 =	vmul.f32 v16, v22  }
0x57: {  	vm5 =	vle.f32 v22, $2.800273700e+01;
	v36 =	vmul.f32 @p0 $2.817000080e-02, v36;
	v50 =	vmul.f32 v18, v2  }
0x58: {  	v24 =	vadd.f32 @p0 v39, v45;
	v37 =	vmul.f32 v47, v14;
	(erf) = vpow2.f32 v61  }
0x59: {  	v45 =	vpop (erf);
	v19 =	vadd.f32 @p0 v28, v25;
	v25 =	vmul.f32 v42, v15;
	v22 =	vmul.f32 v42, v46  }
0x5a: {  	vm7 =	vle.f32 v2, $2.800273700e+01;
	v49 =	vpop (erf);
	v39 =	vmul.f32 v50, v13;
	v40 =	vmul.f32 v50, v46  }
0x5b: {  	v23 =	vadd.f32 v49, v45;
	v49 =	vmul.f32 $-3.200000050e+00, v37;
	v2 =	vmul.f32 $-3.200000050e+00, v25  }
0x5c: {  	vm0 =	vmmov @p0 vm0;
	v57 =	vmul.f32 $-3.200000050e+00, v22;
	v60 =	vmul.f32 $-9.423000210e-01, v25  }
0x5d: {  	vm1 =	vmmov @p0 vm1;
	v61 =	vmul.f32 $-9.423000210e-01, v22;
	v46 =	vmul.f32 $-3.200000050e+00, v40  }
0x5e: {  	vm6 =	vle.f32 v20, $2.800273700e+01;
	v55 =	vmul.f32 $1.817999930e-01, v23;
	v2 =	vmul.f32 $1.442695020e+00, v2  }
0x5f: {  	vm11 =	vle.f32 v21, $2.800273700e+01;
	v51 =	vpop (erf);
	v23 =	vmul.f32 $1.442695020e+00, v57;
	v28 =	vmul.f32 $1.442695020e+00, v61  }
0x60: {  	s23 =	sadd.s32 @p0 $0x10, s25;
	v26 =	vadd.f32 @p0 v26, v36;
	v52 =	vpop (erf);
	v57 =	vmul.f32 $1.442695020e+00, v49;
	v61 =	vmul.f32 $1.442695020e+00, v46  }
0x61: {  	s22 =	smov.u32 @p0 s23;
	v14 =	vadd.f32 v52, v51;
	v53 =	vpop (erf);
	v51 =	vmul.f32 $-3.200000050e+00, v38;
	v52 =	vmul.f32 $-9.423000210e-01, v37  }
0x62: {  	v49 =	vor.u32 s22, v0;
	v54 =	vpop (erf);
	(erf) = vpow2.f32 v2;
	v2 =	vmul.f32 $-4.029000100e-01, v40  }
0x63: {  	v13 =	vadd.f32 v54, v53;
	v14 =	vmul.f32 $5.098999740e-01, v14;
	v56 =	vpop (erf);
	v53 =	vmul.f32 $-9.423000210e-01, v38  }
0x64: {  	vm9 =	vgt.s32 v49, v11;
	v54 =	vmul.f32 $-3.200000050e+00, v39;
	(erf) = vpow2.f32 v23;
	v58 =	vpop (erf)  }
0x65: {  	v2 =	vmul.f32 $1.442695020e+00, v2;
	v20 =	vadd.f32 v58, v56;
	v59 =	vmul.f32 $2.802000050e-01, v13  }
0x66: {  	v14 =	vadd.f32 v14, v55;
	v55 =	vmul.f32 $-9.423000210e-01, v39;
	v56 =	vmul.f32 $-9.423000210e-01, v40  }
0x67: {  	v13 =	vadd.f32 @p0 v24, v35;
	v24 =	vmul.f32 $1.442695020e+00, v60;
	v58 =	vmul.f32 $1.442695020e+00, v51  }
0x68: {  	vm10 =	vlt.s32 v49, v12;
	v35 =	vmul.f32 $1.442695020e+00, v52;
	v60 =	vmul.f32 $1.442695020e+00, v54  }
0x69: {  	vm13 =	vlt.s32 v49, v9;
	v51 =	vmul.f32 $-4.029000100e-01, v37;
	v52 =	vmul.f32 $-4.029000100e-01, v38  }
0x6a: {  	v14 =	vadd.f32 v14, v59;
	v50 =	vmul.f32 $2.817000080e-02, v20;
	v59 =	vmul.f32 $1.442695020e+00, v53  }
0x6b: {  	v20 =	vnsel @p1 vm3, $0x0, v43;
	v36 =	vmul.f32 $1.442695020e+00, v55;
	v53 =	vmul.f32 $-4.029000100e-01, v39  }
0x6c: {  	vm3 =	vmand vm9, vm10;
	(erf) = vpow2.f32 v24;
	v11 =	vmul.f32 $1.442695020e+00, v51  }
0x6d: {  	v9 =	vmovc @p0 v30;
	vm9 =	vlt.s32 v49, v6;
	v6 =	vmul.f32 $-2.016000000e-01, v22;
	vm10 =	vgt.s32 v49, v7  }
0x6e: {  	v7 =	vmul.f32 $-2.016000000e-01, v37;
	v9 =	vmul.f32 @p0 v13, v9;
	vm3 =	vmand vm3, vm11  }
0x6f: {  	(erf) = vpow2.f32 v28;
	vm11 =	vlt.s32 v49, v5;
	v5 =	vmul.f32 $-2.016000000e-01, v38  }
0x70: {  	v15 =	vadd.f32 v14, v50;
	v14 =	vadd.f32 @p1 v48, v32;
	v48 =	vmul.f32 $-4.029000100e-01, v25  }
0x71: {  	vm2 =	vmmov @p0 vm2;
	v32 =	vmul.f32 $1.442695020e+00, v56;
	(erf) = vpow2.f32 v57  }
0x72: {  	vm0 =	vmmov @p0 vm0;
	v50 =	vmul.f32 $-4.029000100e-01, v22;
	(erf) = vpow2.f32 v58  }
0x73: {  	vm1 =	vmmov @p0 vm1;
	v57 =	vmul.f32 $1.442695020e+00, v52;
	(erf) = vpow2.f32 v35  }
0x74: {  	vm2 =	vmmov @p0 vm2;
	v6 =	vmul.f32 $1.442695020e+00, v6;
	(erf) = vpow2.f32 v59  }
0x75: {  	vm12 =	vgt.s32 v49, v10;
	v7 =	vmul.f32 $1.442695020e+00, v7;
	(erf) = vpow2.f32 v60  }
0x76: {  	v12 =	vmov @p0 v31;
	v27 =	vmul.f32 v15, v27;
	v60 =	vpop (erf);
	(erf) = vpow2.f32 v61  }
0x77: {  	vm8 =	vgt.s32 v49, v8;
	v54 =	vmul.f32 $1.442695020e+00, v48;
	v61 =	vpop (erf);
	(erf) = vpow2.f32 v36  }
0x78: {  	v15 =	vadd.f32 @p1 v20, v33;
	v55 =	vmul.f32 $1.442695020e+00, v50;
	v33 =	vpop (erf);
	(erf) = vpow2.f32 v32  }
0x79: {  	vm14 =	vmand vm8, vm9;
	v58 =	vmul.f32 $1.442695020e+00, v53;
	v35 =	vpop (erf);
	(erf) = vpow2.f32 v54  }
0x7a: {  	vm15 =	vmand vm10, vm11;
	v59 =	vmul.f32 $-2.016000000e-01, v25;
	(erf) = vpow2.f32 v55;
	v37 =	vpop (erf)  }
0x7b: {  	v20 =	vadd.f32 @p1 v44, v34;
	v34 =	vmul.f32 $-2.016000000e-01, v39;
	v38 =	vpop (erf);
	(erf) = vpow2.f32 v11  }
0x7c: {  	vm4 =	vmand vm14, vm6;
	v8 =	vmul.f32 $1.442695020e+00, v59;
	v39 =	vpop (erf);
	(erf) = vpow2.f32 v57  }
0x7d: {  	v9 =	vpsel p0, v9, v0;
	v36 =	vmul.f32 $-2.016000000e-01, v40;
	v40 =	vpop (erf);
	(erf) = vpow2.f32 v58  }
0x7e: {  	v5 =	vmul.f32 $1.442695020e+00, v5;
	vm14 =	vmmov vm4;
	v41 =	vpop (erf);
	(erf) = vpow2.f32 v2  }
0x7f: {  	v14 =	vpsel p1, v14, v4;
	v56 =	vnsel vm3, $0x0, v27;
	(erf) = vpow2.f32 v8;
	v43 =	vpop (erf)  }
0x80: {  	vm3 =	vmand vm12, vm13;
	vm12 =	vmand vm15, vm7;
	(erf) = vpow2.f32 v6;
	v6 =	vpop (erf)  }
0x81: {  	v42 =	vmul.f32 $1.442695020e+00, v34;
	v15 =	vpsel p1, v15, v63;
	(erf) = vpow2.f32 v7;
	v7 =	vpop (erf)  }
0x82: {  	v20 =	vpsel p1, v20, v62;
	v21 =	vmul.f32 $1.442695020e+00, v36;
	v46 =	vpop (erf);
	(erf) = vpow2.f32 v5  }
0x83: {  	v1 =	vadd.f32 v56, v1;
	vm3 =	vmand vm3, vm5;
	v48 =	vpop (erf);
	(erf) = vpow2.f32 v42  }
0x84: {  	vm15 =	vmmov vm12;
	v27 =	vmov @p0 v29;
	v49 =	vpop (erf);
	(erf) = vpow2.f32 v21  }
0x85: {  	vm13 =	vmmov vm3;
	v44 =	vadd.f32 v35, v33;
	v23 =	vadd.f32 v38, v37;
	v50 =	vpop (erf)  }
0x86: {  	v2 =	vadd.f32 v61, v60;
	v8 =	vmul.f32 @p0 v19, v12;
	v19 =	vmul.f32 @p0 v26, v27;
	v51 =	vpop (erf)  }
0x87: {  	v45 =	vmul.f32 $5.098999740e-01, v44;
	v11 =	vadd.f32 v40, v39;
	v47 =	vmul.f32 $1.817999930e-01, v23;
	v52 =	vpop (erf)  }
0x88: {  	v2 =	vmul.f32 $1.817999930e-01, v2;
	v8 =	vpsel p0, v8, v0;
	v19 =	vpsel p0, v19, v0;
	v53 =	vpop (erf)  }
0x89: {  	v5 =	vadd.f32 v43, v41;
	v6 =	vadd.f32 v7, v6;
	v7 =	vmul.f32 $5.098999740e-01, v11;
	v54 =	vpop (erf)  }
0x8a: {  	v2 =	vadd.f32 v45, v2;
	v8 =	vnsel @p0 vm0, $0x0, v8;
	v10 =	vadd.f32 v48, v46;
	v55 =	vpop (erf)  }
0x8b: {  	v5 =	vmul.f32 $1.817999930e-01, v5;
	v6 =	vmul.f32 $5.098999740e-01, v6;
	v11 =	vadd.f32 v50, v49;
	v56 =	vpop (erf)  }
0x8c: {  	v7 =	vadd.f32 v7, v47;
	v10 =	vmul.f32 $2.802000050e-01, v10;
	v12 =	vadd.f32 v52, v51;
	v58 =	vpop (erf)  }
0x8d: {  	v5 =	vadd.f32 v6, v5;
	v11 =	vmul.f32 $2.802000050e-01, v11;
	v57 =	vadd.f32 v54, v53;
	v59 =	vpop (erf)  }
0x8e: {  	v12 =	vmul.f32 $2.802000050e-01, v12;
	v6 =	vadd.f32 v56, v55;
	v60 =	vadd.f32 v59, v58  }
0x8f: {  	v2 =	vadd.f32 v2, v10;
	v7 =	vadd.f32 v7, v11;
	v13 =	vmul.f32 $2.817000080e-02, v57  }
0x90: {  	v5 =	vadd.f32 v5, v12;
	v6 =	vmul.f32 $2.817000080e-02, v6;
	v61 =	vmul.f32 $2.817000080e-02, v60  }
0x91: {  	v8 =	vadd.f32 @p0 v8, v14;
	v10 =	vnsel @p0 vm2, $0x0, v19;
	v2 =	vadd.f32 v2, v13  }
0x92: {  	v6 =	vadd.f32 v7, v6;
	v7 =	vnsel @p0 vm1, $0x0, v9;
	v5 =	vadd.f32 v5, v61  }
0x93: {  	v10 =	vadd.f32 @p0 v10, v20;
	v2 =	vmul.f32 v2, v16;
	v7 =	vadd.f32 @p0 v7, v15  }
0x94: {  	v4 =	vpsel p0, v8, v4;
	v6 =	vmul.f32 v6, v17;
	v5 =	vmul.f32 v5, v18  }
0x95: {  	v2 =	vnsel vm13, $0x0, v2;
	v3 =	vpsel p0, v7, v63;
	v7 =	vpsel p0, v10, v62  }
0x96: {  	v4 =	vadd.f32 v2, v4;
	v6 =	vnsel vm14, $0x0, v6;
	v5 =	vnsel vm15, $0x0, v5  }
0x97: {  	v63 =	vadd.f32 v6, v3;
	v62 =	vadd.f32 v5, v7  }
.LBB2_12:
0x98: {  	p0 =	sne.s32 s21, s10  }
.Ltmp3:
0x99: {  	_ = 	snop;
	(pc) =	sbr.rel @!p0 .LBB2_13-.Ltmp3, $3  }
0x9a: {  	_ =	sdelay $0x1  }
0x9b: {  	s22 =	sadd.s32 $0x1, s21  }
0x9c: {  	s20 =	sadd.s32 $0x80, s20;
	s21 =	smov.u32 s22  }
.LBB2_2:
0x9d: {  	s22 =	sshll.u32 s21, $0x7  }
0x9e: {  	s22 =	sor.u32 s8, s22  }
0x9f: {  	v12 =	vld [tilespmem:s22+$0x7680];
	_ =	sdelay $0x4  }
0xa0: {  	(v2sf) =	vpush v12, $0x0  }
0xa1: {  	(v2sf) =	vpush v12, $0x1  }
0xa2: {  	(v2sf) =	vpush v12, $0x2  }
0xa3: {  	(v2sf) =	vpush v12, $0x3;
	_ =	sdelay $0xb  }
0xa4: {  	s23 =	spop (v2sf)  }
0xa5: {  	s24 =	spop (v2sf)  }
0xa6: {  	s25 =	spop (v2sf)  }
0xa7: {  	s26 =	spop (v2sf)  }
0xa8: {  	p0 =	sgt.s32 s23, s24;
	p1 =	sgt.s32 s25, s26  }
0xa9: {  	s24 =	smov.u32 @p0 s23;
	s26 =	smov.u32 @p1 s25  }
0xaa: {  	p0 =	sgt.s32 s24, s26  }
0xab: {  	s31 =	sand.u32 $0xFFFFFFF0, s22;
	s26 =	smov.u32 @p0 s24  }
0xac: {  	s23 =	ssub.s32 s26, s31  }
0xad: {  	s23 =	sadd.s32 $0xF, s23  }
0xae: {  	s28 =	sshra.s32 s23, $0x4  }
0xaf: {  	p0 =	slt.s32 s28, $0x1  }
.Ltmp4:
0xb0: {  	_ = 	snop;
	(pc) =	sbr.rel @p0 .LBB2_12-.Ltmp4, $4  }
0xb1: {  	v5 =	vld [tilespmem:s22+$0x9E00]  }
0xb2: {  	v8 =	vld [tilespmem:s22+$0x0]  }
0xb3: {  	v7 =	vld [tilespmem:s22+$0x2780]  }
0xb4: {  	v6 =	vld [tilespmem:s22+$0x4F00]  }
0xb5: {  	_ = 	snop  }
0xb6: {  	v5 =	vadd.f32 $0.0e+00, v5  }
0xb7: {  	v9 =	vbroadcast v12, $0x0  }
0xb8: {  	v8 =	vadd.f32 $0.0e+00, v8;
	v15 =	vbroadcast v5, $0x0;
	v14 =	vbroadcast v5, $0x1  }
0xb9: {  	s23 =	sshll.u32 s20, $0x2;
	v13 =	vbroadcast v5, $0x2;
	v16 =	vbroadcast v5, $0x3  }
0xba: {  	s23 =	sshra.s32 s23, $0x2;
	v7 =	vadd.f32 $0.0e+00, v7;
	v5 =	vbroadcast v12, $0x2;
	v27 =	vbroadcast v8, $0x0  }
0xbb: {  	s26 =	sand.u32 $0xFFFFFFF0, s23;
	v28 =	vbroadcast v8, $0x1;
	v18 =	vbroadcast v8, $0x2  }
0xbc: {  	p2 =	sne.s32 s28, $0x1;
	v46 =	vld [tilespmem:s26+$0x0];
	s25 =	sadd.s32 $0x2780, s26;
	v24 =	vbroadcast v8, $0x3;
	v6 =	vadd.f32 $0.0e+00, v6;
	v23 =	vbroadcast v7, $0x0  }
.Ltmp5:
0xbd: {  	v10 =	vmov s22;
	s30 =	sor.u32 $0x3, s22;
	v51 =	vld [tilespmem:s25+$0x0];
	v21 =	vbroadcast v7, $0x1;
	v20 =	vbroadcast v7, $0x2;
	(pc) =	sbr.rel @!p2 .LBB2_4-.Ltmp5, $4  }
0xbe: {  	s31 =	sor.u32 $0x1, s22;
	v11 =	vmov s30;
	s24 =	sadd.s32 $0x4F00, s26;
	v25 =	vbroadcast v7, $0x3;
	v22 =	vbroadcast v6, $0x0  }
0xbf: {  	s29 =	sor.u32 $0x2, s22;
	v8 =	vmov s31;
	v49 =	vld [tilespmem:s24+$0x0];
	v19 =	vbroadcast v6, $0x1;
	v17 =	vbroadcast v6, $0x2  }
0xc0: {  	s22 =	sand.u32 $0xFFFFFFF0, s20;
	p0 =	por $0x0, $0x0;
	v7 =	vmov s29;
	v26 =	vbroadcast v6, $0x3;
	v6 =	vbroadcast v12, $0x1  }
0xc1: {  	p1 =	por $0x0, $0x0;
	s30 =	sadd.s32 $0xFFFFFFFF, s28;
	s23 =	sadd.s32 $0x9E00, s26;
	v12 =	vbroadcast v12, $0x3;
	v53 =	vsub.f32 v27, v46;
	v52 =	vsub.f32 v28, v46  }
0xc2: {  	v29 =	vsub.f32 v24, v46;
	v30 =	vsub.f32 v25, v51;
	_ =	sdelay $0x1  }
0xc3: {  	v31 =	vsub.f32 v26, v49;
	v29 =	vmul.f32 v29, v29;
	v30 =	vmul.f32 v30, v30  }
0xc4: {  	v32 =	vsub.f32 v23, v51;
	v33 =	vsub.f32 v21, v51  }
0xc5: {  	v34 =	vsub.f32 v18, v46;
	v29 =	vadd.f32 v30, v29;
	v30 =	vmul.f32 v31, v31  }
0xc6: {  	v36 =	vsub.f32 v20, v51;
	v35 =	vmul.f32 v32, v32;
	v33 =	vmul.f32 v33, v33  }
0xc7: {  	v34 =	vmul.f32 v34, v34;
	v39 =	vsub.f32 v19, v49;
	v32 =	vadd.f32 v30, v29  }
0xc8: {  	v36 =	vmul.f32 v36, v36;
	v48 =	vsub.f32 v17, v49;
	v31 =	vmul.f32 v53, v53  }
0xc9: {  	v30 =	vsub.f32 v22, v49;
	v37 =	vshra.s32 v32, $0x1;
	v38 =	vmul.f32 $-5.000000000e-01, v32  }
0xca: {  	v34 =	vadd.f32 v36, v34;
	v29 =	vmul.f32 v52, v52;
	v37 =	vsub.s32 $0x5F3759DF, v37  }
0xcb: {  	v31 =	vadd.f32 v35, v31;
	v30 =	vmul.f32 v30, v30;
	v40 =	vmul.f32 v37, v38  }
0xcc: {  	v49 =	vmul.f32 v39, v39;
	v35 =	vmul.f32 v48, v48;
	v29 =	vadd.f32 v33, v29  }
0xcd: {  	v39 =	vadd.f32 v30, v31;
	v50 =	vmul.f32 v37, v40  }
0xce: {  	v34 =	vadd.f32 v35, v34;
	v33 =	vadd.f32 v49, v29  }
0xcf: {  	v30 =	vshra.s32 v39, $0x1;
	v31 =	vmul.f32 $-5.000000000e-01, v39;
	v29 =	vadd.f32 $1.500000000e+00, v50  }
0xd0: {  	v53 =	vshra.s32 v34, $0x1;
	v54 =	vmul.f32 $-5.000000000e-01, v34;
	v30 =	vsub.s32 $0x5F3759DF, v30  }
0xd1: {  	v40 =	vsub.s32 $0x5F3759DF, v53;
	v41 =	vmul.f32 v30, v31;
	v29 =	vmul.f32 v37, v29  }
0xd2: {  	v51 =	vshra.s32 v33, $0x1;
	v52 =	vmul.f32 $-5.000000000e-01, v33;
	v43 =	vmul.f32 v40, v54  }
0xd3: {  	v35 =	vsub.s32 $0x5F3759DF, v51;
	v41 =	vmul.f32 v30, v41;
	v38 =	vmul.f32 v29, v38  }
0xd4: {  	v42 =	vmul.f32 v35, v52;
	v43 =	vmul.f32 v40, v43  }
0xd5: {  	v41 =	vadd.f32 $1.500000000e+00, v41;
	v38 =	vmul.f32 v38, v29  }
0xd6: {  	v42 =	vmul.f32 v35, v42;
	v43 =	vadd.f32 $1.500000000e+00, v43  }
0xd7: {  	v30 =	vmul.f32 v30, v41;
	v38 =	vadd.f32 $1.500000000e+00, v38  }
0xd8: {  	v42 =	vadd.f32 $1.500000000e+00, v42;
	v55 =	vmul.f32 v40, v43  }
0xd9: {  	v44 =	vld [tilespmem:s23+$0x0];
	v31 =	vmul.f32 v30, v31;
	v38 =	vmul.f32 v38, v29  }
0xda: {  	v37 =	vmul.f32 v55, v54;
	v29 =	vmul.f32 v35, v42  }
0xdb: {  	v31 =	vmul.f32 v31, v30;
	v56 =	vmul.f32 v38, v32  }
0xdc: {  	v36 =	vmul.f32 v29, v52  }
0xdd: {  	v37 =	vmul.f32 v37, v55;
	v31 =	vadd.f32 $1.500000000e+00, v31;
	v57 =	vmul.f32 v56, v16  }
0xde: {  	v40 =	vmul.f32 v56, v44;
	v36 =	vmul.f32 v36, v29  }
0xdf: {  	v31 =	vmul.f32 v31, v30;
	v58 =	vmul.f32 $-2.016000000e-01, v57  }
0xe0: {  	v59 =	vmul.f32 $-2.016000000e-01, v40;
	v45 =	vmul.f32 $-3.200000050e+00, v57  }
0xe1: {  	v60 =	vmul.f32 $-4.029000100e-01, v57;
	v47 =	vmul.f32 $-3.200000050e+00, v40  }
0xe2: {  	v48 =	vmul.f32 $-4.029000100e-01, v40;
	v41 =	vmul.f32 $-9.423000210e-01, v57  }
0xe3: {  	v40 =	vmul.f32 $-9.423000210e-01, v40;
	v50 =	vmul.f32 v31, v39  }
0xe4: {  	v37 =	vadd.f32 $1.500000000e+00, v37;
	v45 =	vmul.f32 $1.442695020e+00, v45;
	v47 =	vmul.f32 $1.442695020e+00, v47  }
0xe5: {  	v36 =	vadd.f32 $1.500000000e+00, v36;
	v41 =	vmul.f32 $1.442695020e+00, v41;
	v40 =	vmul.f32 $1.442695020e+00, v40  }
0xe6: {  	v61 =	vmul.f32 $1.442695020e+00, v60;
	v49 =	vmul.f32 $1.442695020e+00, v59  }
0xe7: {  	v30 =	vmul.f32 v36, v29;
	v29 =	vmul.f32 v37, v55  }
0xe8: {  	v36 =	vmul.f32 v50, v44;
	(erf) = vpow2.f32 v45  }
0xe9: {  	v53 =	vmul.f32 v30, v33;
	v55 =	vmul.f32 v29, v34  }
0xea: {  	(erf) = vpow2.f32 v47;
	v47 =	vmul.f32 $1.442695020e+00, v48  }
0xeb: {  	v48 =	vmul.f32 $1.442695020e+00, v58;
	(erf) = vpow2.f32 v41  }
0xec: {  	v41 =	vmul.f32 v50, v15;
	v46 =	vmul.f32 v53, v14  }
0xed: {  	v37 =	vmul.f32 v53, v44;
	(erf) = vpow2.f32 v40  }
0xee: {  	v45 =	vmul.f32 v55, v13;
	(erf) = vpow2.f32 v61  }
0xef: {  	v43 =	vmul.f32 v55, v44;
	(erf) = vpow2.f32 v47  }
0xf0: {  	v61 =	vmul.f32 $-3.200000050e+00, v41;
	v50 =	vmul.f32 $-3.200000050e+00, v37  }
0xf1: {  	(erf) = vpow2.f32 v48;
	v48 =	vmul.f32 $-9.423000210e-01, v41  }
0xf2: {  	v61 =	vmul.f32 $1.442695020e+00, v61;
	(erf) = vpow2.f32 v49  }
0xf3: {  	vm1 =	vle.f32 v33, $2.800273700e+01;
	v33 =	vmul.f32 $1.442695020e+00, v50;
	v49 =	vmul.f32 $-9.423000210e-01, v36;
	v51 =	vpop (erf)  }
0xf4: {  	vm0 =	vle.f32 v39, $2.800273700e+01;
	v52 =	vpop (erf);
	(erf) = vpow2.f32 v61;
	v61 =	vmul.f32 $-4.029000100e-01, v45  }
0xf5: {  	v48 =	vmul.f32 $1.442695020e+00, v48;
	v39 =	vmul.f32 $1.442695020e+00, v49;
	v54 =	vpop (erf);
	v35 =	vadd.f32 v52, v51  }
0xf6: {  	vm12 =	vle.f32 v32, $2.800273700e+01;
	v51 =	vmul.f32 $-9.423000210e-01, v46;
	v56 =	vpop (erf);
	v32 =	vmul.f32 $1.442695020e+00, v61  }
0xf7: {  	v61 =	vmul.f32 $-2.016000000e-01, v41;
	v57 =	vadd.f32 v56, v54;
	v58 =	vpop (erf);
	v35 =	vmul.f32 $1.817999930e-01, v35  }
0xf8: {  	v54 =	vmul.f32 $-9.423000210e-01, v45;
	v49 =	vmul.f32 $1.442695020e+00, v51;
	v59 =	vpop (erf)  }
0xf9: {  	v42 =	vadd.f32 v59, v58;
	v40 =	vmul.f32 $5.098999740e-01, v57;
	v58 =	vmul.f32 $-9.423000210e-01, v37  }
0xfa: {  	v60 =	vpop (erf);
	v59 =	vmul.f32 $-3.200000050e+00, v45;
	v52 =	vmul.f32 $1.442695020e+00, v54  }
0xfb: {  	vm2 =	vle.f32 v34, $2.800273700e+01;
	v45 =	vmul.f32 $-2.016000000e-01, v45;
	v55 =	vpop (erf);
	v56 =	vmul.f32 $2.802000050e-01, v42  }
0xfc: {  	v47 =	vadd.f32 v55, v60;
	v42 =	vmul.f32 $-3.200000050e+00, v36;
	v60 =	vmul.f32 $-3.200000050e+00, v43  }
0xfd: {  	v35 =	vadd.f32 v40, v35;
	v34 =	vmul.f32 $1.442695020e+00, v58;
	v40 =	vmul.f32 $1.442695020e+00, v59  }
0xfe: {  	v58 =	vmul.f32 $-4.029000100e-01, v41;
	v59 =	vmul.f32 $-4.029000100e-01, v36  }
0xff: {  	v55 =	vmul.f32 $-4.029000100e-01, v46;
	v36 =	vmul.f32 $-2.016000000e-01, v36  }
0x100: {  	v50 =	vor.u32 s22, v0;
	v57 =	vmul.f32 $2.817000080e-02, v47;
	v47 =	vmul.f32 $-3.200000050e+00, v46  }
0x101: {  	vm3 =	vgt.s32 v50, v11;
	v42 =	vmul.f32 $1.442695020e+00, v42;
	v51 =	vmul.f32 $1.442695020e+00, v60  }
0x102: {  	v35 =	vadd.f32 v35, v56;
	v60 =	vmul.f32 $-4.029000100e-01, v37;
	v56 =	vmul.f32 $-4.029000100e-01, v43  }
0x103: {  	vm4 =	vlt.s32 v50, v12;
	v37 =	vmul.f32 $-2.016000000e-01, v37;
	(erf) = vpow2.f32 v42  }
0x104: {  	vm13 =	vlt.s32 v50, v9;
	v47 =	vmul.f32 $1.442695020e+00, v47;
	(erf) = vpow2.f32 v48  }
0x105: {  	v35 =	vadd.f32 v35, v57;
	v57 =	vmul.f32 $-9.423000210e-01, v43;
	(erf) = vpow2.f32 v39  }
0x106: {  	vm5 =	vgt.s32 v50, v8;
	v60 =	vmul.f32 $1.442695020e+00, v60;
	(erf) = vpow2.f32 v47  }
0x107: {  	vm6 =	vlt.s32 v50, v6;
	v43 =	vmul.f32 $-2.016000000e-01, v43;
	(erf) = vpow2.f32 v33  }
0x108: {  	vm7 =	vgt.s32 v50, v7;
	v37 =	vmul.f32 $1.442695020e+00, v37;
	(erf) = vpow2.f32 v49  }
0x109: {  	vm8 =	vlt.s32 v50, v5;
	v35 =	vmul.f32 v35, v38;
	(erf) = vpow2.f32 v34  }
0x10a: {  	vm3 =	vmand vm3, vm4;
	v44 =	vmul.f32 $1.442695020e+00, v57;
	(erf) = vpow2.f32 v40  }
0x10b: {  	vm14 =	vmand vm5, vm6;
	v57 =	vmul.f32 $1.442695020e+00, v58;
	v49 =	vpop (erf);
	(erf) = vpow2.f32 v51  }
0x10c: {  	vm15 =	vmand vm7, vm8;
	v58 =	vmul.f32 $1.442695020e+00, v59;
	v51 =	vpop (erf);
	(erf) = vpow2.f32 v52  }
0x10d: {  	vm3 =	vmand vm3, vm12;
	v59 =	vmul.f32 $1.442695020e+00, v55;
	v53 =	vpop (erf);
	(erf) = vpow2.f32 v44  }
0x10e: {  	vm1 =	vmand vm14, vm1;
	v38 =	vmul.f32 $1.442695020e+00, v61;
	v54 =	vpop (erf);
	(erf) = vpow2.f32 v57  }
0x10f: {  	vm2 =	vmand vm15, vm2;
	v43 =	vmul.f32 $1.442695020e+00, v43;
	(erf) = vpow2.f32 v58;
	v55 =	vpop (erf)  }
0x110: {  	v35 =	vnsel vm3, $0x0, v35;
	v34 =	vmul.f32 $1.442695020e+00, v56;
	v56 =	vpop (erf);
	(erf) = vpow2.f32 v59  }
0x111: {  	vm3 =	vgt.s32 v50, v10;
	v52 =	vmul.f32 $-2.016000000e-01, v46;
	v57 =	vpop (erf);
	(erf) = vpow2.f32 v60  }
0x112: {  	v50 =	vmul.f32 $1.442695020e+00, v45;
	v1 =	vadd.f32 v35, v1;
	v59 =	vpop (erf);
	(erf) = vpow2.f32 v32  }
0x113: {  	vm3 =	vmand vm3, vm13;
	v60 =	vadd.f32 v51, v49;
	v48 =	vpop (erf);
	(erf) = vpow2.f32 v34  }
0x114: {  	vm0 =	vmand vm3, vm0;
	v61 =	vmul.f32 $1.442695020e+00, v52;
	v49 =	vadd.f32 v54, v53;
	v51 =	vpop (erf)  }
0x115: {  	s26 =	sadd.s32 $0x10, s26;
	v58 =	vmul.f32 $1.442695020e+00, v36;
	v35 =	vadd.f32 v56, v55;
	v32 =	vmul.f32 $1.817999930e-01, v60;
	v52 =	vpop (erf)  }
0x116: {  	v46 =	vld [tilespmem:s26+$0x0];
	v36 =	vadd.f32 v59, v57;
	v34 =	vmul.f32 $5.098999740e-01, v49;
	(erf) = vpow2.f32 v38;
	v53 =	vpop (erf)  }
0x117: {  	s28 =	sadd.s32 $0x10, s25;
	p2 =	sne.s32 s30, $0x1;
	v56 =	vmul.f32 $1.817999930e-01, v35;
	(erf) = vpow2.f32 v58;
	v54 =	vadd.f32 v51, v48;
	v55 =	vpop (erf)  }
.Ltmp6:
0x118: {  	v35 =	vadd.f32 v34, v32;
	v58 =	vmul.f32 $5.098999740e-01, v36;
	v51 =	vld [tilespmem:s28+$0x0];
	(erf) = vpow2.f32 v61;
	v57 =	vpop (erf);
	(pc) =	sbr.rel @!p2 .LBB2_6-.Ltmp6, $4  }
0x119: {  	s29 =	sadd.s32 $0x10, s24;
	v33 =	vadd.f32 v53, v52;
	(erf) = vpow2.f32 v37;
	v41 =	vmul.f32 $1.817999930e-01, v54;
	v59 =	vpop (erf)  }
0x11a: {  	v49 =	vld [tilespmem:s29+$0x0];
	v39 =	vadd.f32 v58, v56;
	(erf) = vpow2.f32 v50;
	v60 =	vadd.f32 v57, v55;
	v61 =	vpop (erf)  }
0x11b: {  	v53 =	vsub.f32 v27, v46;
	v52 =	vsub.f32 v28, v46;
	(erf) = vpow2.f32 v43;
	v47 =	vpop (erf)  }
0x11c: {  	s30 =	sadd.s32 $0xFFFFFFFF, s30;
	p0 =	por $0x1, $0x1;
	v42 =	vmul.f32 $5.098999740e-01, v33;
	v50 =	vadd.f32 v61, v59;
	v40 =	vmul.f32 $2.802000050e-01, v60;
	v45 =	vpop (erf)  }
0x11d: {  	v32 =	vsub.f32 v24, v46  }
0x11e: {  	v33 =	vsub.f32 v25, v51;
	v36 =	vsub.f32 v23, v51  }
0x11f: {  	v58 =	vmul.f32 v53, v53;
	v37 =	vsub.f32 v21, v51;
	v38 =	vsub.f32 v18, v46  }
0x120: {  	v34 =	vsub.f32 v26, v49;
	v32 =	vmul.f32 v32, v32;
	v33 =	vmul.f32 v33, v33  }
0x121: {  	v43 =	vsub.f32 v20, v51;
	v59 =	vmul.f32 v52, v52;
	v36 =	vmul.f32 v36, v36  }
0x122: {  	v44 =	vsub.f32 v22, v49;
	v32 =	vadd.f32 v33, v32;
	v57 =	vmul.f32 v34, v34  }
0x123: {  	v37 =	vmul.f32 v37, v37;
	v38 =	vmul.f32 v38, v38;
	v61 =	vsub.f32 v19, v49  }
0x124: {  	v34 =	vadd.f32 v36, v58;
	v44 =	vmul.f32 v44, v44;
	v32 =	vadd.f32 v57, v32  }
0x125: {  	v43 =	vmul.f32 v43, v43;
	v53 =	vsub.f32 v17, v49;
	v33 =	vadd.f32 v37, v59  }
0x126: {  	v44 =	vadd.f32 v44, v34;
	v60 =	vshra.s32 v32, $0x1;
	v48 =	vmul.f32 $-5.000000000e-01, v32  }
0x127: {  	v38 =	vadd.f32 v43, v38;
	v36 =	vmul.f32 v53, v53;
	v46 =	vsub.s32 $0x5F3759DF, v60  }
0x128: {  	v58 =	vshra.s32 v44, $0x1;
	v37 =	vmul.f32 $-5.000000000e-01, v44;
	v54 =	vmul.f32 v46, v48  }
0x129: {  	v55 =	vmul.f32 v61, v61;
	v34 =	vadd.f32 v36, v38;
	v36 =	vsub.s32 $0x5F3759DF, v58  }
0x12a: {  	v61 =	vmul.f32 v36, v37;
	v56 =	vmul.f32 v46, v54  }
0x12b: {  	v49 =	vadd.f32 v55, v33  }
0x12c: {  	v52 =	vmul.f32 v36, v61;
	v57 =	vadd.f32 $1.500000000e+00, v56  }
0x12d: {  	v59 =	vshra.s32 v49, $0x1  }
0x12e: {  	v43 =	vmul.f32 $-5.000000000e-01, v49;
	v52 =	vadd.f32 $1.500000000e+00, v52;
	v33 =	vmul.f32 v46, v57  }
0x12f: {  	v60 =	vshra.s32 v34, $0x1;
	v38 =	vsub.s32 $0x5F3759DF, v59;
	v46 =	vmul.f32 $-5.000000000e-01, v34  }
0x130: {  	v51 =	vsub.s32 $0x5F3759DF, v60;
	v36 =	vmul.f32 v36, v52;
	v48 =	vmul.f32 v33, v48  }
0x131: {  	v57 =	vmul.f32 v38, v43;
	v54 =	vmul.f32 v51, v46  }
0x132: {  	v37 =	vmul.f32 v36, v37;
	v48 =	vmul.f32 v48, v33  }
0x133: {  	v58 =	vmul.f32 v38, v57;
	v59 =	vmul.f32 v51, v54  }
0x134: {  	v45 =	vadd.f32 v45, v47;
	s24 =	sadd.s32 $0x10, s23;
	v37 =	vmul.f32 v37, v36;
	v48 =	vadd.f32 $1.500000000e+00, v48  }
0x135: {  	v50 =	vmul.f32 $2.802000050e-01, v50;
	v47 =	vadd.f32 $1.500000000e+00, v58;
	v54 =	vld [tilespmem:s24+$0x0];
	v53 =	vadd.f32 $1.500000000e+00, v59  }
0x136: {  	v45 =	vmul.f32 $2.802000050e-01, v45;
	v37 =	vadd.f32 $1.500000000e+00, v37;
	v48 =	vmul.f32 v48, v33  }
0x137: {  	v33 =	vmul.f32 v38, v47;
	v38 =	vmul.f32 v51, v53  }
0x138: {  	v36 =	vmul.f32 v37, v36;
	v60 =	vmul.f32 v48, v32  }
0x139: {  	v43 =	vmul.f32 v33, v43;
	v46 =	vmul.f32 v38, v46  }
0x13a: {  	v61 =	vmul.f32 v60, v16;
	v47 =	vmul.f32 v60, v54  }
0x13b: {  	v43 =	vmul.f32 v43, v33;
	v46 =	vmul.f32 v46, v38  }
0x13c: {  	v52 =	vmul.f32 $-2.016000000e-01, v61;
	v53 =	vmul.f32 $-2.016000000e-01, v47  }
0x13d: {  	v55 =	vmul.f32 $-3.200000050e+00, v61;
	v56 =	vmul.f32 $-4.029000100e-01, v61  }
0x13e: {  	v57 =	vmul.f32 $-3.200000050e+00, v47;
	v58 =	vmul.f32 $-4.029000100e-01, v47  }
0x13f: {  	v51 =	vmul.f32 $-9.423000210e-01, v61;
	v47 =	vmul.f32 $-9.423000210e-01, v47  }
0x140: {  	v55 =	vmul.f32 $1.442695020e+00, v55;
	v57 =	vmul.f32 $1.442695020e+00, v57  }
0x141: {  	v51 =	vmul.f32 $1.442695020e+00, v51;
	v47 =	vmul.f32 $1.442695020e+00, v47  }
0x142: {  	v46 =	vadd.f32 $1.500000000e+00, v46;
	v56 =	vmul.f32 $1.442695020e+00, v56;
	v61 =	vmul.f32 $1.442695020e+00, v58  }
0x143: {  	v43 =	vadd.f32 $1.500000000e+00, v43;
	v59 =	vmul.f32 $1.442695020e+00, v52;
	v53 =	vmul.f32 $1.442695020e+00, v53  }
0x144: {  	v38 =	vmul.f32 v46, v38;
	(erf) = vpow2.f32 v55  }
0x145: {  	v37 =	vmul.f32 v43, v33;
	(erf) = vpow2.f32 v57  }
0x146: {  	v35 =	vadd.f32 v35, v40;
	v40 =	vmul.f32 v38, v34;
	v55 =	vpop (erf);
	(erf) = vpow2.f32 v51  }
0x147: {  	v39 =	vadd.f32 v39, v50;
	v46 =	vmul.f32 v37, v49;
	v60 =	vpop (erf);
	(erf) = vpow2.f32 v47  }
0x148: {  	v50 =	vmul.f32 v40, v13;
	v47 =	vadd.f32 v60, v55;
	(erf) = vpow2.f32 v56;
	v60 =	vpop (erf)  }
0x149: {  	vm8 =	vle.f32 v49, $2.800273700e+01;
	v40 =	vmul.f32 v40, v54;
	(erf) = vpow2.f32 v61;
	v61 =	vpop (erf)  }
0x14a: {  	v49 =	vmul.f32 $-3.200000050e+00, v50;
	(erf) = vpow2.f32 v59;
	v52 =	vadd.f32 v61, v60  }
0x14b: {  	v57 =	vpop (erf);
	v47 =	vmul.f32 $2.817000080e-02, v47;
	v60 =	vmul.f32 v36, v44  }
0x14c: {  	v41 =	vadd.f32 v42, v41;
	(erf) = vpow2.f32 v53;
	v58 =	vpop (erf);
	v43 =	vmul.f32 $2.817000080e-02, v52  }
0x14d: {  	v59 =	vadd.f32 v58, v57;
	v55 =	vmul.f32 v60, v15;
	v51 =	vmul.f32 v60, v54  }
0x14e: {  	v57 =	vmul.f32 v46, v14;
	v46 =	vmul.f32 v46, v54;
	v52 =	vpop (erf)  }
0x14f: {  	v41 =	vadd.f32 v41, v45;
	v42 =	vmul.f32 $2.817000080e-02, v59;
	v45 =	vmul.f32 $-3.200000050e+00, v55;
	v53 =	vpop (erf)  }
0x150: {  	vm6 =	vle.f32 v44, $2.800273700e+01;
	v56 =	vmul.f32 $-9.423000210e-01, v51;
	v44 =	vmul.f32 $-3.200000050e+00, v57;
	v61 =	vpop (erf)  }
0x151: {  	v43 =	vadd.f32 v39, v43;
	v52 =	vadd.f32 v53, v52;
	v39 =	vmul.f32 $1.442695020e+00, v45;
	v60 =	vpop (erf)  }
0x152: {  	v58 =	vmul.f32 $-9.423000210e-01, v57;
	v59 =	vmul.f32 $-9.423000210e-01, v46;
	v33 =	vadd.f32 v60, v61;
	v61 =	vpop (erf)  }
0x153: {  	v52 =	vmul.f32 $1.817999930e-01, v52;
	(erf) = vpow2.f32 v39;
	v60 =	vpop (erf)  }
0x154: {  	v39 =	vmul.f32 $-4.029000100e-01, v46;
	v53 =	vadd.f32 v60, v61;
	v33 =	vmul.f32 $5.098999740e-01, v33;
	v61 =	vpop (erf)  }
0x155: {  	v44 =	vmul.f32 $1.442695020e+00, v44;
	v43 =	vmul.f32 v43, v30;
	v60 =	vpop (erf)  }
0x156: {  	v39 =	vmul.f32 $1.442695020e+00, v39;
	v54 =	vadd.f32 v60, v61;
	v52 =	vadd.f32 v33, v52  }
0x157: {  	v53 =	vmul.f32 $2.802000050e-01, v53;
	v33 =	vadd.f32 v35, v47;
	v35 =	vmul.f32 $-3.200000050e+00, v51  }
0x158: {  	v47 =	vmul.f32 $-9.423000210e-01, v55;
	v60 =	vmul.f32 $-9.423000210e-01, v50  }
0x159: {  	v61 =	vmul.f32 $2.817000080e-02, v54;
	v54 =	vmul.f32 $-3.200000050e+00, v46  }
0x15a: {  	v52 =	vadd.f32 v52, v53;
	v53 =	vmul.f32 $-3.200000050e+00, v40;
	v35 =	vmul.f32 $1.442695020e+00, v35  }
0x15b: {  	vm7 =	vle.f32 v34, $2.800273700e+01;
	v47 =	vmul.f32 $1.442695020e+00, v47;
	v34 =	vmul.f32 $1.442695020e+00, v60  }
0x15c: {  	v60 =	vmul.f32 $-4.029000100e-01, v51;
	v46 =	vmul.f32 $-2.016000000e-01, v46  }
0x15d: {  	v52 =	vadd.f32 v52, v61;
	v61 =	vmul.f32 $-9.423000210e-01, v40;
	v54 =	vmul.f32 $1.442695020e+00, v54  }
0x15e: {  	v53 =	vmul.f32 $1.442695020e+00, v53;
	(erf) = vpow2.f32 v35  }
0x15f: {  	v35 =	vmul.f32 $-4.029000100e-01, v40;
	v60 =	vmul.f32 $1.442695020e+00, v60  }
0x160: {  	v40 =	vmul.f32 $-2.016000000e-01, v40;
	(erf) = vpow2.f32 v47  }
0x161: {  	vm5 =	vmmov vm0;
	v48 =	vmul.f32 v52, v48;
	v52 =	vmul.f32 $1.442695020e+00, v56  }
0x162: {  	v56 =	vmul.f32 $1.442695020e+00, v58;
	v58 =	vadd.f32 v41, v42;
	v41 =	vmul.f32 $1.442695020e+00, v59  }
0x163: {  	vm3 =	vmmov vm1;
	v42 =	vmul.f32 $1.442695020e+00, v49;
	v59 =	vmul.f32 $-4.029000100e-01, v55  }
0x164: {  	vm4 =	vmmov vm2;
	s25 =	sadd.s32 $0x10, s22;
	v45 =	vmul.f32 $1.442695020e+00, v61;
	v61 =	vmul.f32 $-4.029000100e-01, v57  }
0x165: {  	v49 =	vor.u32 s25, v0;
	v35 =	vmul.f32 $1.442695020e+00, v35;
	v40 =	vmul.f32 $1.442695020e+00, v40  }
0x166: {  	vm0 =	vgt.s32 v49, v11;
	vm1 =	vlt.s32 v49, v12;
	vm2 =	vgt.s32 v49, v8  }
0x167: {  	vm9 =	vlt.s32 v49, v6;
	vm10 =	vgt.s32 v49, v7;
	vm0 =	vmand vm0, vm1  }
0x168: {  	vm1 =	vle.f32 v32, $2.800273700e+01;
	v32 =	vmul.f32 $-4.029000100e-01, v50;
	(erf) = vpow2.f32 v52  }
0x169: {  	vm11 =	vlt.s32 v49, v5;
	v59 =	vmul.f32 $1.442695020e+00, v59;
	(erf) = vpow2.f32 v44  }
0x16a: {  	v47 =	vmul.f32 $1.442695020e+00, v61;
	vm0 =	vmand vm0, vm1;
	(erf) = vpow2.f32 v54  }
0x16b: {  	v48 =	vnsel vm0, $0x0, v48;
	v32 =	vmul.f32 $1.442695020e+00, v32;
	(erf) = vpow2.f32 v56  }
0x16c: {  	vm1 =	vlt.s32 v49, v9;
	v54 =	vmul.f32 $-2.016000000e-01, v55;
	(erf) = vpow2.f32 v41  }
0x16d: {  	v3 =	vmovc v62;
	vm0 =	vgt.s32 v49, v10;
	v55 =	vmul.f32 $-2.016000000e-01, v51;
	(erf) = vpow2.f32 v42  }
0x16e: {  	v1 =	vadd.f32 v48, v1;
	v56 =	vmul.f32 $-2.016000000e-01, v57;
	v48 =	vpop (erf);
	(erf) = vpow2.f32 v53  }
0x16f: {  	vm0 =	vmand vm0, vm1;
	vm1 =	vmand vm2, vm9;
	v57 =	vpop (erf);
	(erf) = vpow2.f32 v34  }
0x170: {  	vm2 =	vmand vm10, vm11;
	v34 =	vmul.f32 $-2.016000000e-01, v50;
	v50 =	vpop (erf);
	(erf) = vpow2.f32 v45  }
0x171: {  	vm0 =	vmand vm0, vm6;
	v44 =	vmul.f32 $1.442695020e+00, v54;
	v61 =	vpop (erf);
	(erf) = vpow2.f32 v59  }
0x172: {  	vm1 =	vmand vm1, vm8;
	v41 =	vmul.f32 $1.442695020e+00, v55;
	(erf) = vpow2.f32 v60;
	v51 =	vpop (erf)  }
0x173: {  	vm2 =	vmand vm2, vm7;
	v42 =	vmul.f32 $1.442695020e+00, v56;
	v52 =	vpop (erf);
	(erf) = vpow2.f32 v47  }
0x174: {  	v57 =	vadd.f32 v57, v48;
	v48 =	vmul.f32 v33, v31;
	v56 =	vpop (erf);
	(erf) = vpow2.f32 v39  }
0x175: {  	v59 =	vmul.f32 $1.442695020e+00, v46;
	v61 =	vadd.f32 v61, v50;
	v60 =	vpop (erf);
	(erf) = vpow2.f32 v32  }
0x176: {  	v33 =	vmov v63;
	v39 =	vmul.f32 $1.817999930e-01, v57;
	v49 =	vpop (erf);
	(erf) = vpow2.f32 v35  }
0x177: {  	s26 =	sadd.s32 $0x10, s26;
	v50 =	vadd.f32 v52, v51;
	v32 =	vmul.f32 $5.098999740e-01, v61;
	(erf) = vpow2.f32 v44;
	v51 =	vpop (erf)  }
0x178: {  	v34 =	vmul.f32 $1.442695020e+00, v34;
	v46 =	vld [tilespmem:s26+$0x0];
	v47 =	vadd.f32 v60, v56;
	(erf) = vpow2.f32 v41;
	v52 =	vpop (erf)  }
0x179: {  	v54 =	vmul.f32 $1.817999930e-01, v50;
	v35 =	vadd.f32 v32, v39;
	(erf) = vpow2.f32 v42;
	v53 =	vpop (erf)  }
0x17a: {  	s28 =	sadd.s32 $0x10, s28;
	p2 =	sne.s32 s30, $0x1;
	v44 =	vadd.f32 v51, v49;
	v56 =	vmul.f32 $5.098999740e-01, v47;
	v55 =	vpop (erf);
	(erf) = vpow2.f32 v59  }
.Ltmp7:
0x17b: {  	[tilespmem:$0x1FFF0] =	vst v4;
	v51 =	vld [tilespmem:s28+$0x0];
	v32 =	vmov v4;
	v4 =	vmov v63;
	v57 =	vpop (erf);
	(erf) = vpow2.f32 v34;
	(pc) =	sbr.rel @!p2 .LBB2_8-.Ltmp7, $4  }
0x17c: {  	s29 =	sadd.s32 $0x10, s29;
	v42 =	vadd.f32 v53, v52;
	v39 =	vadd.f32 v56, v54;
	v60 =	vpop (erf);
	(erf) = vpow2.f32 v40  }
0x17d: {  	v49 =	vld [tilespmem:s29+$0x0];
	v41 =	vmul.f32 $1.817999930e-01, v44;
	v53 =	vsub.f32 v27, v46;
	v59 =	vadd.f32 v57, v55;
	v61 =	vpop (erf)  }
0x17e: {  	v52 =	vsub.f32 v28, v46;
	v44 =	vmul.f32 v58, v29;
	v50 =	vadd.f32 v61, v60;
	v47 =	vpop (erf)  }
0x17f: {  	s30 =	sadd.s32 $0xFFFFFFFF, s30;
	p1 =	por $0x1, $0x1;
	v34 =	vmov v62;
	v42 =	vmul.f32 $5.098999740e-01, v42;
	v40 =	vmul.f32 $2.802000050e-01, v59;
	v45 =	vpop (erf)  }
.LBB2_9:
0x180: {  	p2 =	sne.s32 s30, $0x1;
	v29 =	vsub.f32 v24, v46;
	v30 =	vsub.f32 v25, v51;
	v50 =	vmul.f32 $2.802000050e-01, v50;
	v54 =	vpop (erf)  }
0x181: {  	v31 =	vsub.f32 v23, v51;
	v55 =	vsub.f32 v21, v51;
	v53 =	vmul.f32 v53, v53;
	v56 =	vpop (erf)  }
0x182: {  	v2 =	vsub.f32 v26, v49;
	v29 =	vmul.f32 v29, v29;
	v30 =	vmul.f32 v30, v30;
	v58 =	vpop (erf)  }
0x183: {  	v46 =	vsub.f32 v18, v46;
	v51 =	vsub.f32 v20, v51;
	v31 =	vmul.f32 v31, v31;
	v59 =	vpop (erf)  }
0x184: {  	v52 =	vmul.f32 v52, v52;
	v29 =	vadd.f32 v30, v29;
	v2 =	vmul.f32 v2, v2;
	v57 =	vpop (erf)  }
0x185: {  	v60 =	vsub.f32 v22, v49;
	v55 =	vmul.f32 v55, v55;
	v61 =	vmul.f32 v46, v46;
	v62 =	vpop (erf)  }
0x186: {  	v63 =	vsub.f32 v19, v49;
	v51 =	vmul.f32 v51, v51;
	v46 =	vadd.f32 v2, v29;
	v30 =	vmovc v36  }
0x187: {  	v49 =	vsub.f32 v17, v49;
	v36 =	vadd.f32 v31, v53;
	v53 =	vmul.f32 v60, v60;
	v31 =	vmovc v37  }
0x188: {  	v37 =	vadd.f32 v55, v52;
	v52 =	vshra.s32 v46, $0x1;
	v55 =	vmul.f32 $-5.000000000e-01, v46;
	v29 =	vmovc v38  }
0x189: {  	v51 =	vadd.f32 v51, v61;
	v60 =	vmul.f32 v63, v63;
	v52 =	vsub.s32 $0x5F3759DF, v52  }
0x18a: {  	v38 =	vadd.f32 v53, v36;
	v36 =	vmul.f32 v49, v49;
	v53 =	vmul.f32 v52, v55  }
0x18b: {  	v48 =	vnsel vm5, $0x0, v48;
	v49 =	vadd.f32 v60, v37;
	v37 =	vadd.f32 v45, v47  }
0x18c: {  	v45 =	vshra.s32 v38, $0x1;
	v47 =	vadd.f32 v36, v51;
	v36 =	vmul.f32 v52, v53  }
0x18d: {  	v51 =	vmul.f32 $-5.000000000e-01, v38;
	v60 =	vmul.f32 $-5.000000000e-01, v49;
	v53 =	vshra.s32 v49, $0x1  }
0x18e: {  	v61 =	vshra.s32 v47, $0x1;
	v63 =	vmul.f32 $-5.000000000e-01, v47;
	v36 =	vadd.f32 $1.500000000e+00, v36  }
0x18f: {  	v45 =	vsub.s32 $0x5F3759DF, v45;
	v53 =	vsub.s32 $0x5F3759DF, v53;
	v61 =	vsub.s32 $0x5F3759DF, v61  }
0x190: {  	v41 =	vadd.f32 v42, v41;
	v2 =	vmul.f32 v45, v51;
	v36 =	vmul.f32 v52, v36  }
0x191: {  	v54 =	vadd.f32 v56, v54;
	v42 =	vmul.f32 v53, v60;
	v52 =	vmul.f32 v61, v63  }
0x192: {  	v56 =	vadd.f32 v59, v58;
	v2 =	vmul.f32 v45, v2;
	v55 =	vmul.f32 v36, v55  }
0x193: {  	v57 =	vadd.f32 v62, v57;
	v42 =	vmul.f32 v53, v42;
	v52 =	vmul.f32 v61, v52  }
0x194: {  	v37 =	vmul.f32 $2.802000050e-01, v37;
	v2 =	vadd.f32 $1.500000000e+00, v2;
	v55 =	vmul.f32 v55, v36  }
0x195: {  	v54 =	vmul.f32 $2.817000080e-02, v54;
	v42 =	vadd.f32 $1.500000000e+00, v42;
	v52 =	vadd.f32 $1.500000000e+00, v52  }
0x196: {  	v40 =	vadd.f32 v35, v40;
	s24 =	sadd.s32 $0x10, s24;
	v2 =	vmul.f32 v45, v2;
	v45 =	vadd.f32 $1.500000000e+00, v55  }
0x197: {  	v39 =	vadd.f32 v39, v50;
	v42 =	vmul.f32 v53, v42;
	v52 =	vmul.f32 v61, v52;
	v55 =	vld [tilespmem:s24+$0x0]  }
0x198: {  	v41 =	vadd.f32 v41, v37;
	v50 =	vmul.f32 v2, v51;
	v35 =	vmul.f32 v45, v36  }
0x199: {  	v40 =	vadd.f32 v40, v54;
	v36 =	vmul.f32 v42, v60;
	v37 =	vmul.f32 v52, v63  }
0x19a: {  	vm6 =	vle.f32 v38, $2.800273700e+01;
	v45 =	vmul.f32 v50, v2;
	v50 =	vmul.f32 v35, v46  }
0x19b: {  	vm7 =	vle.f32 v49, $2.800273700e+01;
	v36 =	vmul.f32 v36, v42;
	v37 =	vmul.f32 v37, v52  }
0x19c: {  	v51 =	vadd.f32 $1.500000000e+00, v45;
	v53 =	vmul.f32 v50, v16;
	v50 =	vmul.f32 v50, v55  }
0x19d: {  	v54 =	vadd.f32 $1.500000000e+00, v36;
	v58 =	vadd.f32 $1.500000000e+00, v37;
	v36 =	vmul.f32 $2.817000080e-02, v56  }
0x19e: {  	vm8 =	vle.f32 v47, $2.800273700e+01;
	v37 =	vmul.f32 $-2.016000000e-01, v53;
	v56 =	vmul.f32 $-2.016000000e-01, v50  }
0x19f: {  	v59 =	vmul.f32 $-3.200000050e+00, v53;
	v60 =	vmul.f32 $-4.029000100e-01, v53;
	v45 =	vadd.f32 v39, v36  }
0x1a0: {  	v43 =	vnsel vm3, $0x0, v43;
	v36 =	vmul.f32 $-3.200000050e+00, v50;
	v39 =	vmul.f32 $-4.029000100e-01, v50  }
0x1a1: {  	v44 =	vnsel vm4, $0x0, v44;
	v53 =	vmul.f32 $-9.423000210e-01, v53;
	v59 =	vmul.f32 $1.442695020e+00, v59  }
0x1a2: {  	v32 =	vadd.f32 v48, v32;
	v50 =	vmul.f32 $-9.423000210e-01, v50;
	v36 =	vmul.f32 $1.442695020e+00, v36  }
0x1a3: {  	v33 =	vadd.f32 v43, v33;
	v48 =	vmul.f32 $1.442695020e+00, v53;
	(erf) = vpow2.f32 v59  }
0x1a4: {  	v34 =	vadd.f32 v44, v34;
	v43 =	vmul.f32 $1.442695020e+00, v50;
	(erf) = vpow2.f32 v36  }
0x1a5: {  	vm5 =	vmmov vm0;
	v36 =	vmul.f32 $1.442695020e+00, v60;
	(erf) = vpow2.f32 v48  }
0x1a6: {  	vm3 =	vmmov vm1;
	v39 =	vmul.f32 $1.442695020e+00, v39;
	(erf) = vpow2.f32 v43  }
0x1a7: {  	vm4 =	vmmov vm2;
	v37 =	vmul.f32 $1.442695020e+00, v37;
	(erf) = vpow2.f32 v36  }
0x1a8: {  	v43 =	vmul.f32 $1.442695020e+00, v56;
	(erf) = vpow2.f32 v39  }
0x1a9: {  	v36 =	vmul.f32 v51, v2;
	(erf) = vpow2.f32 v37  }
0x1aa: {  	v37 =	vmul.f32 v54, v42;
	(erf) = vpow2.f32 v43  }
0x1ab: {  	v2 =	vmul.f32 v36, v38;
	v38 =	vmul.f32 v58, v52  }
0x1ac: {  	v52 =	vmul.f32 $2.817000080e-02, v57;
	v39 =	vmul.f32 v37, v49;
	v42 =	vpop (erf)  }
0x1ad: {  	v48 =	vmul.f32 v2, v15;
	v47 =	vmul.f32 v38, v47;
	v49 =	vpop (erf)  }
0x1ae: {  	v2 =	vmul.f32 v2, v55;
	v44 =	vadd.f32 v41, v52;
	v50 =	vmul.f32 v39, v14;
	v51 =	vpop (erf)  }
0x1af: {  	v39 =	vmul.f32 v39, v55;
	v41 =	vmul.f32 v47, v13;
	v43 =	vpop (erf)  }
0x1b0: {  	v47 =	vmul.f32 v47, v55;
	v42 =	vadd.f32 v49, v42;
	v43 =	vadd.f32 v43, v51;
	v49 =	vpop (erf)  }
0x1b1: {  	v52 =	vmul.f32 $-3.200000050e+00, v2;
	v51 =	vmul.f32 $-3.200000050e+00, v48;
	v53 =	vpop (erf)  }
0x1b2: {  	v42 =	vmul.f32 $1.817999930e-01, v42;
	v49 =	vadd.f32 v53, v49;
	v43 =	vmul.f32 $5.098999740e-01, v43;
	v53 =	vpop (erf)  }
0x1b3: {  	v54 =	vmul.f32 $-9.423000210e-01, v48;
	v55 =	vmul.f32 $-9.423000210e-01, v2;
	v56 =	vpop (erf)  }
0x1b4: {  	v53 =	vadd.f32 v56, v53;
	v42 =	vadd.f32 v43, v42;
	v43 =	vmul.f32 $2.802000050e-01, v49  }
0x1b5: {  	v49 =	vmul.f32 $-3.200000050e+00, v50;
	v56 =	vmul.f32 $-3.200000050e+00, v39  }
0x1b6: {  	v57 =	vmul.f32 $-9.423000210e-01, v50;
	v42 =	vadd.f32 v42, v43;
	v43 =	vmul.f32 $2.817000080e-02, v53  }
0x1b7: {  	s25 =	sadd.s32 $0x10, s25;
	v58 =	vmul.f32 $-3.200000050e+00, v41;
	v53 =	vmul.f32 $-9.423000210e-01, v39  }
0x1b8: {  	v59 =	vor.u32 s25, v0;
	v60 =	vmul.f32 $-3.200000050e+00, v47;
	v42 =	vadd.f32 v42, v43  }
0x1b9: {  	vm0 =	vgt.s32 v59, v11;
	vm1 =	vlt.s32 v59, v12;
	v43 =	vmul.f32 $-9.423000210e-01, v41  }
0x1ba: {  	vm0 =	vmand vm0, vm1;
	vm1 =	vle.f32 v46, $2.800273700e+01;
	v35 =	vmul.f32 v42, v35  }
0x1bb: {  	vm0 =	vmand vm0, vm1;
	v46 =	vmul.f32 $-9.423000210e-01, v47;
	v42 =	vmul.f32 $1.442695020e+00, v51  }
0x1bc: {  	v51 =	vmul.f32 $1.442695020e+00, v52;
	v52 =	vmul.f32 $1.442695020e+00, v54;
	v35 =	vnsel vm0, $0x0, v35  }
0x1bd: {  	v49 =	vmul.f32 $1.442695020e+00, v49;
	v54 =	vmul.f32 $1.442695020e+00, v55;
	v1 =	vadd.f32 v35, v1  }
0x1be: {  	v55 =	vmul.f32 $1.442695020e+00, v57;
	vm0 =	vgt.s32 v59, v10;
	v35 =	vmul.f32 $1.442695020e+00, v56  }
0x1bf: {  	vm1 =	vlt.s32 v59, v9;
	v53 =	vmul.f32 $1.442695020e+00, v53;
	v56 =	vmul.f32 $1.442695020e+00, v58  }
0x1c0: {  	vm2 =	vgt.s32 v59, v8;
	v57 =	vmul.f32 $1.442695020e+00, v60;
	v43 =	vmul.f32 $1.442695020e+00, v43  }
0x1c1: {  	vm9 =	vlt.s32 v59, v6;
	v46 =	vmul.f32 $1.442695020e+00, v46;
	v58 =	vmul.f32 $-4.029000100e-01, v48  }
0x1c2: {  	vm10 =	vgt.s32 v59, v7;
	v61 =	vmul.f32 $-4.029000100e-01, v50;
	v60 =	vmul.f32 $-4.029000100e-01, v2  }
0x1c3: {  	vm11 =	vlt.s32 v59, v5;
	v62 =	vmul.f32 $-4.029000100e-01, v39;
	v59 =	vmul.f32 $-4.029000100e-01, v41  }
0x1c4: {  	v63 =	vmul.f32 $-4.029000100e-01, v47;
	vm0 =	vmand vm0, vm1;
	(erf) = vpow2.f32 v42  }
0x1c5: {  	vm1 =	vmand vm2, vm9;
	v42 =	vmul.f32 $1.442695020e+00, v58;
	(erf) = vpow2.f32 v51  }
0x1c6: {  	vm2 =	vmand vm10, vm11;
	v51 =	vmul.f32 $1.442695020e+00, v60;
	(erf) = vpow2.f32 v52  }
0x1c7: {  	vm0 =	vmand vm0, vm6;
	v52 =	vmul.f32 $1.442695020e+00, v61;
	(erf) = vpow2.f32 v54  }
0x1c8: {  	vm1 =	vmand vm1, vm7;
	v54 =	vmul.f32 $1.442695020e+00, v62;
	(erf) = vpow2.f32 v49  }
0x1c9: {  	vm2 =	vmand vm2, vm8;
	v49 =	vmul.f32 $1.442695020e+00, v59;
	(erf) = vpow2.f32 v35  }
0x1ca: {  	v35 =	vmul.f32 $1.442695020e+00, v63;
	(erf) = vpow2.f32 v55  }
0x1cb: {  	v48 =	vmul.f32 $-2.016000000e-01, v48;
	(erf) = vpow2.f32 v53  }
0x1cc: {  	v2 =	vmul.f32 $-2.016000000e-01, v2;
	(erf) = vpow2.f32 v56  }
0x1cd: {  	v50 =	vmul.f32 $-2.016000000e-01, v50;
	v53 =	vpop (erf);
	(erf) = vpow2.f32 v57  }
0x1ce: {  	v39 =	vmul.f32 $-2.016000000e-01, v39;
	v55 =	vpop (erf);
	(erf) = vpow2.f32 v43  }
0x1cf: {  	v41 =	vmul.f32 $-2.016000000e-01, v41;
	v43 =	vadd.f32 v55, v53;
	v53 =	vpop (erf);
	(erf) = vpow2.f32 v46  }
0x1d0: {  	v46 =	vmul.f32 $-2.016000000e-01, v47;
	v47 =	vpop (erf);
	(erf) = vpow2.f32 v42  }
0x1d1: {  	v42 =	vadd.f32 v47, v53;
	v47 =	vmul.f32 $1.442695020e+00, v48;
	(erf) = vpow2.f32 v51;
	v48 =	vpop (erf)  }
0x1d2: {  	v2 =	vmul.f32 $1.442695020e+00, v2;
	v51 =	vpop (erf);
	(erf) = vpow2.f32 v52  }
0x1d3: {  	v50 =	vmul.f32 $1.442695020e+00, v50;
	v48 =	vadd.f32 v51, v48;
	v51 =	vpop (erf);
	(erf) = vpow2.f32 v54  }
0x1d4: {  	v39 =	vmul.f32 $1.442695020e+00, v39;
	v52 =	vpop (erf);
	(erf) = vpow2.f32 v49  }
0x1d5: {  	v41 =	vmul.f32 $1.442695020e+00, v41;
	v49 =	vadd.f32 v52, v51;
	v51 =	vpop (erf);
	(erf) = vpow2.f32 v35  }
0x1d6: {  	v52 =	vmul.f32 $1.442695020e+00, v46;
	(erf) = vpow2.f32 v47;
	v35 =	vpop (erf)  }
0x1d7: {  	v53 =	vmul.f32 $1.817999930e-01, v43;
	v47 =	vadd.f32 v35, v51;
	(erf) = vpow2.f32 v2;
	v2 =	vpop (erf)  }
0x1d8: {  	s26 =	sadd.s32 $0x10, s26;
	v35 =	vmul.f32 $5.098999740e-01, v42;
	(erf) = vpow2.f32 v50;
	v42 =	vpop (erf)  }
0x1d9: {  	s28 =	sadd.s32 $0x10, s28;
	v48 =	vmul.f32 $1.817999930e-01, v48;
	v46 =	vld [tilespmem:s26+$0x0];
	v50 =	vadd.f32 v42, v2;
	v42 =	vpop (erf);
	(erf) = vpow2.f32 v39  }
.Ltmp8:
0x1da: {  	v35 =	vadd.f32 v35, v53;
	v39 =	vmul.f32 $5.098999740e-01, v49;
	v51 =	vld [tilespmem:s28+$0x0];
	v43 =	vpop (erf);
	(erf) = vpow2.f32 v41;
	(pc) =	sbr.rel @p2 .LBB2_9-.Ltmp8, $4  }
0x1db: {  	s29 =	sadd.s32 $0x10, s29;
	v41 =	vmul.f32 $1.817999930e-01, v47;
	v43 =	vadd.f32 v43, v42;
	v47 =	vpop (erf);
	(erf) = vpow2.f32 v52  }
0x1dc: {  	v39 =	vadd.f32 v39, v48;
	v42 =	vmul.f32 $5.098999740e-01, v50;
	v48 =	vmul.f32 v40, v30;
	v49 =	vld [tilespmem:s29+$0x0];
	v2 =	vpop (erf)  }
0x1dd: {  	v40 =	vmul.f32 $2.802000050e-01, v43;
	v50 =	vadd.f32 v2, v47;
	v47 =	vpop (erf);
	v43 =	vmul.f32 v45, v31  }
0x1de: {  	s30 =	sadd.s32 $0xFFFFFFFF, s30;
	v44 =	vmul.f32 v44, v29;
	v53 =	vsub.f32 v27, v46;
	v52 =	vsub.f32 v28, v46;
	v45 =	vpop (erf)  }
.Ltmp9:
0x1df: {  	(pc) =	sbr.rel .LBB2_11-.Ltmp9, $2  }
0x1e0: {  	_ =	sdelay $0x2  }
0x1e1: {  	v31 =	vmovc v36;
	v30 =	vmovc v37;
	v29 =	vmov v38;
	v62 =	vmov v3;
	v63 =	vmov v4;
	v4 =	vld [tilespmem:$0x1FFF0]  }
.LBB2_6:
.Ltmp10:
0x1e2: {  	(pc) =	sbr.rel .LBB2_11-.Ltmp10, $2  }
0x1e3: {  	_ =	sdelay $0x2  }
0x1e4: {  	s24 =	smov.u32 s23;
	v32 =	vmov v4;
	v33 =	vmov v63;
	v34 =	vmov v62;
	s25 =	smov.u32 s22  }
.LBB2_8:
0x1e5: {  	v2 =	vld [tilespmem:$0x1FFF0]  }
.Ltmp11:
0x1e6: {  	_ = 	snop;
	(pc) =	sbr.rel .LBB2_11-.Ltmp11, $3  }
0x1e7: {  	_ =	sdelay $0x1  }
0x1e8: {  	v31 =	vmovc v36;
	v30 =	vmov v37;
	v29 =	vmov v38;
	v63 =	vmov v4  }
0x1e9: {  	v62 =	vmovc v3;
	v34 =	vmovc v3;
	v33 =	vmov v63;
	v32 =	vmov v2;
	v4 =	vmov v2  }
.LBB2_14:
0x1ea: {  	_ =	sfence.sel $0x180000  }
0x1eb: {  	[bflag:$0x0] =	sbarrier.arrive $0xFFFF  }
0x1ec: {  	p0 =	sne.s32 s2, $0x0;
	_ =	strace $0x90000047  }
0x1ed: {  	s0 =	sadd.s32 @!p0 $0x100000, s0;
	[bflag:$0x2] =	sbarrier.arrive $0xFFFF  }
0x1ee: {  	[sflag:s0] =	ssyncadd.tile.s32 @!p0 $0x1;
	_ =	shalt  }
.Lfunc_end2:
_tile_overlayer_lowered:
.L_overlay_start_2:
0x1ef: {  	(tag) =	ssettag $0x2  }
0x1f0: {  	s0 =	rddreg [dreg:$0x0];
	s2 =	stileid.u32  }
0x1f1: {  	s1 =	rddreg [dreg:$0x1];
	p0 =	sne.s32 s2, $0x0  }
0x1f2: {  	s3 =	rddreg [dreg:$0x2];
	[bflag:$0x3] =	sbarrier.arrive $0xFFFF;
	s2 =	simm.s32 @!p0 $0x1C01  }
0x1f3: {  	[timem:s3], [sflag:s2] =	dma.local @!p0 [hbm:s0], s1  }
0x1f4: {  	s0 =	simm.s32 @!p0 $0x1  }
0x1f5: {  	_ =	swait.ge @!p0 [sflag:s0], s1  }
0x1f6: {  	s1 =	ssub.s32 @!p0 $0x0, s1;
	[sflag:s0] =	ssyncset.done @!p0 $0x0  }
0x1f7: {  	[sflag:s0] =	ssyncadd.s32 @!p0 s1  }
0x1f8: {  	[bflag:$0x3] =	sbarrier.arrive $0xFFFF  }
0x1f9: {  	_ =	shalt  }

</sc_bundles>
